<compile_context>
chip_gen: v7x
topology: tpu7x:2x2x1
jax: 0.10.2.dev20260603
libtpu: 0.0.44.dev20260713+nightly
codegen_flags: <defaults>
</compile_context>

<pallas_src>
import jax
import jax.numpy as jnp
from jax import lax
from jax.experimental import pallas as pl
from jax.experimental.pallas import tpu as pltpu
from jax.experimental.pallas import tpu_sc as plsc

NC = 2
NS = 16
NW = NC * NS
L = 16

VOCAB = 100000
D = 64
SEQ = 200
BATCH = 4096

D_PER_W = D // NW
GROUPS = BATCH // L
G_IN = 8


def _splat(val):
    return jax.lax.broadcast_in_dim(val, (L,), ())


def _body(xt, wt, post, out, row_v, posr_v, ib0, ib1, ob0, ob1, ob2, ob3,
          si0, si1, so0, so1, so2, so3):
    w = lax.axis_index("s") * NC + lax.axis_index("c")
    ibufs, sis = (ib0, ib1), (si0, si1)
    obufs, sos = (ob0, ob1, ob2, ob3), (so0, so1, so2, so3)

    def out_slice(s, dt, di):
        return out.at[s, dt, pl.ds(0, 32), pl.ds(di, 1), pl.ds(0, 128)]

    def phase(dn, _):
        d = w * D_PER_W + dn
        dt = d // 8
        di = d % 8
        pltpu.sync_copy(wt.at[d], row_v)
        pltpu.sync_copy(post.at[d], posr_v)
        pltpu.async_copy(xt.at[0], ib0, si0)

        def sbody(k, _):
            for q in range(4):
                s = 4 * k + q
                p = q % 2
                ibuf, obuf = ibufs[p], obufs[q]
                pltpu.make_async_copy(xt.at[s], ibuf, sis[p]).wait()
                @pl.when(s + 1 < SEQ)
                def _():
                    pltpu.async_copy(xt.at[s + 1], ibufs[1 - p], sis[1 - p])

                @pl.when(k > 0)
                def _():
                    pltpu.make_async_copy(
                        obuf, out_slice(s, dt, di), sos[q]
                    ).wait()

                qp = (q - 1) % 4

                def _ship():
                    pltpu.async_copy(
                        obufs[qp], out_slice(s - 1, dt, di), sos[qp]
                    )

                if q == 0:
                    pl.when(k > 0)(_ship)
                else:
                    _ship()

                pv = plsc.load_gather(posr_v, [_splat(s)])

                @plsc.parallel_loop(0, GROUPS // G_IN, 1, unroll=8)
                def _(go):
                    base = go * (G_IN * L)
                    for gi in range(G_IN):
                        iv = ibuf[pl.ds(base + gi * L, L)]
                        gv = plsc.load_gather(row_v, [iv])
                        obuf[go, 0, pl.ds(gi * L, L)] = gv + pv

            return ()

        lax.fori_loop(0, SEQ // 4, sbody, ())
        for q in range(3):
            pltpu.make_async_copy(
                obufs[q], out_slice(0, 0, 0), sos[q]
            ).wait()
        pltpu.async_copy(obufs[3], out_slice(SEQ - 1, dt, di), sos[3])
        pltpu.make_async_copy(obufs[3], out_slice(0, 0, 0), sos[3]).wait()
        return ()

    lax.fori_loop(0, D_PER_W, phase, ())


@jax.jit
def kernel(x, word_table, pos_table):
    xt = x.T
    wt = word_table.T
    post = pos_table.T
    mesh = plsc.VectorSubcoreMesh(core_axis_name="c", subcore_axis_name="s")
    out5 = pl.kernel(
        _body,
        out_type=jax.ShapeDtypeStruct((SEQ, 8, 32, 8, 128), jnp.float32),
        mesh=mesh,
        compiler_params=pltpu.CompilerParams(
            use_tc_tiling_on_sc=False, needs_layout_passes=False
        ),
        scratch_types=[
            pltpu.VMEM((VOCAB,), jnp.float32),
            pltpu.VMEM((SEQ,), jnp.float32),
            pltpu.VMEM((BATCH,), jnp.int32),
            pltpu.VMEM((BATCH,), jnp.int32),
            pltpu.VMEM((32, 1, 128), jnp.float32),
            pltpu.VMEM((32, 1, 128), jnp.float32),
            pltpu.VMEM((32, 1, 128), jnp.float32),
            pltpu.VMEM((32, 1, 128), jnp.float32),
            pltpu.SemaphoreType.DMA,
            pltpu.SemaphoreType.DMA,
            pltpu.SemaphoreType.DMA,
            pltpu.SemaphoreType.DMA,
            pltpu.SemaphoreType.DMA,
            pltpu.SemaphoreType.DMA,
        ],
    )(xt, wt, post)
    return out5.transpose(2, 4, 0, 1, 3).reshape(BATCH, SEQ, D)

# --- scband reference (transcript-rebuilt; emitter-appended) ---
"""Pipeline reference for scband-token-and-position-embedding-87393994539164 (READ-ONLY COPY).

The authoritative reference and input builder live on the scoring server;
editing this copy changes nothing except your own understanding.
"""

import jax, jax.numpy as jnp
import numpy as np

VOCAB_SIZE = 100000
EMBED_DIMS = 64
MAX_LENGTH = 200
BATCH = 4096
SEQ_LEN = 200


def setup_inputs(seed: int = 0) -> dict:
    key = jax.random.key(seed)
    k1, k2, k3 = jax.random.split(key, 3)
    x = jax.random.randint(k1, (BATCH, SEQ_LEN), 0, VOCAB_SIZE, dtype=jnp.int64 if jax.config.jax_enable_x64 else jnp.int32)
    word_table = jax.random.normal(k2, (VOCAB_SIZE, EMBED_DIMS), dtype=jnp.float32)
    pos_table = jax.random.normal(k3, (MAX_LENGTH, EMBED_DIMS), dtype=jnp.float32)
    return {"x": x, "word_table": word_table, "pos_table": pos_table}


def reference(x, word_table, pos_table):
    N, seq_len = x.shape
    positions = jnp.arange(0, seq_len)
    # word embedding lookup (gather)
    output1 = jnp.take(word_table, x, axis=0)            # [N, seq_len, embed_dims]
    # position embedding lookup, broadcast over batch
    output2 = jnp.take(pos_table, positions, axis=0)      # [seq_len, embed_dims]
    output2 = jnp.broadcast_to(output2[None, :, :], (N, seq_len, output2.shape[-1]))
    output = output1 + output2
    return output

if __name__ == "__main__":
    import jax
    _d = setup_inputs()
    print(jax.jit(kernel)(*tuple(_d.values())))

</pallas_src>

<mosaic_0001>
#map = affine_map<(d0, d1) -> (0, 0)>
#map1 = affine_map<(d0, d1) -> (0, 0, 0, 0, 0)>
module attributes {stable_mosaic.version = 14 : i64} {
  func.func @_body(%arg0: i32, %arg1: i32, %arg2: memref<200x4096xi32, #tpu.memory_space<hbm>>, %arg3: memref<64x100000xf32, #tpu.memory_space<hbm>>, %arg4: memref<64x200xf32, #tpu.memory_space<hbm>>, %arg5: memref<200x8x32x8x128xf32, #tpu.memory_space<hbm>>, %arg6: memref<100000xf32, #tpu.memory_space<vmem>>, %arg7: memref<200xf32, #tpu.memory_space<vmem>>, %arg8: memref<4096xi32, #tpu.memory_space<vmem>>, %arg9: memref<4096xi32, #tpu.memory_space<vmem>>, %arg10: memref<32x1x128xf32, #tpu.memory_space<vmem>>, %arg11: memref<32x1x128xf32, #tpu.memory_space<vmem>>, %arg12: memref<32x1x128xf32, #tpu.memory_space<vmem>>, %arg13: memref<32x1x128xf32, #tpu.memory_space<vmem>>, %arg14: memref<!tpu.dma_semaphore, #tpu.memory_space<semaphore_mem>>, %arg15: memref<!tpu.dma_semaphore, #tpu.memory_space<semaphore_mem>>, %arg16: memref<!tpu.dma_semaphore, #tpu.memory_space<semaphore_mem>>, %arg17: memref<!tpu.dma_semaphore, #tpu.memory_space<semaphore_mem>>, %arg18: memref<!tpu.dma_semaphore, #tpu.memory_space<semaphore_mem>>, %arg19: memref<!tpu.dma_semaphore, #tpu.memory_space<semaphore_mem>>) attributes {dimension_semantics = [#tpu.dimension_semantics<core_parallel>, #tpu.dimension_semantics<subcore_parallel>], iteration_bounds = array<i64: 2, 16>, scalar_prefetch = 0 : i64, scratch_operands = 14 : i64, tpu.core_type = #tpu.core_type<sc_vector_subcore>, window_params = [{transform_indices = #map}, {transform_indices = #map}, {transform_indices = #map}, {transform_indices = #map1}]} {
    %mul3A = arith.constant 2 : i32
    %mul3A_0 = arith.muli %arg1, %mul3A : i32
    %add3A = arith.addi %mul3A_0, %arg0 : i32
    %scan3A = arith.constant 0 : i32
    %scan3A_1 = arith.constant 2 : i32
    %scan3A_2 = arith.addi %scan3A, %scan3A_1 : i32
    %scan3A_3 = arith.constant 1 : i32
    scf.for %scan3A_5 = %scan3A to %scan3A_2 step %scan3A_3  : i32 {
      %mul3A_6 = arith.constant 2 : i32
      %mul3A_7 = arith.muli %add3A, %mul3A_6 : i32
      %add3A_8 = arith.addi %mul3A_7, %scan3A_5 : i32
      %jit3A = arith.constant 8 : i32
      %div3A = arith.divsi %add3A_8, %jit3A : i32
      %sign3A = arith.constant 0 : i32
      %sign3A_9 = arith.cmpi sgt, %add3A_8, %sign3A : i32
      %sign3A_10 = arith.extui %sign3A_9 : i1 to i32
      %sign3A_11 = arith.constant 0 : i32
      %sign3A_12 = arith.cmpi slt, %add3A_8, %sign3A_11 : i32
      %sign3A_13 = arith.extui %sign3A_12 : i1 to i32
      %sign3A_14 = arith.subi %sign3A_10, %sign3A_13 : i32
      %sign3A_15 = arith.constant 0 : i32
      %sign3A_16 = arith.cmpi sgt, %jit3A, %sign3A_15 : i32
      %sign3A_17 = arith.extui %sign3A_16 : i1 to i32
      %sign3A_18 = arith.constant 0 : i32
      %sign3A_19 = arith.cmpi slt, %jit3A, %sign3A_18 : i32
      %sign3A_20 = arith.extui %sign3A_19 : i1 to i32
      %sign3A_21 = arith.subi %sign3A_17, %sign3A_20 : i32
      %ne3A = arith.cmpi ne, %sign3A_14, %sign3A_21 : i32
      %rem3A = arith.remsi %add3A_8, %jit3A : i32
      %ne3A_22 = arith.constant 0 : i32
      %ne3A_23 = arith.cmpi ne, %rem3A, %ne3A_22 : i32
      %and3A = arith.andi %ne3A, %ne3A_23 : i1
      %sub3A = arith.constant 1 : i32
      %sub3A_24 = arith.subi %div3A, %sub3A : i32
      %select_n3A = arith.select %and3A, %sub3A_24, %div3A : i32
      %jit3A_25 = arith.constant 8 : i32
      %eq3A = arith.constant 0 : i32
      %eq3A_26 = arith.cmpi eq, %jit3A_25, %eq3A : i32
      %jit3A_27 = arith.constant 1 : i32
      %select_n3A_28 = arith.select %eq3A_26, %jit3A_27, %jit3A_25 : i32
      %rem3A_29 = arith.remsi %add3A_8, %select_n3A_28 : i32
      %ne3A_30 = arith.constant 0 : i32
      %ne3A_31 = arith.cmpi ne, %rem3A_29, %ne3A_30 : i32
      %lt3A = arith.constant 0 : i32
      %lt3A_32 = arith.cmpi slt, %rem3A_29, %lt3A : i32
      %lt3A_33 = arith.constant 0 : i32
      %lt3A_34 = arith.cmpi slt, %select_n3A_28, %lt3A_33 : i32
      %ne3A_35 = arith.xori %lt3A_32, %lt3A_34 : i1
      %and3A_36 = arith.andi %ne3A_35, %ne3A_31 : i1
      %add3A_37 = arith.addi %rem3A_29, %select_n3A_28 : i32
      %select_n3A_38 = arith.select %and3A_36, %add3A_37, %rem3A_29 : i32
      "tpu.region"() ({
        %run_scoped3A = tpu.sem_alloc : memref<!tpu.dma_semaphore, #tpu.memory_space<semaphore_mem>>
        %dma_start3A_106 = arith.constant 0 : i32
        %dma_start3A_107 = tpu.memref_slice %arg3[%add3A_8, %dma_start3A_106] : memref<64x100000xf32, #tpu.memory_space<hbm>> -> memref<1x100000xf32, #tpu.memory_space<hbm>>
        %dma_start3A_108 = tpu.memref_squeeze %dma_start3A_107 : memref<1x100000xf32, #tpu.memory_space<hbm>> -> memref<100000xf32, #tpu.memory_space<hbm>>
        %dma_start3A_109 = arith.constant 0 : i32
        %dma_start3A_110 = tpu.memref_slice %arg3[%add3A_8, %dma_start3A_109] : memref<64x100000xf32, #tpu.memory_space<hbm>> -> memref<1x100000xf32, #tpu.memory_space<hbm>>
        %dma_start3A_111 = tpu.memref_squeeze %dma_start3A_110 : memref<1x100000xf32, #tpu.memory_space<hbm>> -> memref<100000xf32, #tpu.memory_space<hbm>>
        tpu.enqueue_dma source(%dma_start3A_111 : memref<100000xf32, #tpu.memory_space<hbm>>) target(%arg6 : memref<100000xf32, #tpu.memory_space<vmem>>) target_semaphore(%run_scoped3A : memref<!tpu.dma_semaphore, #tpu.memory_space<semaphore_mem>>)
        %dma_wait3A_112 = arith.constant 0 : i32
        %dma_wait3A_113 = tpu.memref_slice %arg3[%add3A_8, %dma_wait3A_112] : memref<64x100000xf32, #tpu.memory_space<hbm>> -> memref<1x100000xf32, #tpu.memory_space<hbm>>
        %dma_wait3A_114 = tpu.memref_squeeze %dma_wait3A_113 : memref<1x100000xf32, #tpu.memory_space<hbm>> -> memref<100000xf32, #tpu.memory_space<hbm>>
        %dma_wait3A_115 = arith.constant 0 : i32
        %dma_wait3A_116 = tpu.memref_slice %arg3[%add3A_8, %dma_wait3A_115] : memref<64x100000xf32, #tpu.memory_space<hbm>> -> memref<1x100000xf32, #tpu.memory_space<hbm>>
        %dma_wait3A_117 = tpu.memref_squeeze %dma_wait3A_116 : memref<1x100000xf32, #tpu.memory_space<hbm>> -> memref<100000xf32, #tpu.memory_space<hbm>>
        tpu.wait_dma2 semaphore(%run_scoped3A : memref<!tpu.dma_semaphore, #tpu.memory_space<semaphore_mem>>) src(%dma_wait3A_117 : memref<100000xf32, #tpu.memory_space<hbm>>) dst(%arg6 : memref<100000xf32, #tpu.memory_space<vmem>>)
        tpu.yield
      }) : () -> ()
      "tpu.region"() ({
        %run_scoped3A = tpu.sem_alloc : memref<!tpu.dma_semaphore, #tpu.memory_space<semaphore_mem>>
        %dma_start3A_106 = arith.constant 0 : i32
        %dma_start3A_107 = tpu.memref_slice %arg4[%add3A_8, %dma_start3A_106] : memref<64x200xf32, #tpu.memory_space<hbm>> -> memref<1x200xf32, #tpu.memory_space<hbm>>
        %dma_start3A_108 = tpu.memref_squeeze %dma_start3A_107 : memref<1x200xf32, #tpu.memory_space<hbm>> -> memref<200xf32, #tpu.memory_space<hbm>>
        %dma_start3A_109 = arith.constant 0 : i32
        %dma_start3A_110 = tpu.memref_slice %arg4[%add3A_8, %dma_start3A_109] : memref<64x200xf32, #tpu.memory_space<hbm>> -> memref<1x200xf32, #tpu.memory_space<hbm>>
        %dma_start3A_111 = tpu.memref_squeeze %dma_start3A_110 : memref<1x200xf32, #tpu.memory_space<hbm>> -> memref<200xf32, #tpu.memory_space<hbm>>
        tpu.enqueue_dma source(%dma_start3A_111 : memref<200xf32, #tpu.memory_space<hbm>>) target(%arg7 : memref<200xf32, #tpu.memory_space<vmem>>) target_semaphore(%run_scoped3A : memref<!tpu.dma_semaphore, #tpu.memory_space<semaphore_mem>>)
        %dma_wait3A_112 = arith.constant 0 : i32
        %dma_wait3A_113 = tpu.memref_slice %arg4[%add3A_8, %dma_wait3A_112] : memref<64x200xf32, #tpu.memory_space<hbm>> -> memref<1x200xf32, #tpu.memory_space<hbm>>
        %dma_wait3A_114 = tpu.memref_squeeze %dma_wait3A_113 : memref<1x200xf32, #tpu.memory_space<hbm>> -> memref<200xf32, #tpu.memory_space<hbm>>
        %dma_wait3A_115 = arith.constant 0 : i32
        %dma_wait3A_116 = tpu.memref_slice %arg4[%add3A_8, %dma_wait3A_115] : memref<64x200xf32, #tpu.memory_space<hbm>> -> memref<1x200xf32, #tpu.memory_space<hbm>>
        %dma_wait3A_117 = tpu.memref_squeeze %dma_wait3A_116 : memref<1x200xf32, #tpu.memory_space<hbm>> -> memref<200xf32, #tpu.memory_space<hbm>>
        tpu.wait_dma2 semaphore(%run_scoped3A : memref<!tpu.dma_semaphore, #tpu.memory_space<semaphore_mem>>) src(%dma_wait3A_117 : memref<200xf32, #tpu.memory_space<hbm>>) dst(%arg7 : memref<200xf32, #tpu.memory_space<vmem>>)
        tpu.yield
      }) : () -> ()
      %dma_start3A = arith.constant 0 : i32
      %dma_start3A_39 = arith.constant 0 : i32
      %dma_start3A_40 = tpu.memref_slice %arg2[%dma_start3A, %dma_start3A_39] : memref<200x4096xi32, #tpu.memory_space<hbm>> -> memref<1x4096xi32, #tpu.memory_space<hbm>>
      %dma_start3A_41 = tpu.memref_squeeze %dma_start3A_40 : memref<1x4096xi32, #tpu.memory_space<hbm>> -> memref<4096xi32, #tpu.memory_space<hbm>>
      %dma_start3A_42 = arith.constant 0 : i32
      %dma_start3A_43 = tpu.memref_slice %arg2[%dma_start3A, %dma_start3A_42] : memref<200x4096xi32, #tpu.memory_space<hbm>> -> memref<1x4096xi32, #tpu.memory_space<hbm>>
      %dma_start3A_44 = tpu.memref_squeeze %dma_start3A_43 : memref<1x4096xi32, #tpu.memory_space<hbm>> -> memref<4096xi32, #tpu.memory_space<hbm>>
      tpu.enqueue_dma source(%dma_start3A_44 : memref<4096xi32, #tpu.memory_space<hbm>>) target(%arg8 : memref<4096xi32, #tpu.memory_space<vmem>>) target_semaphore(%arg14 : memref<!tpu.dma_semaphore, #tpu.memory_space<semaphore_mem>>)
      %scan3A_45 = arith.constant 0 : i32
      %scan3A_46 = arith.constant 50 : i32
      %scan3A_47 = arith.addi %scan3A_45, %scan3A_46 : i32
      %scan3A_48 = arith.constant 1 : i32
      scf.for %scan3A_106 = %scan3A_45 to %scan3A_47 step %scan3A_48  : i32 {
        %mul3A_107 = arith.constant 4 : i32
        %mul3A_108 = arith.muli %mul3A_107, %scan3A_106 : i32
        %add3A_109 = arith.constant 0 : i32
        %add3A_110 = arith.addi %mul3A_108, %add3A_109 : i32
        %dma_wait3A_111 = arith.constant 0 : i32
        %dma_wait3A_112 = tpu.memref_slice %arg2[%add3A_110, %dma_wait3A_111] : memref<200x4096xi32, #tpu.memory_space<hbm>> -> memref<1x4096xi32, #tpu.memory_space<hbm>>
        %dma_wait3A_113 = tpu.memref_squeeze %dma_wait3A_112 : memref<1x4096xi32, #tpu.memory_space<hbm>> -> memref<4096xi32, #tpu.memory_space<hbm>>
        %dma_wait3A_114 = arith.constant 0 : i32
        %dma_wait3A_115 = tpu.memref_slice %arg2[%add3A_110, %dma_wait3A_114] : memref<200x4096xi32, #tpu.memory_space<hbm>> -> memref<1x4096xi32, #tpu.memory_space<hbm>>
        %dma_wait3A_116 = tpu.memref_squeeze %dma_wait3A_115 : memref<1x4096xi32, #tpu.memory_space<hbm>> -> memref<4096xi32, #tpu.memory_space<hbm>>
        tpu.wait_dma2 semaphore(%arg14 : memref<!tpu.dma_semaphore, #tpu.memory_space<semaphore_mem>>) src(%dma_wait3A_116 : memref<4096xi32, #tpu.memory_space<hbm>>) dst(%arg8 : memref<4096xi32, #tpu.memory_space<vmem>>)
        %add3A_117 = arith.constant 1 : i32
        %add3A_118 = arith.addi %add3A_110, %add3A_117 : i32
        %lt3A_119 = arith.constant 200 : i32
        %lt3A_120 = arith.cmpi slt, %add3A_118, %lt3A_119 : i32
        %convert_element_type3A = arith.extui %lt3A_120 : i1 to i32
        %cond3A = arith.constant 0 : i32
        %cond3A_121 = arith.cmpi ne, %convert_element_type3A, %cond3A : i32
        scf.if %cond3A_121 {
          %add3A_244 = arith.constant 1 : i32
          %add3A_245 = arith.addi %add3A_110, %add3A_244 : i32
          %dma_start3A_246 = arith.constant 0 : i32
          %dma_start3A_247 = tpu.memref_slice %arg2[%add3A_245, %dma_start3A_246] : memref<200x4096xi32, #tpu.memory_space<hbm>> -> memref<1x4096xi32, #tpu.memory_space<hbm>>
          %dma_start3A_248 = tpu.memref_squeeze %dma_start3A_247 : memref<1x4096xi32, #tpu.memory_space<hbm>> -> memref<4096xi32, #tpu.memory_space<hbm>>
          %dma_start3A_249 = arith.constant 0 : i32
          %dma_start3A_250 = tpu.memref_slice %arg2[%add3A_245, %dma_start3A_249] : memref<200x4096xi32, #tpu.memory_space<hbm>> -> memref<1x4096xi32, #tpu.memory_space<hbm>>
          %dma_start3A_251 = tpu.memref_squeeze %dma_start3A_250 : memref<1x4096xi32, #tpu.memory_space<hbm>> -> memref<4096xi32, #tpu.memory_space<hbm>>
          tpu.enqueue_dma source(%dma_start3A_251 : memref<4096xi32, #tpu.memory_space<hbm>>) target(%arg9 : memref<4096xi32, #tpu.memory_space<vmem>>) target_semaphore(%arg15 : memref<!tpu.dma_semaphore, #tpu.memory_space<semaphore_mem>>)
        } else {
        }
        %gt3A = arith.constant 0 : i32
        %gt3A_122 = arith.cmpi sgt, %scan3A_106, %gt3A : i32
        %convert_element_type3A_123 = arith.extui %gt3A_122 : i1 to i32
        %cond3A_124 = arith.constant 0 : i32
        %cond3A_125 = arith.cmpi ne, %convert_element_type3A_123, %cond3A_124 : i32
        scf.if %cond3A_125 {
          %dma_wait3A_244 = arith.constant 0 : i32
          %dma_wait3A_245 = arith.constant 0 : i32
          %dma_wait3A_246 = tpu.memref_slice %arg5[%add3A_110, %select_n3A, %dma_wait3A_244, %select_n3A_38, %dma_wait3A_245] : memref<200x8x32x8x128xf32, #tpu.memory_space<hbm>> -> memref<1x1x32x1x128xf32, #tpu.memory_space<hbm>>
          %dma_wait3A_247 = tpu.memref_squeeze %dma_wait3A_246 : memref<1x1x32x1x128xf32, #tpu.memory_space<hbm>> -> memref<32x1x128xf32, #tpu.memory_space<hbm>>
          %dma_wait3A_248 = arith.constant 0 : i32
          %dma_wait3A_249 = arith.constant 0 : i32
          %dma_wait3A_250 = tpu.memref_slice %arg5[%add3A_110, %select_n3A, %dma_wait3A_248, %select_n3A_38, %dma_wait3A_249] : memref<200x8x32x8x128xf32, #tpu.memory_space<hbm>> -> memref<1x1x32x1x128xf32, #tpu.memory_space<hbm>>
          %dma_wait3A_251 = tpu.memref_squeeze %dma_wait3A_250 : memref<1x1x32x1x128xf32, #tpu.memory_space<hbm>> -> memref<32x1x128xf32, #tpu.memory_space<hbm>>
          tpu.wait_dma2 semaphore(%arg16 : memref<!tpu.dma_semaphore, #tpu.memory_space<semaphore_mem>>) src(%arg10 : memref<32x1x128xf32, #tpu.memory_space<vmem>>) dst(%dma_wait3A_251 : memref<32x1x128xf32, #tpu.memory_space<hbm>>)
        } else {
        }
        %gt3A_126 = arith.constant 0 : i32
        %gt3A_127 = arith.cmpi sgt, %scan3A_106, %gt3A_126 : i32
        %convert_element_type3A_128 = arith.extui %gt3A_127 : i1 to i32
        %cond3A_129 = arith.constant 0 : i32
        %cond3A_130 = arith.cmpi ne, %convert_element_type3A_128, %cond3A_129 : i32
        scf.if %cond3A_130 {
          %sub3A_244 = arith.constant 1 : i32
          %sub3A_245 = arith.subi %add3A_110, %sub3A_244 : i32
          %dma_start3A_246 = arith.constant 0 : i32
          %dma_start3A_247 = arith.constant 0 : i32
          %dma_start3A_248 = tpu.memref_slice %arg5[%sub3A_245, %select_n3A, %dma_start3A_246, %select_n3A_38, %dma_start3A_247] : memref<200x8x32x8x128xf32, #tpu.memory_space<hbm>> -> memref<1x1x32x1x128xf32, #tpu.memory_space<hbm>>
          %dma_start3A_249 = tpu.memref_squeeze %dma_start3A_248 : memref<1x1x32x1x128xf32, #tpu.memory_space<hbm>> -> memref<32x1x128xf32, #tpu.memory_space<hbm>>
          %dma_start3A_250 = arith.constant 0 : i32
          %dma_start3A_251 = arith.constant 0 : i32
          %dma_start3A_252 = tpu.memref_slice %arg5[%sub3A_245, %select_n3A, %dma_start3A_250, %select_n3A_38, %dma_start3A_251] : memref<200x8x32x8x128xf32, #tpu.memory_space<hbm>> -> memref<1x1x32x1x128xf32, #tpu.memory_space<hbm>>
          %dma_start3A_253 = tpu.memref_squeeze %dma_start3A_252 : memref<1x1x32x1x128xf32, #tpu.memory_space<hbm>> -> memref<32x1x128xf32, #tpu.memory_space<hbm>>
          tpu.enqueue_dma source(%arg13 : memref<32x1x128xf32, #tpu.memory_space<vmem>>) target(%dma_start3A_253 : memref<32x1x128xf32, #tpu.memory_space<hbm>>) target_semaphore(%arg19 : memref<!tpu.dma_semaphore, #tpu.memory_space<semaphore_mem>>)
        } else {
        }
        %broadcast_in_dim3A = vector.broadcast %add3A_110 : i32 to vector<16xi32>
        %gather3A = tpu.vector_load_idx %arg7[%broadcast_in_dim3A] : memref<200xf32, #tpu.memory_space<vmem>>[vector<16xi32>], vector<16xf32>,
        %parallel_loop3A = arith.constant 0 : i32
        %parallel_loop3A_131 = arith.constant 32 : i32
        %parallel_loop3A_132 = arith.constant 1 : i32
        scf.for %parallel_loop3A_244 = %parallel_loop3A to %parallel_loop3A_131 step %parallel_loop3A_132  : i32 {
          %parallel_loop3A_245 = arith.constant 128 : i32
          %parallel_loop3A_246 = arith.muli %parallel_loop3A_244, %parallel_loop3A_245 : i32
          %parallel_loop3A_247 = arith.constant 0 : i32
          %parallel_loop3A_248 = arith.addi %parallel_loop3A_246, %parallel_loop3A_247 : i32
          %parallel_loop3A_249 = arith.index_cast %parallel_loop3A_248 : i32 to index
          %parallel_loop3A_250 = tpu.vector_load %arg8[%parallel_loop3A_249] {strides = array<i32>} : memref<4096xi32, #tpu.memory_space<vmem>>, vector<16xi32>,
          %parallel_loop3A_251 = tpu.vector_load_idx %arg6[%parallel_loop3A_250] : memref<100000xf32, #tpu.memory_space<vmem>>[vector<16xi32>], vector<16xf32>,
          %parallel_loop3A_252 = arith.addf %parallel_loop3A_251, %gather3A : vector<16xf32>
          %parallel_loop3A_253 = arith.constant 0 : i32
          %parallel_loop3A_254 = arith.index_cast %parallel_loop3A_244 : i32 to index
          %parallel_loop3A_255 = arith.index_cast %parallel_loop3A_253 : i32 to index
          %parallel_loop3A_256 = arith.constant 0 : index
          %parallel_loop3A_257 = tpu.vector_load %arg10[%parallel_loop3A_254, %parallel_loop3A_255, %parallel_loop3A_256] {strides = array<i32>} : memref<32x1x128xf32, #tpu.memory_space<vmem>>, vector<16xf32>,
          tpu.vector_store %arg10[%parallel_loop3A_254, %parallel_loop3A_255, %parallel_loop3A_256], %parallel_loop3A_252 {strides = array<i32>} : memref<32x1x128xf32, #tpu.memory_space<vmem>>, vector<16xf32>,
          %parallel_loop3A_258 = arith.constant 16 : i32
          %parallel_loop3A_259 = arith.addi %parallel_loop3A_246, %parallel_loop3A_258 : i32
          %parallel_loop3A_260 = arith.index_cast %parallel_loop3A_259 : i32 to index
          %parallel_loop3A_261 = tpu.vector_load %arg8[%parallel_loop3A_260] {strides = array<i32>} : memref<4096xi32, #tpu.memory_space<vmem>>, vector<16xi32>,
          %parallel_loop3A_262 = tpu.vector_load_idx %arg6[%parallel_loop3A_261] : memref<100000xf32, #tpu.memory_space<vmem>>[vector<16xi32>], vector<16xf32>,
          %parallel_loop3A_263 = arith.addf %parallel_loop3A_262, %gather3A : vector<16xf32>
          %parallel_loop3A_264 = arith.constant 0 : i32
          %parallel_loop3A_265 = arith.index_cast %parallel_loop3A_244 : i32 to index
          %parallel_loop3A_266 = arith.index_cast %parallel_loop3A_264 : i32 to index
          %parallel_loop3A_267 = arith.constant 16 : index
          %parallel_loop3A_268 = tpu.vector_load %arg10[%parallel_loop3A_265, %parallel_loop3A_266, %parallel_loop3A_267] {strides = array<i32>} : memref<32x1x128xf32, #tpu.memory_space<vmem>>, vector<16xf32>,
          tpu.vector_store %arg10[%parallel_loop3A_265, %parallel_loop3A_266, %parallel_loop3A_267], %parallel_loop3A_263 {strides = array<i32>} : memref<32x1x128xf32, #tpu.memory_space<vmem>>, vector<16xf32>,
          %parallel_loop3A_269 = arith.constant 32 : i32
          %parallel_loop3A_270 = arith.addi %parallel_loop3A_246, %parallel_loop3A_269 : i32
          %parallel_loop3A_271 = arith.index_cast %parallel_loop3A_270 : i32 to index
          %parallel_loop3A_272 = tpu.vector_load %arg8[%parallel_loop3A_271] {strides = array<i32>} : memref<4096xi32, #tpu.memory_space<vmem>>, vector<16xi32>,
          %parallel_loop3A_273 = tpu.vector_load_idx %arg6[%parallel_loop3A_272] : memref<100000xf32, #tpu.memory_space<vmem>>[vector<16xi32>], vector<16xf32>,
          %parallel_loop3A_274 = arith.addf %parallel_loop3A_273, %gather3A : vector<16xf32>
          %parallel_loop3A_275 = arith.constant 0 : i32
          %parallel_loop3A_276 = arith.index_cast %parallel_loop3A_244 : i32 to index
          %parallel_loop3A_277 = arith.index_cast %parallel_loop3A_275 : i32 to index
          %parallel_loop3A_278 = arith.constant 32 : index
          %parallel_loop3A_279 = tpu.vector_load %arg10[%parallel_loop3A_276, %parallel_loop3A_277, %parallel_loop3A_278] {strides = array<i32>} : memref<32x1x128xf32, #tpu.memory_space<vmem>>, vector<16xf32>,
          tpu.vector_store %arg10[%parallel_loop3A_276, %parallel_loop3A_277, %parallel_loop3A_278], %parallel_loop3A_274 {strides = array<i32>} : memref<32x1x128xf32, #tpu.memory_space<vmem>>, vector<16xf32>,
          %parallel_loop3A_280 = arith.constant 48 : i32
          %parallel_loop3A_281 = arith.addi %parallel_loop3A_246, %parallel_loop3A_280 : i32
          %parallel_loop3A_282 = arith.index_cast %parallel_loop3A_281 : i32 to index
          %parallel_loop3A_283 = tpu.vector_load %arg8[%parallel_loop3A_282] {strides = array<i32>} : memref<4096xi32, #tpu.memory_space<vmem>>, vector<16xi32>,
          %parallel_loop3A_284 = tpu.vector_load_idx %arg6[%parallel_loop3A_283] : memref<100000xf32, #tpu.memory_space<vmem>>[vector<16xi32>], vector<16xf32>,
          %parallel_loop3A_285 = arith.addf %parallel_loop3A_284, %gather3A : vector<16xf32>
          %parallel_loop3A_286 = arith.constant 0 : i32
          %parallel_loop3A_287 = arith.index_cast %parallel_loop3A_244 : i32 to index
          %parallel_loop3A_288 = arith.index_cast %parallel_loop3A_286 : i32 to index
          %parallel_loop3A_289 = arith.constant 48 : index
          %parallel_loop3A_290 = tpu.vector_load %arg10[%parallel_loop3A_287, %parallel_loop3A_288, %parallel_loop3A_289] {strides = array<i32>} : memref<32x1x128xf32, #tpu.memory_space<vmem>>, vector<16xf32>,
          tpu.vector_store %arg10[%parallel_loop3A_287, %parallel_loop3A_288, %parallel_loop3A_289], %parallel_loop3A_285 {strides = array<i32>} : memref<32x1x128xf32, #tpu.memory_space<vmem>>, vector<16xf32>,
          %parallel_loop3A_291 = arith.constant 64 : i32
          %parallel_loop3A_292 = arith.addi %parallel_loop3A_246, %parallel_loop3A_291 : i32
          %parallel_loop3A_293 = arith.index_cast %parallel_loop3A_292 : i32 to index
          %parallel_loop3A_294 = tpu.vector_load %arg8[%parallel_loop3A_293] {strides = array<i32>} : memref<4096xi32, #tpu.memory_space<vmem>>, vector<16xi32>,
          %parallel_loop3A_295 = tpu.vector_load_idx %arg6[%parallel_loop3A_294] : memref<100000xf32, #tpu.memory_space<vmem>>[vector<16xi32>], vector<16xf32>,
          %parallel_loop3A_296 = arith.addf %parallel_loop3A_295, %gather3A : vector<16xf32>
          %parallel_loop3A_297 = arith.constant 0 : i32
          %parallel_loop3A_298 = arith.index_cast %parallel_loop3A_244 : i32 to index
          %parallel_loop3A_299 = arith.index_cast %parallel_loop3A_297 : i32 to index
          %parallel_loop3A_300 = arith.constant 64 : index
          %parallel_loop3A_301 = tpu.vector_load %arg10[%parallel_loop3A_298, %parallel_loop3A_299, %parallel_loop3A_300] {strides = array<i32>} : memref<32x1x128xf32, #tpu.memory_space<vmem>>, vector<16xf32>,
          tpu.vector_store %arg10[%parallel_loop3A_298, %parallel_loop3A_299, %parallel_loop3A_300], %parallel_loop3A_296 {strides = array<i32>} : memref<32x1x128xf32, #tpu.memory_space<vmem>>, vector<16xf32>,
          %parallel_loop3A_302 = arith.constant 80 : i32
          %parallel_loop3A_303 = arith.addi %parallel_loop3A_246, %parallel_loop3A_302 : i32
          %parallel_loop3A_304 = arith.index_cast %parallel_loop3A_303 : i32 to index
          %parallel_loop3A_305 = tpu.vector_load %arg8[%parallel_loop3A_304] {strides = array<i32>} : memref<4096xi32, #tpu.memory_space<vmem>>, vector<16xi32>,
          %parallel_loop3A_306 = tpu.vector_load_idx %arg6[%parallel_loop3A_305] : memref<100000xf32, #tpu.memory_space<vmem>>[vector<16xi32>], vector<16xf32>,
          %parallel_loop3A_307 = arith.addf %parallel_loop3A_306, %gather3A : vector<16xf32>
          %parallel_loop3A_308 = arith.constant 0 : i32
          %parallel_loop3A_309 = arith.index_cast %parallel_loop3A_244 : i32 to index
          %parallel_loop3A_310 = arith.index_cast %parallel_loop3A_308 : i32 to index
          %parallel_loop3A_311 = arith.constant 80 : index
          %parallel_loop3A_312 = tpu.vector_load %arg10[%parallel_loop3A_309, %parallel_loop3A_310, %parallel_loop3A_311] {strides = array<i32>} : memref<32x1x128xf32, #tpu.memory_space<vmem>>, vector<16xf32>,
          tpu.vector_store %arg10[%parallel_loop3A_309, %parallel_loop3A_310, %parallel_loop3A_311], %parallel_loop3A_307 {strides = array<i32>} : memref<32x1x128xf32, #tpu.memory_space<vmem>>, vector<16xf32>,
          %parallel_loop3A_313 = arith.constant 96 : i32
          %parallel_loop3A_314 = arith.addi %parallel_loop3A_246, %parallel_loop3A_313 : i32
          %parallel_loop3A_315 = arith.index_cast %parallel_loop3A_314 : i32 to index
          %parallel_loop3A_316 = tpu.vector_load %arg8[%parallel_loop3A_315] {strides = array<i32>} : memref<4096xi32, #tpu.memory_space<vmem>>, vector<16xi32>,
          %parallel_loop3A_317 = tpu.vector_load_idx %arg6[%parallel_loop3A_316] : memref<100000xf32, #tpu.memory_space<vmem>>[vector<16xi32>], vector<16xf32>,
          %parallel_loop3A_318 = arith.addf %parallel_loop3A_317, %gather3A : vector<16xf32>
          %parallel_loop3A_319 = arith.constant 0 : i32
          %parallel_loop3A_320 = arith.index_cast %parallel_loop3A_244 : i32 to index
          %parallel_loop3A_321 = arith.index_cast %parallel_loop3A_319 : i32 to index
          %parallel_loop3A_322 = arith.constant 96 : index
          %parallel_loop3A_323 = tpu.vector_load %arg10[%parallel_loop3A_320, %parallel_loop3A_321, %parallel_loop3A_322] {strides = array<i32>} : memref<32x1x128xf32, #tpu.memory_space<vmem>>, vector<16xf32>,
          tpu.vector_store %arg10[%parallel_loop3A_320, %parallel_loop3A_321, %parallel_loop3A_322], %parallel_loop3A_318 {strides = array<i32>} : memref<32x1x128xf32, #tpu.memory_space<vmem>>, vector<16xf32>,
          %parallel_loop3A_324 = arith.constant 112 : i32
          %parallel_loop3A_325 = arith.addi %parallel_loop3A_246, %parallel_loop3A_324 : i32
          %parallel_loop3A_326 = arith.index_cast %parallel_loop3A_325 : i32 to index
          %parallel_loop3A_327 = tpu.vector_load %arg8[%parallel_loop3A_326] {strides = array<i32>} : memref<4096xi32, #tpu.memory_space<vmem>>, vector<16xi32>,
          %parallel_loop3A_328 = tpu.vector_load_idx %arg6[%parallel_loop3A_327] : memref<100000xf32, #tpu.memory_space<vmem>>[vector<16xi32>], vector<16xf32>,
          %parallel_loop3A_329 = arith.addf %parallel_loop3A_328, %gather3A : vector<16xf32>
          %parallel_loop3A_330 = arith.constant 0 : i32
          %parallel_loop3A_331 = arith.index_cast %parallel_loop3A_244 : i32 to index
          %parallel_loop3A_332 = arith.index_cast %parallel_loop3A_330 : i32 to index
          %parallel_loop3A_333 = arith.constant 112 : index
          %parallel_loop3A_334 = tpu.vector_load %arg10[%parallel_loop3A_331, %parallel_loop3A_332, %parallel_loop3A_333] {strides = array<i32>} : memref<32x1x128xf32, #tpu.memory_space<vmem>>, vector<16xf32>,
          tpu.vector_store %arg10[%parallel_loop3A_331, %parallel_loop3A_332, %parallel_loop3A_333], %parallel_loop3A_329 {strides = array<i32>} : memref<32x1x128xf32, #tpu.memory_space<vmem>>, vector<16xf32>,
        } {sc.loop_unroll_factor = 8 : i64, sc.parallel_access}
        %mul3A_133 = arith.constant 4 : i32
        %mul3A_134 = arith.muli %mul3A_133, %scan3A_106 : i32
        %add3A_135 = arith.constant 1 : i32
        %add3A_136 = arith.addi %mul3A_134, %add3A_135 : i32
        %dma_wait3A_137 = arith.constant 0 : i32
        %dma_wait3A_138 = tpu.memref_slice %arg2[%add3A_136, %dma_wait3A_137] : memref<200x4096xi32, #tpu.memory_space<hbm>> -> memref<1x4096xi32, #tpu.memory_space<hbm>>
        %dma_wait3A_139 = tpu.memref_squeeze %dma_wait3A_138 : memref<1x4096xi32, #tpu.memory_space<hbm>> -> memref<4096xi32, #tpu.memory_space<hbm>>
        %dma_wait3A_140 = arith.constant 0 : i32
        %dma_wait3A_141 = tpu.memref_slice %arg2[%add3A_136, %dma_wait3A_140] : memref<200x4096xi32, #tpu.memory_space<hbm>> -> memref<1x4096xi32, #tpu.memory_space<hbm>>
        %dma_wait3A_142 = tpu.memref_squeeze %dma_wait3A_141 : memref<1x4096xi32, #tpu.memory_space<hbm>> -> memref<4096xi32, #tpu.memory_space<hbm>>
        tpu.wait_dma2 semaphore(%arg15 : memref<!tpu.dma_semaphore, #tpu.memory_space<semaphore_mem>>) src(%dma_wait3A_142 : memref<4096xi32, #tpu.memory_space<hbm>>) dst(%arg9 : memref<4096xi32, #tpu.memory_space<vmem>>)
        %add3A_143 = arith.constant 1 : i32
        %add3A_144 = arith.addi %add3A_136, %add3A_143 : i32
        %lt3A_145 = arith.constant 200 : i32
        %lt3A_146 = arith.cmpi slt, %add3A_144, %lt3A_145 : i32
        %convert_element_type3A_147 = arith.extui %lt3A_146 : i1 to i32
        %cond3A_148 = arith.constant 0 : i32
        %cond3A_149 = arith.cmpi ne, %convert_element_type3A_147, %cond3A_148 : i32
        scf.if %cond3A_149 {
          %add3A_244 = arith.constant 1 : i32
          %add3A_245 = arith.addi %add3A_136, %add3A_244 : i32
          %dma_start3A_246 = arith.constant 0 : i32
          %dma_start3A_247 = tpu.memref_slice %arg2[%add3A_245, %dma_start3A_246] : memref<200x4096xi32, #tpu.memory_space<hbm>> -> memref<1x4096xi32, #tpu.memory_space<hbm>>
          %dma_start3A_248 = tpu.memref_squeeze %dma_start3A_247 : memref<1x4096xi32, #tpu.memory_space<hbm>> -> memref<4096xi32, #tpu.memory_space<hbm>>
          %dma_start3A_249 = arith.constant 0 : i32
          %dma_start3A_250 = tpu.memref_slice %arg2[%add3A_245, %dma_start3A_249] : memref<200x4096xi32, #tpu.memory_space<hbm>> -> memref<1x4096xi32, #tpu.memory_space<hbm>>
          %dma_start3A_251 = tpu.memref_squeeze %dma_start3A_250 : memref<1x4096xi32, #tpu.memory_space<hbm>> -> memref<4096xi32, #tpu.memory_space<hbm>>
          tpu.enqueue_dma source(%dma_start3A_251 : memref<4096xi32, #tpu.memory_space<hbm>>) target(%arg8 : memref<4096xi32, #tpu.memory_space<vmem>>) target_semaphore(%arg14 : memref<!tpu.dma_semaphore, #tpu.memory_space<semaphore_mem>>)
        } else {
        }
        %gt3A_150 = arith.constant 0 : i32
        %gt3A_151 = arith.cmpi sgt, %scan3A_106, %gt3A_150 : i32
        %convert_element_type3A_152 = arith.extui %gt3A_151 : i1 to i32
        %cond3A_153 = arith.constant 0 : i32
        %cond3A_154 = arith.cmpi ne, %convert_element_type3A_152, %cond3A_153 : i32
        scf.if %cond3A_154 {
          %dma_wait3A_244 = arith.constant 0 : i32
          %dma_wait3A_245 = arith.constant 0 : i32
          %dma_wait3A_246 = tpu.memref_slice %arg5[%add3A_136, %select_n3A, %dma_wait3A_244, %select_n3A_38, %dma_wait3A_245] : memref<200x8x32x8x128xf32, #tpu.memory_space<hbm>> -> memref<1x1x32x1x128xf32, #tpu.memory_space<hbm>>
          %dma_wait3A_247 = tpu.memref_squeeze %dma_wait3A_246 : memref<1x1x32x1x128xf32, #tpu.memory_space<hbm>> -> memref<32x1x128xf32, #tpu.memory_space<hbm>>
          %dma_wait3A_248 = arith.constant 0 : i32
          %dma_wait3A_249 = arith.constant 0 : i32
          %dma_wait3A_250 = tpu.memref_slice %arg5[%add3A_136, %select_n3A, %dma_wait3A_248, %select_n3A_38, %dma_wait3A_249] : memref<200x8x32x8x128xf32, #tpu.memory_space<hbm>> -> memref<1x1x32x1x128xf32, #tpu.memory_space<hbm>>
          %dma_wait3A_251 = tpu.memref_squeeze %dma_wait3A_250 : memref<1x1x32x1x128xf32, #tpu.memory_space<hbm>> -> memref<32x1x128xf32, #tpu.memory_space<hbm>>
          tpu.wait_dma2 semaphore(%arg17 : memref<!tpu.dma_semaphore, #tpu.memory_space<semaphore_mem>>) src(%arg11 : memref<32x1x128xf32, #tpu.memory_space<vmem>>) dst(%dma_wait3A_251 : memref<32x1x128xf32, #tpu.memory_space<hbm>>)
        } else {
        }
        %sub3A_155 = arith.constant 1 : i32
        %sub3A_156 = arith.subi %add3A_136, %sub3A_155 : i32
        %dma_start3A_157 = arith.constant 0 : i32
        %dma_start3A_158 = arith.constant 0 : i32
        %dma_start3A_159 = tpu.memref_slice %arg5[%sub3A_156, %select_n3A, %dma_start3A_157, %select_n3A_38, %dma_start3A_158] : memref<200x8x32x8x128xf32, #tpu.memory_space<hbm>> -> memref<1x1x32x1x128xf32, #tpu.memory_space<hbm>>
        %dma_start3A_160 = tpu.memref_squeeze %dma_start3A_159 : memref<1x1x32x1x128xf32, #tpu.memory_space<hbm>> -> memref<32x1x128xf32, #tpu.memory_space<hbm>>
        %dma_start3A_161 = arith.constant 0 : i32
        %dma_start3A_162 = arith.constant 0 : i32
        %dma_start3A_163 = tpu.memref_slice %arg5[%sub3A_156, %select_n3A, %dma_start3A_161, %select_n3A_38, %dma_start3A_162] : memref<200x8x32x8x128xf32, #tpu.memory_space<hbm>> -> memref<1x1x32x1x128xf32, #tpu.memory_space<hbm>>
        %dma_start3A_164 = tpu.memref_squeeze %dma_start3A_163 : memref<1x1x32x1x128xf32, #tpu.memory_space<hbm>> -> memref<32x1x128xf32, #tpu.memory_space<hbm>>
        tpu.enqueue_dma source(%arg10 : memref<32x1x128xf32, #tpu.memory_space<vmem>>) target(%dma_start3A_164 : memref<32x1x128xf32, #tpu.memory_space<hbm>>) target_semaphore(%arg16 : memref<!tpu.dma_semaphore, #tpu.memory_space<semaphore_mem>>)
        %broadcast_in_dim3A_165 = vector.broadcast %add3A_136 : i32 to vector<16xi32>
        %gather3A_166 = tpu.vector_load_idx %arg7[%broadcast_in_dim3A_165] : memref<200xf32, #tpu.memory_space<vmem>>[vector<16xi32>], vector<16xf32>,
        %parallel_loop3A_167 = arith.constant 0 : i32
        %parallel_loop3A_168 = arith.constant 32 : i32
        %parallel_loop3A_169 = arith.constant 1 : i32
        scf.for %parallel_loop3A_244 = %parallel_loop3A_167 to %parallel_loop3A_168 step %parallel_loop3A_169  : i32 {
          %parallel_loop3A_245 = arith.constant 128 : i32
          %parallel_loop3A_246 = arith.muli %parallel_loop3A_244, %parallel_loop3A_245 : i32
          %parallel_loop3A_247 = arith.constant 0 : i32
          %parallel_loop3A_248 = arith.addi %parallel_loop3A_246, %parallel_loop3A_247 : i32
          %parallel_loop3A_249 = arith.index_cast %parallel_loop3A_248 : i32 to index
          %parallel_loop3A_250 = tpu.vector_load %arg9[%parallel_loop3A_249] {strides = array<i32>} : memref<4096xi32, #tpu.memory_space<vmem>>, vector<16xi32>,
          %parallel_loop3A_251 = tpu.vector_load_idx %arg6[%parallel_loop3A_250] : memref<100000xf32, #tpu.memory_space<vmem>>[vector<16xi32>], vector<16xf32>,
          %parallel_loop3A_252 = arith.addf %parallel_loop3A_251, %gather3A_166 : vector<16xf32>
          %parallel_loop3A_253 = arith.constant 0 : i32
          %parallel_loop3A_254 = arith.index_cast %parallel_loop3A_244 : i32 to index
          %parallel_loop3A_255 = arith.index_cast %parallel_loop3A_253 : i32 to index
          %parallel_loop3A_256 = arith.constant 0 : index
          %parallel_loop3A_257 = tpu.vector_load %arg11[%parallel_loop3A_254, %parallel_loop3A_255, %parallel_loop3A_256] {strides = array<i32>} : memref<32x1x128xf32, #tpu.memory_space<vmem>>, vector<16xf32>,
          tpu.vector_store %arg11[%parallel_loop3A_254, %parallel_loop3A_255, %parallel_loop3A_256], %parallel_loop3A_252 {strides = array<i32>} : memref<32x1x128xf32, #tpu.memory_space<vmem>>, vector<16xf32>,
          %parallel_loop3A_258 = arith.constant 16 : i32
          %parallel_loop3A_259 = arith.addi %parallel_loop3A_246, %parallel_loop3A_258 : i32
          %parallel_loop3A_260 = arith.index_cast %parallel_loop3A_259 : i32 to index
          %parallel_loop3A_261 = tpu.vector_load %arg9[%parallel_loop3A_260] {strides = array<i32>} : memref<4096xi32, #tpu.memory_space<vmem>>, vector<16xi32>,
          %parallel_loop3A_262 = tpu.vector_load_idx %arg6[%parallel_loop3A_261] : memref<100000xf32, #tpu.memory_space<vmem>>[vector<16xi32>], vector<16xf32>,
          %parallel_loop3A_263 = arith.addf %parallel_loop3A_262, %gather3A_166 : vector<16xf32>
          %parallel_loop3A_264 = arith.constant 0 : i32
          %parallel_loop3A_265 = arith.index_cast %parallel_loop3A_244 : i32 to index
          %parallel_loop3A_266 = arith.index_cast %parallel_loop3A_264 : i32 to index
          %parallel_loop3A_267 = arith.constant 16 : index
          %parallel_loop3A_268 = tpu.vector_load %arg11[%parallel_loop3A_265, %parallel_loop3A_266, %parallel_loop3A_267] {strides = array<i32>} : memref<32x1x128xf32, #tpu.memory_space<vmem>>, vector<16xf32>,
          tpu.vector_store %arg11[%parallel_loop3A_265, %parallel_loop3A_266, %parallel_loop3A_267], %parallel_loop3A_263 {strides = array<i32>} : memref<32x1x128xf32, #tpu.memory_space<vmem>>, vector<16xf32>,
          %parallel_loop3A_269 = arith.constant 32 : i32
          %parallel_loop3A_270 = arith.addi %parallel_loop3A_246, %parallel_loop3A_269 : i32
          %parallel_loop3A_271 = arith.index_cast %parallel_loop3A_270 : i32 to index
          %parallel_loop3A_272 = tpu.vector_load %arg9[%parallel_loop3A_271] {strides = array<i32>} : memref<4096xi32, #tpu.memory_space<vmem>>, vector<16xi32>,
          %parallel_loop3A_273 = tpu.vector_load_idx %arg6[%parallel_loop3A_272] : memref<100000xf32, #tpu.memory_space<vmem>>[vector<16xi32>], vector<16xf32>,
          %parallel_loop3A_274 = arith.addf %parallel_loop3A_273, %gather3A_166 : vector<16xf32>
          %parallel_loop3A_275 = arith.constant 0 : i32
          %parallel_loop3A_276 = arith.index_cast %parallel_loop3A_244 : i32 to index
          %parallel_loop3A_277 = arith.index_cast %parallel_loop3A_275 : i32 to index
          %parallel_loop3A_278 = arith.constant 32 : index
          %parallel_loop3A_279 = tpu.vector_load %arg11[%parallel_loop3A_276, %parallel_loop3A_277, %parallel_loop3A_278] {strides = array<i32>} : memref<32x1x128xf32, #tpu.memory_space<vmem>>, vector<16xf32>,
          tpu.vector_store %arg11[%parallel_loop3A_276, %parallel_loop3A_277, %parallel_loop3A_278], %parallel_loop3A_274 {strides = array<i32>} : memref<32x1x128xf32, #tpu.memory_space<vmem>>, vector<16xf32>,
          %parallel_loop3A_280 = arith.constant 48 : i32
          %parallel_loop3A_281 = arith.addi %parallel_loop3A_246, %parallel_loop3A_280 : i32
          %parallel_loop3A_282 = arith.index_cast %parallel_loop3A_281 : i32 to index
          %parallel_loop3A_283 = tpu.vector_load %arg9[%parallel_loop3A_282] {strides = array<i32>} : memref<4096xi32, #tpu.memory_space<vmem>>, vector<16xi32>,
          %parallel_loop3A_284 = tpu.vector_load_idx %arg6[%parallel_loop3A_283] : memref<100000xf32, #tpu.memory_space<vmem>>[vector<16xi32>], vector<16xf32>,
          %parallel_loop3A_285 = arith.addf %parallel_loop3A_284, %gather3A_166 : vector<16xf32>
          %parallel_loop3A_286 = arith.constant 0 : i32
          %parallel_loop3A_287 = arith.index_cast %parallel_loop3A_244 : i32 to index
          %parallel_loop3A_288 = arith.index_cast %parallel_loop3A_286 : i32 to index
          %parallel_loop3A_289 = arith.constant 48 : index
          %parallel_loop3A_290 = tpu.vector_load %arg11[%parallel_loop3A_287, %parallel_loop3A_288, %parallel_loop3A_289] {strides = array<i32>} : memref<32x1x128xf32, #tpu.memory_space<vmem>>, vector<16xf32>,
          tpu.vector_store %arg11[%parallel_loop3A_287, %parallel_loop3A_288, %parallel_loop3A_289], %parallel_loop3A_285 {strides = array<i32>} : memref<32x1x128xf32, #tpu.memory_space<vmem>>, vector<16xf32>,
          %parallel_loop3A_291 = arith.constant 64 : i32
          %parallel_loop3A_292 = arith.addi %parallel_loop3A_246, %parallel_loop3A_291 : i32
          %parallel_loop3A_293 = arith.index_cast %parallel_loop3A_292 : i32 to index
          %parallel_loop3A_294 = tpu.vector_load %arg9[%parallel_loop3A_293] {strides = array<i32>} : memref<4096xi32, #tpu.memory_space<vmem>>, vector<16xi32>,
          %parallel_loop3A_295 = tpu.vector_load_idx %arg6[%parallel_loop3A_294] : memref<100000xf32, #tpu.memory_space<vmem>>[vector<16xi32>], vector<16xf32>,
          %parallel_loop3A_296 = arith.addf %parallel_loop3A_295, %gather3A_166 : vector<16xf32>
          %parallel_loop3A_297 = arith.constant 0 : i32
          %parallel_loop3A_298 = arith.index_cast %parallel_loop3A_244 : i32 to index
          %parallel_loop3A_299 = arith.index_cast %parallel_loop3A_297 : i32 to index
          %parallel_loop3A_300 = arith.constant 64 : index
          %parallel_loop3A_301 = tpu.vector_load %arg11[%parallel_loop3A_298, %parallel_loop3A_299, %parallel_loop3A_300] {strides = array<i32>} : memref<32x1x128xf32, #tpu.memory_space<vmem>>, vector<16xf32>,
          tpu.vector_store %arg11[%parallel_loop3A_298, %parallel_loop3A_299, %parallel_loop3A_300], %parallel_loop3A_296 {strides = array<i32>} : memref<32x1x128xf32, #tpu.memory_space<vmem>>, vector<16xf32>,
          %parallel_loop3A_302 = arith.constant 80 : i32
          %parallel_loop3A_303 = arith.addi %parallel_loop3A_246, %parallel_loop3A_302 : i32
          %parallel_loop3A_304 = arith.index_cast %parallel_loop3A_303 : i32 to index
          %parallel_loop3A_305 = tpu.vector_load %arg9[%parallel_loop3A_304] {strides = array<i32>} : memref<4096xi32, #tpu.memory_space<vmem>>, vector<16xi32>,
          %parallel_loop3A_306 = tpu.vector_load_idx %arg6[%parallel_loop3A_305] : memref<100000xf32, #tpu.memory_space<vmem>>[vector<16xi32>], vector<16xf32>,
          %parallel_loop3A_307 = arith.addf %parallel_loop3A_306, %gather3A_166 : vector<16xf32>
          %parallel_loop3A_308 = arith.constant 0 : i32
          %parallel_loop3A_309 = arith.index_cast %parallel_loop3A_244 : i32 to index
          %parallel_loop3A_310 = arith.index_cast %parallel_loop3A_308 : i32 to index
          %parallel_loop3A_311 = arith.constant 80 : index
          %parallel_loop3A_312 = tpu.vector_load %arg11[%parallel_loop3A_309, %parallel_loop3A_310, %parallel_loop3A_311] {strides = array<i32>} : memref<32x1x128xf32, #tpu.memory_space<vmem>>, vector<16xf32>,
          tpu.vector_store %arg11[%parallel_loop3A_309, %parallel_loop3A_310, %parallel_loop3A_311], %parallel_loop3A_307 {strides = array<i32>} : memref<32x1x128xf32, #tpu.memory_space<vmem>>, vector<16xf32>,
          %parallel_loop3A_313 = arith.constant 96 : i32
          %parallel_loop3A_314 = arith.addi %parallel_loop3A_246, %parallel_loop3A_313 : i32
          %parallel_loop3A_315 = arith.index_cast %parallel_loop3A_314 : i32 to index
          %parallel_loop3A_316 = tpu.vector_load %arg9[%parallel_loop3A_315] {strides = array<i32>} : memref<4096xi32, #tpu.memory_space<vmem>>, vector<16xi32>,
          %parallel_loop3A_317 = tpu.vector_load_idx %arg6[%parallel_loop3A_316] : memref<100000xf32, #tpu.memory_space<vmem>>[vector<16xi32>], vector<16xf32>,
          %parallel_loop3A_318 = arith.addf %parallel_loop3A_317, %gather3A_166 : vector<16xf32>
          %parallel_loop3A_319 = arith.constant 0 : i32
          %parallel_loop3A_320 = arith.index_cast %parallel_loop3A_244 : i32 to index
          %parallel_loop3A_321 = arith.index_cast %parallel_loop3A_319 : i32 to index
          %parallel_loop3A_322 = arith.constant 96 : index
          %parallel_loop3A_323 = tpu.vector_load %arg11[%parallel_loop3A_320, %parallel_loop3A_321, %parallel_loop3A_322] {strides = array<i32>} : memref<32x1x128xf32, #tpu.memory_space<vmem>>, vector<16xf32>,
          tpu.vector_store %arg11[%parallel_loop3A_320, %parallel_loop3A_321, %parallel_loop3A_322], %parallel_loop3A_318 {strides = array<i32>} : memref<32x1x128xf32, #tpu.memory_space<vmem>>, vector<16xf32>,
          %parallel_loop3A_324 = arith.constant 112 : i32
          %parallel_loop3A_325 = arith.addi %parallel_loop3A_246, %parallel_loop3A_324 : i32
          %parallel_loop3A_326 = arith.index_cast %parallel_loop3A_325 : i32 to index
          %parallel_loop3A_327 = tpu.vector_load %arg9[%parallel_loop3A_326] {strides = array<i32>} : memref<4096xi32, #tpu.memory_space<vmem>>, vector<16xi32>,
          %parallel_loop3A_328 = tpu.vector_load_idx %arg6[%parallel_loop3A_327] : memref<100000xf32, #tpu.memory_space<vmem>>[vector<16xi32>], vector<16xf32>,
          %parallel_loop3A_329 = arith.addf %parallel_loop3A_328, %gather3A_166 : vector<16xf32>
          %parallel_loop3A_330 = arith.constant 0 : i32
          %parallel_loop3A_331 = arith.index_cast %parallel_loop3A_244 : i32 to index
          %parallel_loop3A_332 = arith.index_cast %parallel_loop3A_330 : i32 to index
          %parallel_loop3A_333 = arith.constant 112 : index
          %parallel_loop3A_334 = tpu.vector_load %arg11[%parallel_loop3A_331, %parallel_loop3A_332, %parallel_loop3A_333] {strides = array<i32>} : memref<32x1x128xf32, #tpu.memory_space<vmem>>, vector<16xf32>,
          tpu.vector_store %arg11[%parallel_loop3A_331, %parallel_loop3A_332, %parallel_loop3A_333], %parallel_loop3A_329 {strides = array<i32>} : memref<32x1x128xf32, #tpu.memory_space<vmem>>, vector<16xf32>,
        } {sc.loop_unroll_factor = 8 : i64, sc.parallel_access}
        %mul3A_170 = arith.constant 4 : i32
        %mul3A_171 = arith.muli %mul3A_170, %scan3A_106 : i32
        %add3A_172 = arith.constant 2 : i32
        %add3A_173 = arith.addi %mul3A_171, %add3A_172 : i32
        %dma_wait3A_174 = arith.constant 0 : i32
        %dma_wait3A_175 = tpu.memref_slice %arg2[%add3A_173, %dma_wait3A_174] : memref<200x4096xi32, #tpu.memory_space<hbm>> -> memref<1x4096xi32, #tpu.memory_space<hbm>>
        %dma_wait3A_176 = tpu.memref_squeeze %dma_wait3A_175 : memref<1x4096xi32, #tpu.memory_space<hbm>> -> memref<4096xi32, #tpu.memory_space<hbm>>
        %dma_wait3A_177 = arith.constant 0 : i32
        %dma_wait3A_178 = tpu.memref_slice %arg2[%add3A_173, %dma_wait3A_177] : memref<200x4096xi32, #tpu.memory_space<hbm>> -> memref<1x4096xi32, #tpu.memory_space<hbm>>
        %dma_wait3A_179 = tpu.memref_squeeze %dma_wait3A_178 : memref<1x4096xi32, #tpu.memory_space<hbm>> -> memref<4096xi32, #tpu.memory_space<hbm>>
        tpu.wait_dma2 semaphore(%arg14 : memref<!tpu.dma_semaphore, #tpu.memory_space<semaphore_mem>>) src(%dma_wait3A_179 : memref<4096xi32, #tpu.memory_space<hbm>>) dst(%arg8 : memref<4096xi32, #tpu.memory_space<vmem>>)
        %add3A_180 = arith.constant 1 : i32
        %add3A_181 = arith.addi %add3A_173, %add3A_180 : i32
        %lt3A_182 = arith.constant 200 : i32
        %lt3A_183 = arith.cmpi slt, %add3A_181, %lt3A_182 : i32
        %convert_element_type3A_184 = arith.extui %lt3A_183 : i1 to i32
        %cond3A_185 = arith.constant 0 : i32
        %cond3A_186 = arith.cmpi ne, %convert_element_type3A_184, %cond3A_185 : i32
        scf.if %cond3A_186 {
          %add3A_244 = arith.constant 1 : i32
          %add3A_245 = arith.addi %add3A_173, %add3A_244 : i32
          %dma_start3A_246 = arith.constant 0 : i32
          %dma_start3A_247 = tpu.memref_slice %arg2[%add3A_245, %dma_start3A_246] : memref<200x4096xi32, #tpu.memory_space<hbm>> -> memref<1x4096xi32, #tpu.memory_space<hbm>>
          %dma_start3A_248 = tpu.memref_squeeze %dma_start3A_247 : memref<1x4096xi32, #tpu.memory_space<hbm>> -> memref<4096xi32, #tpu.memory_space<hbm>>
          %dma_start3A_249 = arith.constant 0 : i32
          %dma_start3A_250 = tpu.memref_slice %arg2[%add3A_245, %dma_start3A_249] : memref<200x4096xi32, #tpu.memory_space<hbm>> -> memref<1x4096xi32, #tpu.memory_space<hbm>>
          %dma_start3A_251 = tpu.memref_squeeze %dma_start3A_250 : memref<1x4096xi32, #tpu.memory_space<hbm>> -> memref<4096xi32, #tpu.memory_space<hbm>>
          tpu.enqueue_dma source(%dma_start3A_251 : memref<4096xi32, #tpu.memory_space<hbm>>) target(%arg9 : memref<4096xi32, #tpu.memory_space<vmem>>) target_semaphore(%arg15 : memref<!tpu.dma_semaphore, #tpu.memory_space<semaphore_mem>>)
        } else {
        }
        %gt3A_187 = arith.constant 0 : i32
        %gt3A_188 = arith.cmpi sgt, %scan3A_106, %gt3A_187 : i32
        %convert_element_type3A_189 = arith.extui %gt3A_188 : i1 to i32
        %cond3A_190 = arith.constant 0 : i32
        %cond3A_191 = arith.cmpi ne, %convert_element_type3A_189, %cond3A_190 : i32
        scf.if %cond3A_191 {
          %dma_wait3A_244 = arith.constant 0 : i32
          %dma_wait3A_245 = arith.constant 0 : i32
          %dma_wait3A_246 = tpu.memref_slice %arg5[%add3A_173, %select_n3A, %dma_wait3A_244, %select_n3A_38, %dma_wait3A_245] : memref<200x8x32x8x128xf32, #tpu.memory_space<hbm>> -> memref<1x1x32x1x128xf32, #tpu.memory_space<hbm>>
          %dma_wait3A_247 = tpu.memref_squeeze %dma_wait3A_246 : memref<1x1x32x1x128xf32, #tpu.memory_space<hbm>> -> memref<32x1x128xf32, #tpu.memory_space<hbm>>
          %dma_wait3A_248 = arith.constant 0 : i32
          %dma_wait3A_249 = arith.constant 0 : i32
          %dma_wait3A_250 = tpu.memref_slice %arg5[%add3A_173, %select_n3A, %dma_wait3A_248, %select_n3A_38, %dma_wait3A_249] : memref<200x8x32x8x128xf32, #tpu.memory_space<hbm>> -> memref<1x1x32x1x128xf32, #tpu.memory_space<hbm>>
          %dma_wait3A_251 = tpu.memref_squeeze %dma_wait3A_250 : memref<1x1x32x1x128xf32, #tpu.memory_space<hbm>> -> memref<32x1x128xf32, #tpu.memory_space<hbm>>
          tpu.wait_dma2 semaphore(%arg18 : memref<!tpu.dma_semaphore, #tpu.memory_space<semaphore_mem>>) src(%arg12 : memref<32x1x128xf32, #tpu.memory_space<vmem>>) dst(%dma_wait3A_251 : memref<32x1x128xf32, #tpu.memory_space<hbm>>)
        } else {
        }
        %sub3A_192 = arith.constant 1 : i32
        %sub3A_193 = arith.subi %add3A_173, %sub3A_192 : i32
        %dma_start3A_194 = arith.constant 0 : i32
        %dma_start3A_195 = arith.constant 0 : i32
        %dma_start3A_196 = tpu.memref_slice %arg5[%sub3A_193, %select_n3A, %dma_start3A_194, %select_n3A_38, %dma_start3A_195] : memref<200x8x32x8x128xf32, #tpu.memory_space<hbm>> -> memref<1x1x32x1x128xf32, #tpu.memory_space<hbm>>
        %dma_start3A_197 = tpu.memref_squeeze %dma_start3A_196 : memref<1x1x32x1x128xf32, #tpu.memory_space<hbm>> -> memref<32x1x128xf32, #tpu.memory_space<hbm>>
        %dma_start3A_198 = arith.constant 0 : i32
        %dma_start3A_199 = arith.constant 0 : i32
        %dma_start3A_200 = tpu.memref_slice %arg5[%sub3A_193, %select_n3A, %dma_start3A_198, %select_n3A_38, %dma_start3A_199] : memref<200x8x32x8x128xf32, #tpu.memory_space<hbm>> -> memref<1x1x32x1x128xf32, #tpu.memory_space<hbm>>
        %dma_start3A_201 = tpu.memref_squeeze %dma_start3A_200 : memref<1x1x32x1x128xf32, #tpu.memory_space<hbm>> -> memref<32x1x128xf32, #tpu.memory_space<hbm>>
        tpu.enqueue_dma source(%arg11 : memref<32x1x128xf32, #tpu.memory_space<vmem>>) target(%dma_start3A_201 : memref<32x1x128xf32, #tpu.memory_space<hbm>>) target_semaphore(%arg17 : memref<!tpu.dma_semaphore, #tpu.memory_space<semaphore_mem>>)
        %broadcast_in_dim3A_202 = vector.broadcast %add3A_173 : i32 to vector<16xi32>
        %gather3A_203 = tpu.vector_load_idx %arg7[%broadcast_in_dim3A_202] : memref<200xf32, #tpu.memory_space<vmem>>[vector<16xi32>], vector<16xf32>,
        %parallel_loop3A_204 = arith.constant 0 : i32
        %parallel_loop3A_205 = arith.constant 32 : i32
        %parallel_loop3A_206 = arith.constant 1 : i32
        scf.for %parallel_loop3A_244 = %parallel_loop3A_204 to %parallel_loop3A_205 step %parallel_loop3A_206  : i32 {
          %parallel_loop3A_245 = arith.constant 128 : i32
          %parallel_loop3A_246 = arith.muli %parallel_loop3A_244, %parallel_loop3A_245 : i32
          %parallel_loop3A_247 = arith.constant 0 : i32
          %parallel_loop3A_248 = arith.addi %parallel_loop3A_246, %parallel_loop3A_247 : i32
          %parallel_loop3A_249 = arith.index_cast %parallel_loop3A_248 : i32 to index
          %parallel_loop3A_250 = tpu.vector_load %arg8[%parallel_loop3A_249] {strides = array<i32>} : memref<4096xi32, #tpu.memory_space<vmem>>, vector<16xi32>,
          %parallel_loop3A_251 = tpu.vector_load_idx %arg6[%parallel_loop3A_250] : memref<100000xf32, #tpu.memory_space<vmem>>[vector<16xi32>], vector<16xf32>,
          %parallel_loop3A_252 = arith.addf %parallel_loop3A_251, %gather3A_203 : vector<16xf32>
          %parallel_loop3A_253 = arith.constant 0 : i32
          %parallel_loop3A_254 = arith.index_cast %parallel_loop3A_244 : i32 to index
          %parallel_loop3A_255 = arith.index_cast %parallel_loop3A_253 : i32 to index
          %parallel_loop3A_256 = arith.constant 0 : index
          %parallel_loop3A_257 = tpu.vector_load %arg12[%parallel_loop3A_254, %parallel_loop3A_255, %parallel_loop3A_256] {strides = array<i32>} : memref<32x1x128xf32, #tpu.memory_space<vmem>>, vector<16xf32>,
          tpu.vector_store %arg12[%parallel_loop3A_254, %parallel_loop3A_255, %parallel_loop3A_256], %parallel_loop3A_252 {strides = array<i32>} : memref<32x1x128xf32, #tpu.memory_space<vmem>>, vector<16xf32>,
          %parallel_loop3A_258 = arith.constant 16 : i32
          %parallel_loop3A_259 = arith.addi %parallel_loop3A_246, %parallel_loop3A_258 : i32
          %parallel_loop3A_260 = arith.index_cast %parallel_loop3A_259 : i32 to index
          %parallel_loop3A_261 = tpu.vector_load %arg8[%parallel_loop3A_260] {strides = array<i32>} : memref<4096xi32, #tpu.memory_space<vmem>>, vector<16xi32>,
          %parallel_loop3A_262 = tpu.vector_load_idx %arg6[%parallel_loop3A_261] : memref<100000xf32, #tpu.memory_space<vmem>>[vector<16xi32>], vector<16xf32>,
          %parallel_loop3A_263 = arith.addf %parallel_loop3A_262, %gather3A_203 : vector<16xf32>
          %parallel_loop3A_264 = arith.constant 0 : i32
          %parallel_loop3A_265 = arith.index_cast %parallel_loop3A_244 : i32 to index
          %parallel_loop3A_266 = arith.index_cast %parallel_loop3A_264 : i32 to index
          %parallel_loop3A_267 = arith.constant 16 : index
          %parallel_loop3A_268 = tpu.vector_load %arg12[%parallel_loop3A_265, %parallel_loop3A_266, %parallel_loop3A_267] {strides = array<i32>} : memref<32x1x128xf32, #tpu.memory_space<vmem>>, vector<16xf32>,
          tpu.vector_store %arg12[%parallel_loop3A_265, %parallel_loop3A_266, %parallel_loop3A_267], %parallel_loop3A_263 {strides = array<i32>} : memref<32x1x128xf32, #tpu.memory_space<vmem>>, vector<16xf32>,
          %parallel_loop3A_269 = arith.constant 32 : i32
          %parallel_loop3A_270 = arith.addi %parallel_loop3A_246, %parallel_loop3A_269 : i32
          %parallel_loop3A_271 = arith.index_cast %parallel_loop3A_270 : i32 to index
          %parallel_loop3A_272 = tpu.vector_load %arg8[%parallel_loop3A_271] {strides = array<i32>} : memref<4096xi32, #tpu.memory_space<vmem>>, vector<16xi32>,
          %parallel_loop3A_273 = tpu.vector_load_idx %arg6[%parallel_loop3A_272] : memref<100000xf32, #tpu.memory_space<vmem>>[vector<16xi32>], vector<16xf32>,
          %parallel_loop3A_274 = arith.addf %parallel_loop3A_273, %gather3A_203 : vector<16xf32>
          %parallel_loop3A_275 = arith.constant 0 : i32
          %parallel_loop3A_276 = arith.index_cast %parallel_loop3A_244 : i32 to index
          %parallel_loop3A_277 = arith.index_cast %parallel_loop3A_275 : i32 to index
          %parallel_loop3A_278 = arith.constant 32 : index
          %parallel_loop3A_279 = tpu.vector_load %arg12[%parallel_loop3A_276, %parallel_loop3A_277, %parallel_loop3A_278] {strides = array<i32>} : memref<32x1x128xf32, #tpu.memory_space<vmem>>, vector<16xf32>,
          tpu.vector_store %arg12[%parallel_loop3A_276, %parallel_loop3A_277, %parallel_loop3A_278], %parallel_loop3A_274 {strides = array<i32>} : memref<32x1x128xf32, #tpu.memory_space<vmem>>, vector<16xf32>,
          %parallel_loop3A_280 = arith.constant 48 : i32
          %parallel_loop3A_281 = arith.addi %parallel_loop3A_246, %parallel_loop3A_280 : i32
          %parallel_loop3A_282 = arith.index_cast %parallel_loop3A_281 : i32 to index
          %parallel_loop3A_283 = tpu.vector_load %arg8[%parallel_loop3A_282] {strides = array<i32>} : memref<4096xi32, #tpu.memory_space<vmem>>, vector<16xi32>,
          %parallel_loop3A_284 = tpu.vector_load_idx %arg6[%parallel_loop3A_283] : memref<100000xf32, #tpu.memory_space<vmem>>[vector<16xi32>], vector<16xf32>,
          %parallel_loop3A_285 = arith.addf %parallel_loop3A_284, %gather3A_203 : vector<16xf32>
          %parallel_loop3A_286 = arith.constant 0 : i32
          %parallel_loop3A_287 = arith.index_cast %parallel_loop3A_244 : i32 to index
          %parallel_loop3A_288 = arith.index_cast %parallel_loop3A_286 : i32 to index
          %parallel_loop3A_289 = arith.constant 48 : index
          %parallel_loop3A_290 = tpu.vector_load %arg12[%parallel_loop3A_287, %parallel_loop3A_288, %parallel_loop3A_289] {strides = array<i32>} : memref<32x1x128xf32, #tpu.memory_space<vmem>>, vector<16xf32>,
          tpu.vector_store %arg12[%parallel_loop3A_287, %parallel_loop3A_288, %parallel_loop3A_289], %parallel_loop3A_285 {strides = array<i32>} : memref<32x1x128xf32, #tpu.memory_space<vmem>>, vector<16xf32>,
          %parallel_loop3A_291 = arith.constant 64 : i32
          %parallel_loop3A_292 = arith.addi %parallel_loop3A_246, %parallel_loop3A_291 : i32
          %parallel_loop3A_293 = arith.index_cast %parallel_loop3A_292 : i32 to index
          %parallel_loop3A_294 = tpu.vector_load %arg8[%parallel_loop3A_293] {strides = array<i32>} : memref<4096xi32, #tpu.memory_space<vmem>>, vector<16xi32>,
          %parallel_loop3A_295 = tpu.vector_load_idx %arg6[%parallel_loop3A_294] : memref<100000xf32, #tpu.memory_space<vmem>>[vector<16xi32>], vector<16xf32>,
          %parallel_loop3A_296 = arith.addf %parallel_loop3A_295, %gather3A_203 : vector<16xf32>
          %parallel_loop3A_297 = arith.constant 0 : i32
          %parallel_loop3A_298 = arith.index_cast %parallel_loop3A_244 : i32 to index
          %parallel_loop3A_299 = arith.index_cast %parallel_loop3A_297 : i32 to index
          %parallel_loop3A_300 = arith.constant 64 : index
          %parallel_loop3A_301 = tpu.vector_load %arg12[%parallel_loop3A_298, %parallel_loop3A_299, %parallel_loop3A_300] {strides = array<i32>} : memref<32x1x128xf32, #tpu.memory_space<vmem>>, vector<16xf32>,
          tpu.vector_store %arg12[%parallel_loop3A_298, %parallel_loop3A_299, %parallel_loop3A_300], %parallel_loop3A_296 {strides = array<i32>} : memref<32x1x128xf32, #tpu.memory_space<vmem>>, vector<16xf32>,
          %parallel_loop3A_302 = arith.constant 80 : i32
          %parallel_loop3A_303 = arith.addi %parallel_loop3A_246, %parallel_loop3A_302 : i32
          %parallel_loop3A_304 = arith.index_cast %parallel_loop3A_303 : i32 to index
          %parallel_loop3A_305 = tpu.vector_load %arg8[%parallel_loop3A_304] {strides = array<i32>} : memref<4096xi32, #tpu.memory_space<vmem>>, vector<16xi32>,
          %parallel_loop3A_306 = tpu.vector_load_idx %arg6[%parallel_loop3A_305] : memref<100000xf32, #tpu.memory_space<vmem>>[vector<16xi32>], vector<16xf32>,
          %parallel_loop3A_307 = arith.addf %parallel_loop3A_306, %gather3A_203 : vector<16xf32>
          %parallel_loop3A_308 = arith.constant 0 : i32
          %parallel_loop3A_309 = arith.index_cast %parallel_loop3A_244 : i32 to index
          %parallel_loop3A_310 = arith.index_cast %parallel_loop3A_308 : i32 to index
          %parallel_loop3A_311 = arith.constant 80 : index
          %parallel_loop3A_312 = tpu.vector_load %arg12[%parallel_loop3A_309, %parallel_loop3A_310, %parallel_loop3A_311] {strides = array<i32>} : memref<32x1x128xf32, #tpu.memory_space<vmem>>, vector<16xf32>,
          tpu.vector_store %arg12[%parallel_loop3A_309, %parallel_loop3A_310, %parallel_loop3A_311], %parallel_loop3A_307 {strides = array<i32>} : memref<32x1x128xf32, #tpu.memory_space<vmem>>, vector<16xf32>,
          %parallel_loop3A_313 = arith.constant 96 : i32
          %parallel_loop3A_314 = arith.addi %parallel_loop3A_246, %parallel_loop3A_313 : i32
          %parallel_loop3A_315 = arith.index_cast %parallel_loop3A_314 : i32 to index
          %parallel_loop3A_316 = tpu.vector_load %arg8[%parallel_loop3A_315] {strides = array<i32>} : memref<4096xi32, #tpu.memory_space<vmem>>, vector<16xi32>,
          %parallel_loop3A_317 = tpu.vector_load_idx %arg6[%parallel_loop3A_316] : memref<100000xf32, #tpu.memory_space<vmem>>[vector<16xi32>], vector<16xf32>,
          %parallel_loop3A_318 = arith.addf %parallel_loop3A_317, %gather3A_203 : vector<16xf32>
          %parallel_loop3A_319 = arith.constant 0 : i32
          %parallel_loop3A_320 = arith.index_cast %parallel_loop3A_244 : i32 to index
          %parallel_loop3A_321 = arith.index_cast %parallel_loop3A_319 : i32 to index
          %parallel_loop3A_322 = arith.constant 96 : index
          %parallel_loop3A_323 = tpu.vector_load %arg12[%parallel_loop3A_320, %parallel_loop3A_321, %parallel_loop3A_322] {strides = array<i32>} : memref<32x1x128xf32, #tpu.memory_space<vmem>>, vector<16xf32>,
          tpu.vector_store %arg12[%parallel_loop3A_320, %parallel_loop3A_321, %parallel_loop3A_322], %parallel_loop3A_318 {strides = array<i32>} : memref<32x1x128xf32, #tpu.memory_space<vmem>>, vector<16xf32>,
          %parallel_loop3A_324 = arith.constant 112 : i32
          %parallel_loop3A_325 = arith.addi %parallel_loop3A_246, %parallel_loop3A_324 : i32
          %parallel_loop3A_326 = arith.index_cast %parallel_loop3A_325 : i32 to index
          %parallel_loop3A_327 = tpu.vector_load %arg8[%parallel_loop3A_326] {strides = array<i32>} : memref<4096xi32, #tpu.memory_space<vmem>>, vector<16xi32>,
          %parallel_loop3A_328 = tpu.vector_load_idx %arg6[%parallel_loop3A_327] : memref<100000xf32, #tpu.memory_space<vmem>>[vector<16xi32>], vector<16xf32>,
          %parallel_loop3A_329 = arith.addf %parallel_loop3A_328, %gather3A_203 : vector<16xf32>
          %parallel_loop3A_330 = arith.constant 0 : i32
          %parallel_loop3A_331 = arith.index_cast %parallel_loop3A_244 : i32 to index
          %parallel_loop3A_332 = arith.index_cast %parallel_loop3A_330 : i32 to index
          %parallel_loop3A_333 = arith.constant 112 : index
          %parallel_loop3A_334 = tpu.vector_load %arg12[%parallel_loop3A_331, %parallel_loop3A_332, %parallel_loop3A_333] {strides = array<i32>} : memref<32x1x128xf32, #tpu.memory_space<vmem>>, vector<16xf32>,
          tpu.vector_store %arg12[%parallel_loop3A_331, %parallel_loop3A_332, %parallel_loop3A_333], %parallel_loop3A_329 {strides = array<i32>} : memref<32x1x128xf32, #tpu.memory_space<vmem>>, vector<16xf32>,
        } {sc.loop_unroll_factor = 8 : i64, sc.parallel_access}
        %mul3A_207 = arith.constant 4 : i32
        %mul3A_208 = arith.muli %mul3A_207, %scan3A_106 : i32
        %add3A_209 = arith.constant 3 : i32
        %add3A_210 = arith.addi %mul3A_208, %add3A_209 : i32
        %dma_wait3A_211 = arith.constant 0 : i32
        %dma_wait3A_212 = tpu.memref_slice %arg2[%add3A_210, %dma_wait3A_211] : memref<200x4096xi32, #tpu.memory_space<hbm>> -> memref<1x4096xi32, #tpu.memory_space<hbm>>
        %dma_wait3A_213 = tpu.memref_squeeze %dma_wait3A_212 : memref<1x4096xi32, #tpu.memory_space<hbm>> -> memref<4096xi32, #tpu.memory_space<hbm>>
        %dma_wait3A_214 = arith.constant 0 : i32
        %dma_wait3A_215 = tpu.memref_slice %arg2[%add3A_210, %dma_wait3A_214] : memref<200x4096xi32, #tpu.memory_space<hbm>> -> memref<1x4096xi32, #tpu.memory_space<hbm>>
        %dma_wait3A_216 = tpu.memref_squeeze %dma_wait3A_215 : memref<1x4096xi32, #tpu.memory_space<hbm>> -> memref<4096xi32, #tpu.memory_space<hbm>>
        tpu.wait_dma2 semaphore(%arg15 : memref<!tpu.dma_semaphore, #tpu.memory_space<semaphore_mem>>) src(%dma_wait3A_216 : memref<4096xi32, #tpu.memory_space<hbm>>) dst(%arg9 : memref<4096xi32, #tpu.memory_space<vmem>>)
        %add3A_217 = arith.constant 1 : i32
        %add3A_218 = arith.addi %add3A_210, %add3A_217 : i32
        %lt3A_219 = arith.constant 200 : i32
        %lt3A_220 = arith.cmpi slt, %add3A_218, %lt3A_219 : i32
        %convert_element_type3A_221 = arith.extui %lt3A_220 : i1 to i32
        %cond3A_222 = arith.constant 0 : i32
        %cond3A_223 = arith.cmpi ne, %convert_element_type3A_221, %cond3A_222 : i32
        scf.if %cond3A_223 {
          %add3A_244 = arith.constant 1 : i32
          %add3A_245 = arith.addi %add3A_210, %add3A_244 : i32
          %dma_start3A_246 = arith.constant 0 : i32
          %dma_start3A_247 = tpu.memref_slice %arg2[%add3A_245, %dma_start3A_246] : memref<200x4096xi32, #tpu.memory_space<hbm>> -> memref<1x4096xi32, #tpu.memory_space<hbm>>
          %dma_start3A_248 = tpu.memref_squeeze %dma_start3A_247 : memref<1x4096xi32, #tpu.memory_space<hbm>> -> memref<4096xi32, #tpu.memory_space<hbm>>
          %dma_start3A_249 = arith.constant 0 : i32
          %dma_start3A_250 = tpu.memref_slice %arg2[%add3A_245, %dma_start3A_249] : memref<200x4096xi32, #tpu.memory_space<hbm>> -> memref<1x4096xi32, #tpu.memory_space<hbm>>
          %dma_start3A_251 = tpu.memref_squeeze %dma_start3A_250 : memref<1x4096xi32, #tpu.memory_space<hbm>> -> memref<4096xi32, #tpu.memory_space<hbm>>
          tpu.enqueue_dma source(%dma_start3A_251 : memref<4096xi32, #tpu.memory_space<hbm>>) target(%arg8 : memref<4096xi32, #tpu.memory_space<vmem>>) target_semaphore(%arg14 : memref<!tpu.dma_semaphore, #tpu.memory_space<semaphore_mem>>)
        } else {
        }
        %gt3A_224 = arith.constant 0 : i32
        %gt3A_225 = arith.cmpi sgt, %scan3A_106, %gt3A_224 : i32
        %convert_element_type3A_226 = arith.extui %gt3A_225 : i1 to i32
        %cond3A_227 = arith.constant 0 : i32
        %cond3A_228 = arith.cmpi ne, %convert_element_type3A_226, %cond3A_227 : i32
        scf.if %cond3A_228 {
          %dma_wait3A_244 = arith.constant 0 : i32
          %dma_wait3A_245 = arith.constant 0 : i32
          %dma_wait3A_246 = tpu.memref_slice %arg5[%add3A_210, %select_n3A, %dma_wait3A_244, %select_n3A_38, %dma_wait3A_245] : memref<200x8x32x8x128xf32, #tpu.memory_space<hbm>> -> memref<1x1x32x1x128xf32, #tpu.memory_space<hbm>>
          %dma_wait3A_247 = tpu.memref_squeeze %dma_wait3A_246 : memref<1x1x32x1x128xf32, #tpu.memory_space<hbm>> -> memref<32x1x128xf32, #tpu.memory_space<hbm>>
          %dma_wait3A_248 = arith.constant 0 : i32
          %dma_wait3A_249 = arith.constant 0 : i32
          %dma_wait3A_250 = tpu.memref_slice %arg5[%add3A_210, %select_n3A, %dma_wait3A_248, %select_n3A_38, %dma_wait3A_249] : memref<200x8x32x8x128xf32, #tpu.memory_space<hbm>> -> memref<1x1x32x1x128xf32, #tpu.memory_space<hbm>>
          %dma_wait3A_251 = tpu.memref_squeeze %dma_wait3A_250 : memref<1x1x32x1x128xf32, #tpu.memory_space<hbm>> -> memref<32x1x128xf32, #tpu.memory_space<hbm>>
          tpu.wait_dma2 semaphore(%arg19 : memref<!tpu.dma_semaphore, #tpu.memory_space<semaphore_mem>>) src(%arg13 : memref<32x1x128xf32, #tpu.memory_space<vmem>>) dst(%dma_wait3A_251 : memref<32x1x128xf32, #tpu.memory_space<hbm>>)
        } else {
        }
        %sub3A_229 = arith.constant 1 : i32
        %sub3A_230 = arith.subi %add3A_210, %sub3A_229 : i32
        %dma_start3A_231 = arith.constant 0 : i32
        %dma_start3A_232 = arith.constant 0 : i32
        %dma_start3A_233 = tpu.memref_slice %arg5[%sub3A_230, %select_n3A, %dma_start3A_231, %select_n3A_38, %dma_start3A_232] : memref<200x8x32x8x128xf32, #tpu.memory_space<hbm>> -> memref<1x1x32x1x128xf32, #tpu.memory_space<hbm>>
        %dma_start3A_234 = tpu.memref_squeeze %dma_start3A_233 : memref<1x1x32x1x128xf32, #tpu.memory_space<hbm>> -> memref<32x1x128xf32, #tpu.memory_space<hbm>>
        %dma_start3A_235 = arith.constant 0 : i32
        %dma_start3A_236 = arith.constant 0 : i32
        %dma_start3A_237 = tpu.memref_slice %arg5[%sub3A_230, %select_n3A, %dma_start3A_235, %select_n3A_38, %dma_start3A_236] : memref<200x8x32x8x128xf32, #tpu.memory_space<hbm>> -> memref<1x1x32x1x128xf32, #tpu.memory_space<hbm>>
        %dma_start3A_238 = tpu.memref_squeeze %dma_start3A_237 : memref<1x1x32x1x128xf32, #tpu.memory_space<hbm>> -> memref<32x1x128xf32, #tpu.memory_space<hbm>>
        tpu.enqueue_dma source(%arg12 : memref<32x1x128xf32, #tpu.memory_space<vmem>>) target(%dma_start3A_238 : memref<32x1x128xf32, #tpu.memory_space<hbm>>) target_semaphore(%arg18 : memref<!tpu.dma_semaphore, #tpu.memory_space<semaphore_mem>>)
        %broadcast_in_dim3A_239 = vector.broadcast %add3A_210 : i32 to vector<16xi32>
        %gather3A_240 = tpu.vector_load_idx %arg7[%broadcast_in_dim3A_239] : memref<200xf32, #tpu.memory_space<vmem>>[vector<16xi32>], vector<16xf32>,
        %parallel_loop3A_241 = arith.constant 0 : i32
        %parallel_loop3A_242 = arith.constant 32 : i32
        %parallel_loop3A_243 = arith.constant 1 : i32
        scf.for %parallel_loop3A_244 = %parallel_loop3A_241 to %parallel_loop3A_242 step %parallel_loop3A_243  : i32 {
          %parallel_loop3A_245 = arith.constant 128 : i32
          %parallel_loop3A_246 = arith.muli %parallel_loop3A_244, %parallel_loop3A_245 : i32
          %parallel_loop3A_247 = arith.constant 0 : i32
          %parallel_loop3A_248 = arith.addi %parallel_loop3A_246, %parallel_loop3A_247 : i32
          %parallel_loop3A_249 = arith.index_cast %parallel_loop3A_248 : i32 to index
          %parallel_loop3A_250 = tpu.vector_load %arg9[%parallel_loop3A_249] {strides = array<i32>} : memref<4096xi32, #tpu.memory_space<vmem>>, vector<16xi32>,
          %parallel_loop3A_251 = tpu.vector_load_idx %arg6[%parallel_loop3A_250] : memref<100000xf32, #tpu.memory_space<vmem>>[vector<16xi32>], vector<16xf32>,
          %parallel_loop3A_252 = arith.addf %parallel_loop3A_251, %gather3A_240 : vector<16xf32>
          %parallel_loop3A_253 = arith.constant 0 : i32
          %parallel_loop3A_254 = arith.index_cast %parallel_loop3A_244 : i32 to index
          %parallel_loop3A_255 = arith.index_cast %parallel_loop3A_253 : i32 to index
          %parallel_loop3A_256 = arith.constant 0 : index
          %parallel_loop3A_257 = tpu.vector_load %arg13[%parallel_loop3A_254, %parallel_loop3A_255, %parallel_loop3A_256] {strides = array<i32>} : memref<32x1x128xf32, #tpu.memory_space<vmem>>, vector<16xf32>,
          tpu.vector_store %arg13[%parallel_loop3A_254, %parallel_loop3A_255, %parallel_loop3A_256], %parallel_loop3A_252 {strides = array<i32>} : memref<32x1x128xf32, #tpu.memory_space<vmem>>, vector<16xf32>,
          %parallel_loop3A_258 = arith.constant 16 : i32
          %parallel_loop3A_259 = arith.addi %parallel_loop3A_246, %parallel_loop3A_258 : i32
          %parallel_loop3A_260 = arith.index_cast %parallel_loop3A_259 : i32 to index
          %parallel_loop3A_261 = tpu.vector_load %arg9[%parallel_loop3A_260] {strides = array<i32>} : memref<4096xi32, #tpu.memory_space<vmem>>, vector<16xi32>,
          %parallel_loop3A_262 = tpu.vector_load_idx %arg6[%parallel_loop3A_261] : memref<100000xf32, #tpu.memory_space<vmem>>[vector<16xi32>], vector<16xf32>,
          %parallel_loop3A_263 = arith.addf %parallel_loop3A_262, %gather3A_240 : vector<16xf32>
          %parallel_loop3A_264 = arith.constant 0 : i32
          %parallel_loop3A_265 = arith.index_cast %parallel_loop3A_244 : i32 to index
          %parallel_loop3A_266 = arith.index_cast %parallel_loop3A_264 : i32 to index
          %parallel_loop3A_267 = arith.constant 16 : index
          %parallel_loop3A_268 = tpu.vector_load %arg13[%parallel_loop3A_265, %parallel_loop3A_266, %parallel_loop3A_267] {strides = array<i32>} : memref<32x1x128xf32, #tpu.memory_space<vmem>>, vector<16xf32>,
          tpu.vector_store %arg13[%parallel_loop3A_265, %parallel_loop3A_266, %parallel_loop3A_267], %parallel_loop3A_263 {strides = array<i32>} : memref<32x1x128xf32, #tpu.memory_space<vmem>>, vector<16xf32>,
          %parallel_loop3A_269 = arith.constant 32 : i32
          %parallel_loop3A_270 = arith.addi %parallel_loop3A_246, %parallel_loop3A_269 : i32
          %parallel_loop3A_271 = arith.index_cast %parallel_loop3A_270 : i32 to index
          %parallel_loop3A_272 = tpu.vector_load %arg9[%parallel_loop3A_271] {strides = array<i32>} : memref<4096xi32, #tpu.memory_space<vmem>>, vector<16xi32>,
          %parallel_loop3A_273 = tpu.vector_load_idx %arg6[%parallel_loop3A_272] : memref<100000xf32, #tpu.memory_space<vmem>>[vector<16xi32>], vector<16xf32>,
          %parallel_loop3A_274 = arith.addf %parallel_loop3A_273, %gather3A_240 : vector<16xf32>
          %parallel_loop3A_275 = arith.constant 0 : i32
          %parallel_loop3A_276 = arith.index_cast %parallel_loop3A_244 : i32 to index
          %parallel_loop3A_277 = arith.index_cast %parallel_loop3A_275 : i32 to index
          %parallel_loop3A_278 = arith.constant 32 : index
          %parallel_loop3A_279 = tpu.vector_load %arg13[%parallel_loop3A_276, %parallel_loop3A_277, %parallel_loop3A_278] {strides = array<i32>} : memref<32x1x128xf32, #tpu.memory_space<vmem>>, vector<16xf32>,
          tpu.vector_store %arg13[%parallel_loop3A_276, %parallel_loop3A_277, %parallel_loop3A_278], %parallel_loop3A_274 {strides = array<i32>} : memref<32x1x128xf32, #tpu.memory_space<vmem>>, vector<16xf32>,
          %parallel_loop3A_280 = arith.constant 48 : i32
          %parallel_loop3A_281 = arith.addi %parallel_loop3A_246, %parallel_loop3A_280 : i32
          %parallel_loop3A_282 = arith.index_cast %parallel_loop3A_281 : i32 to index
          %parallel_loop3A_283 = tpu.vector_load %arg9[%parallel_loop3A_282] {strides = array<i32>} : memref<4096xi32, #tpu.memory_space<vmem>>, vector<16xi32>,
          %parallel_loop3A_284 = tpu.vector_load_idx %arg6[%parallel_loop3A_283] : memref<100000xf32, #tpu.memory_space<vmem>>[vector<16xi32>], vector<16xf32>,
          %parallel_loop3A_285 = arith.addf %parallel_loop3A_284, %gather3A_240 : vector<16xf32>
          %parallel_loop3A_286 = arith.constant 0 : i32
          %parallel_loop3A_287 = arith.index_cast %parallel_loop3A_244 : i32 to index
          %parallel_loop3A_288 = arith.index_cast %parallel_loop3A_286 : i32 to index
          %parallel_loop3A_289 = arith.constant 48 : index
          %parallel_loop3A_290 = tpu.vector_load %arg13[%parallel_loop3A_287, %parallel_loop3A_288, %parallel_loop3A_289] {strides = array<i32>} : memref<32x1x128xf32, #tpu.memory_space<vmem>>, vector<16xf32>,
          tpu.vector_store %arg13[%parallel_loop3A_287, %parallel_loop3A_288, %parallel_loop3A_289], %parallel_loop3A_285 {strides = array<i32>} : memref<32x1x128xf32, #tpu.memory_space<vmem>>, vector<16xf32>,
          %parallel_loop3A_291 = arith.constant 64 : i32
          %parallel_loop3A_292 = arith.addi %parallel_loop3A_246, %parallel_loop3A_291 : i32
          %parallel_loop3A_293 = arith.index_cast %parallel_loop3A_292 : i32 to index
          %parallel_loop3A_294 = tpu.vector_load %arg9[%parallel_loop3A_293] {strides = array<i32>} : memref<4096xi32, #tpu.memory_space<vmem>>, vector<16xi32>,
          %parallel_loop3A_295 = tpu.vector_load_idx %arg6[%parallel_loop3A_294] : memref<100000xf32, #tpu.memory_space<vmem>>[vector<16xi32>], vector<16xf32>,
          %parallel_loop3A_296 = arith.addf %parallel_loop3A_295, %gather3A_240 : vector<16xf32>
          %parallel_loop3A_297 = arith.constant 0 : i32
          %parallel_loop3A_298 = arith.index_cast %parallel_loop3A_244 : i32 to index
          %parallel_loop3A_299 = arith.index_cast %parallel_loop3A_297 : i32 to index
          %parallel_loop3A_300 = arith.constant 64 : index
          %parallel_loop3A_301 = tpu.vector_load %arg13[%parallel_loop3A_298, %parallel_loop3A_299, %parallel_loop3A_300] {strides = array<i32>} : memref<32x1x128xf32, #tpu.memory_space<vmem>>, vector<16xf32>,
          tpu.vector_store %arg13[%parallel_loop3A_298, %parallel_loop3A_299, %parallel_loop3A_300], %parallel_loop3A_296 {strides = array<i32>} : memref<32x1x128xf32, #tpu.memory_space<vmem>>, vector<16xf32>,
          %parallel_loop3A_302 = arith.constant 80 : i32
          %parallel_loop3A_303 = arith.addi %parallel_loop3A_246, %parallel_loop3A_302 : i32
          %parallel_loop3A_304 = arith.index_cast %parallel_loop3A_303 : i32 to index
          %parallel_loop3A_305 = tpu.vector_load %arg9[%parallel_loop3A_304] {strides = array<i32>} : memref<4096xi32, #tpu.memory_space<vmem>>, vector<16xi32>,
          %parallel_loop3A_306 = tpu.vector_load_idx %arg6[%parallel_loop3A_305] : memref<100000xf32, #tpu.memory_space<vmem>>[vector<16xi32>], vector<16xf32>,
          %parallel_loop3A_307 = arith.addf %parallel_loop3A_306, %gather3A_240 : vector<16xf32>
          %parallel_loop3A_308 = arith.constant 0 : i32
          %parallel_loop3A_309 = arith.index_cast %parallel_loop3A_244 : i32 to index
          %parallel_loop3A_310 = arith.index_cast %parallel_loop3A_308 : i32 to index
          %parallel_loop3A_311 = arith.constant 80 : index
          %parallel_loop3A_312 = tpu.vector_load %arg13[%parallel_loop3A_309, %parallel_loop3A_310, %parallel_loop3A_311] {strides = array<i32>} : memref<32x1x128xf32, #tpu.memory_space<vmem>>, vector<16xf32>,
          tpu.vector_store %arg13[%parallel_loop3A_309, %parallel_loop3A_310, %parallel_loop3A_311], %parallel_loop3A_307 {strides = array<i32>} : memref<32x1x128xf32, #tpu.memory_space<vmem>>, vector<16xf32>,
          %parallel_loop3A_313 = arith.constant 96 : i32
          %parallel_loop3A_314 = arith.addi %parallel_loop3A_246, %parallel_loop3A_313 : i32
          %parallel_loop3A_315 = arith.index_cast %parallel_loop3A_314 : i32 to index
          %parallel_loop3A_316 = tpu.vector_load %arg9[%parallel_loop3A_315] {strides = array<i32>} : memref<4096xi32, #tpu.memory_space<vmem>>, vector<16xi32>,
          %parallel_loop3A_317 = tpu.vector_load_idx %arg6[%parallel_loop3A_316] : memref<100000xf32, #tpu.memory_space<vmem>>[vector<16xi32>], vector<16xf32>,
          %parallel_loop3A_318 = arith.addf %parallel_loop3A_317, %gather3A_240 : vector<16xf32>
          %parallel_loop3A_319 = arith.constant 0 : i32
          %parallel_loop3A_320 = arith.index_cast %parallel_loop3A_244 : i32 to index
          %parallel_loop3A_321 = arith.index_cast %parallel_loop3A_319 : i32 to index
          %parallel_loop3A_322 = arith.constant 96 : index
          %parallel_loop3A_323 = tpu.vector_load %arg13[%parallel_loop3A_320, %parallel_loop3A_321, %parallel_loop3A_322] {strides = array<i32>} : memref<32x1x128xf32, #tpu.memory_space<vmem>>, vector<16xf32>,
          tpu.vector_store %arg13[%parallel_loop3A_320, %parallel_loop3A_321, %parallel_loop3A_322], %parallel_loop3A_318 {strides = array<i32>} : memref<32x1x128xf32, #tpu.memory_space<vmem>>, vector<16xf32>,
          %parallel_loop3A_324 = arith.constant 112 : i32
          %parallel_loop3A_325 = arith.addi %parallel_loop3A_246, %parallel_loop3A_324 : i32
          %parallel_loop3A_326 = arith.index_cast %parallel_loop3A_325 : i32 to index
          %parallel_loop3A_327 = tpu.vector_load %arg9[%parallel_loop3A_326] {strides = array<i32>} : memref<4096xi32, #tpu.memory_space<vmem>>, vector<16xi32>,
          %parallel_loop3A_328 = tpu.vector_load_idx %arg6[%parallel_loop3A_327] : memref<100000xf32, #tpu.memory_space<vmem>>[vector<16xi32>], vector<16xf32>,
          %parallel_loop3A_329 = arith.addf %parallel_loop3A_328, %gather3A_240 : vector<16xf32>
          %parallel_loop3A_330 = arith.constant 0 : i32
          %parallel_loop3A_331 = arith.index_cast %parallel_loop3A_244 : i32 to index
          %parallel_loop3A_332 = arith.index_cast %parallel_loop3A_330 : i32 to index
          %parallel_loop3A_333 = arith.constant 112 : index
          %parallel_loop3A_334 = tpu.vector_load %arg13[%parallel_loop3A_331, %parallel_loop3A_332, %parallel_loop3A_333] {strides = array<i32>} : memref<32x1x128xf32, #tpu.memory_space<vmem>>, vector<16xf32>,
          tpu.vector_store %arg13[%parallel_loop3A_331, %parallel_loop3A_332, %parallel_loop3A_333], %parallel_loop3A_329 {strides = array<i32>} : memref<32x1x128xf32, #tpu.memory_space<vmem>>, vector<16xf32>,
        } {sc.loop_unroll_factor = 8 : i64, sc.parallel_access}
      }
      %scan3A_49 = arith.constant 50 : i32
      %dma_wait3A = arith.constant 0 : i32
      %dma_wait3A_50 = arith.constant 0 : i32
      %dma_wait3A_51 = arith.constant 0 : i32
      %dma_wait3A_52 = arith.constant 0 : i32
      %dma_wait3A_53 = arith.constant 0 : i32
      %dma_wait3A_54 = tpu.memref_slice %arg5[%dma_wait3A, %dma_wait3A_50, %dma_wait3A_51, %dma_wait3A_52, %dma_wait3A_53] : memref<200x8x32x8x128xf32, #tpu.memory_space<hbm>> -> memref<1x1x32x1x128xf32, #tpu.memory_space<hbm>>
      %dma_wait3A_55 = tpu.memref_squeeze %dma_wait3A_54 : memref<1x1x32x1x128xf32, #tpu.memory_space<hbm>> -> memref<32x1x128xf32, #tpu.memory_space<hbm>>
      %dma_wait3A_56 = arith.constant 0 : i32
      %dma_wait3A_57 = arith.constant 0 : i32
      %dma_wait3A_58 = arith.constant 0 : i32
      %dma_wait3A_59 = tpu.memref_slice %arg5[%dma_wait3A, %dma_wait3A_50, %dma_wait3A_56, %dma_wait3A_57, %dma_wait3A_58] : memref<200x8x32x8x128xf32, #tpu.memory_space<hbm>> -> memref<1x1x32x1x128xf32, #tpu.memory_space<hbm>>
      %dma_wait3A_60 = tpu.memref_squeeze %dma_wait3A_59 : memref<1x1x32x1x128xf32, #tpu.memory_space<hbm>> -> memref<32x1x128xf32, #tpu.memory_space<hbm>>
      tpu.wait_dma2 semaphore(%arg16 : memref<!tpu.dma_semaphore, #tpu.memory_space<semaphore_mem>>) src(%arg10 : memref<32x1x128xf32, #tpu.memory_space<vmem>>) dst(%dma_wait3A_60 : memref<32x1x128xf32, #tpu.memory_space<hbm>>)
      %dma_wait3A_61 = arith.constant 0 : i32
      %dma_wait3A_62 = arith.constant 0 : i32
      %dma_wait3A_63 = arith.constant 0 : i32
      %dma_wait3A_64 = arith.constant 0 : i32
      %dma_wait3A_65 = arith.constant 0 : i32
      %dma_wait3A_66 = tpu.memref_slice %arg5[%dma_wait3A_61, %dma_wait3A_62, %dma_wait3A_63, %dma_wait3A_64, %dma_wait3A_65] : memref<200x8x32x8x128xf32, #tpu.memory_space<hbm>> -> memref<1x1x32x1x128xf32, #tpu.memory_space<hbm>>
      %dma_wait3A_67 = tpu.memref_squeeze %dma_wait3A_66 : memref<1x1x32x1x128xf32, #tpu.memory_space<hbm>> -> memref<32x1x128xf32, #tpu.memory_space<hbm>>
      %dma_wait3A_68 = arith.constant 0 : i32
      %dma_wait3A_69 = arith.constant 0 : i32
      %dma_wait3A_70 = arith.constant 0 : i32
      %dma_wait3A_71 = tpu.memref_slice %arg5[%dma_wait3A_61, %dma_wait3A_62, %dma_wait3A_68, %dma_wait3A_69, %dma_wait3A_70] : memref<200x8x32x8x128xf32, #tpu.memory_space<hbm>> -> memref<1x1x32x1x128xf32, #tpu.memory_space<hbm>>
      %dma_wait3A_72 = tpu.memref_squeeze %dma_wait3A_71 : memref<1x1x32x1x128xf32, #tpu.memory_space<hbm>> -> memref<32x1x128xf32, #tpu.memory_space<hbm>>
      tpu.wait_dma2 semaphore(%arg17 : memref<!tpu.dma_semaphore, #tpu.memory_space<semaphore_mem>>) src(%arg11 : memref<32x1x128xf32, #tpu.memory_space<vmem>>) dst(%dma_wait3A_72 : memref<32x1x128xf32, #tpu.memory_space<hbm>>)
      %dma_wait3A_73 = arith.constant 0 : i32
      %dma_wait3A_74 = arith.constant 0 : i32
      %dma_wait3A_75 = arith.constant 0 : i32
      %dma_wait3A_76 = arith.constant 0 : i32
      %dma_wait3A_77 = arith.constant 0 : i32
      %dma_wait3A_78 = tpu.memref_slice %arg5[%dma_wait3A_73, %dma_wait3A_74, %dma_wait3A_75, %dma_wait3A_76, %dma_wait3A_77] : memref<200x8x32x8x128xf32, #tpu.memory_space<hbm>> -> memref<1x1x32x1x128xf32, #tpu.memory_space<hbm>>
      %dma_wait3A_79 = tpu.memref_squeeze %dma_wait3A_78 : memref<1x1x32x1x128xf32, #tpu.memory_space<hbm>> -> memref<32x1x128xf32, #tpu.memory_space<hbm>>
      %dma_wait3A_80 = arith.constant 0 : i32
      %dma_wait3A_81 = arith.constant 0 : i32
      %dma_wait3A_82 = arith.constant 0 : i32
      %dma_wait3A_83 = tpu.memref_slice %arg5[%dma_wait3A_73, %dma_wait3A_74, %dma_wait3A_80, %dma_wait3A_81, %dma_wait3A_82] : memref<200x8x32x8x128xf32, #tpu.memory_space<hbm>> -> memref<1x1x32x1x128xf32, #tpu.memory_space<hbm>>
      %dma_wait3A_84 = tpu.memref_squeeze %dma_wait3A_83 : memref<1x1x32x1x128xf32, #tpu.memory_space<hbm>> -> memref<32x1x128xf32, #tpu.memory_space<hbm>>
      tpu.wait_dma2 semaphore(%arg18 : memref<!tpu.dma_semaphore, #tpu.memory_space<semaphore_mem>>) src(%arg12 : memref<32x1x128xf32, #tpu.memory_space<vmem>>) dst(%dma_wait3A_84 : memref<32x1x128xf32, #tpu.memory_space<hbm>>)
      %dma_start3A_85 = arith.constant 199 : i32
      %dma_start3A_86 = arith.constant 0 : i32
      %dma_start3A_87 = arith.constant 0 : i32
      %dma_start3A_88 = tpu.memref_slice %arg5[%dma_start3A_85, %select_n3A, %dma_start3A_86, %select_n3A_38, %dma_start3A_87] : memref<200x8x32x8x128xf32, #tpu.memory_space<hbm>> -> memref<1x1x32x1x128xf32, #tpu.memory_space<hbm>>
      %dma_start3A_89 = tpu.memref_squeeze %dma_start3A_88 : memref<1x1x32x1x128xf32, #tpu.memory_space<hbm>> -> memref<32x1x128xf32, #tpu.memory_space<hbm>>
      %dma_start3A_90 = arith.constant 0 : i32
      %dma_start3A_91 = arith.constant 0 : i32
      %dma_start3A_92 = tpu.memref_slice %arg5[%dma_start3A_85, %select_n3A, %dma_start3A_90, %select_n3A_38, %dma_start3A_91] : memref<200x8x32x8x128xf32, #tpu.memory_space<hbm>> -> memref<1x1x32x1x128xf32, #tpu.memory_space<hbm>>
      %dma_start3A_93 = tpu.memref_squeeze %dma_start3A_92 : memref<1x1x32x1x128xf32, #tpu.memory_space<hbm>> -> memref<32x1x128xf32, #tpu.memory_space<hbm>>
      tpu.enqueue_dma source(%arg13 : memref<32x1x128xf32, #tpu.memory_space<vmem>>) target(%dma_start3A_93 : memref<32x1x128xf32, #tpu.memory_space<hbm>>) target_semaphore(%arg19 : memref<!tpu.dma_semaphore, #tpu.memory_space<semaphore_mem>>)
      %dma_wait3A_94 = arith.constant 0 : i32
      %dma_wait3A_95 = arith.constant 0 : i32
      %dma_wait3A_96 = arith.constant 0 : i32
      %dma_wait3A_97 = arith.constant 0 : i32
      %dma_wait3A_98 = arith.constant 0 : i32
      %dma_wait3A_99 = tpu.memref_slice %arg5[%dma_wait3A_94, %dma_wait3A_95, %dma_wait3A_96, %dma_wait3A_97, %dma_wait3A_98] : memref<200x8x32x8x128xf32, #tpu.memory_space<hbm>> -> memref<1x1x32x1x128xf32, #tpu.memory_space<hbm>>
      %dma_wait3A_100 = tpu.memref_squeeze %dma_wait3A_99 : memref<1x1x32x1x128xf32, #tpu.memory_space<hbm>> -> memref<32x1x128xf32, #tpu.memory_space<hbm>>
      %dma_wait3A_101 = arith.constant 0 : i32
      %dma_wait3A_102 = arith.constant 0 : i32
      %dma_wait3A_103 = arith.constant 0 : i32
      %dma_wait3A_104 = tpu.memref_slice %arg5[%dma_wait3A_94, %dma_wait3A_95, %dma_wait3A_101, %dma_wait3A_102, %dma_wait3A_103] : memref<200x8x32x8x128xf32, #tpu.memory_space<hbm>> -> memref<1x1x32x1x128xf32, #tpu.memory_space<hbm>>
      %dma_wait3A_105 = tpu.memref_squeeze %dma_wait3A_104 : memref<1x1x32x1x128xf32, #tpu.memory_space<hbm>> -> memref<32x1x128xf32, #tpu.memory_space<hbm>>
      tpu.wait_dma2 semaphore(%arg19 : memref<!tpu.dma_semaphore, #tpu.memory_space<semaphore_mem>>) src(%arg13 : memref<32x1x128xf32, #tpu.memory_space<vmem>>) dst(%dma_wait3A_105 : memref<32x1x128xf32, #tpu.memory_space<hbm>>)
    }
    %scan3A_4 = arith.constant 2 : i32
    return
  }
}

</mosaic_0001>

<sc_bundles>
// kernel: kernel.3.cloned.1.call-start
scs
__scs_entry_jumppad:
0x0: {  	(pc) =	sbr.rel $0x88, $3  }
0x1: {  	(tag) =	ssettag $0x0;
	lr =	simm.s32 $0x1  }
0x2: {  	[smem:$0x3F9E] =	sst lr;
	_ =	strace $0xD0000000  }
0x3: {  	_ = 	snop  }
0x4: {  	_ = 	snop  }
0x5: {  	_ = 	snop  }
0x6: {  	_ = 	snop  }
0x7: {  	_ = 	snop  }
__scs_overlays_trampoline_lowered:
0x8: {  	[smem:$0x3FAD] =	sst s0  }
0x9: {  	[smem:$0x3FAE] =	sst s1  }
0xa: {  	[smem:$0x3FAF] =	sst s2  }
0xb: {  	[smem:$0x3FB0] =	sst s3  }
0xc: {  	[smem:$0x3FB1] =	sst s4  }
0xd: {  	[smem:$0x3FB2] =	sst s5  }
0xe: {  	[smem:$0x3FB3] =	sst s6  }
0xf: {  	[smem:$0x3FB4] =	sst s7  }
0x10: {  	[smem:$0x3FB5] =	sst s8  }
0x11: {  	[smem:$0x3FB6] =	sst s9;
	s0 =	simm.s32 @!p0 $0x0  }
0x12: {  	s1 =	sld [smem:$0x3F9C];
	s0 =	simm.s32 @p0 $0x1  }
0x13: {  	[smem:$0x3FB7] =	sst s0;
	s0 =	simm.s32 @!p1 $0x0  }
0x14: {  	s2 =	sld [smem:$0x3F9B];
	s0 =	simm.s32 @p1 $0x1  }
0x15: {  	[smem:$0x3FB8] =	sst s0;
	s0 =	simm.s32 @!p2 $0x0  }
0x16: {  	s3 =	sld [smem:$0x3FDB];
	s0 =	simm.s32 @p2 $0x1  }
0x17: {  	s4 =	simm.s32 $0x1BF5;
	[smem:$0x3FBA] =	sst s0  }
0x18: {  	s0 =	sld [smem:$0x3F9D];
	_ =	swait.ge [sflag:s4], $0x0  }
0x19: {  	s7 =	sld [smem:$0x3F9E]  }
0x1a: {  	s8 =	sadd.s32 $0xFFFFE003, lr  }
0x1b: {  	s9 =	sadd.s32 $0xFFFFFEF7, lr;
	s5 =	simm.s32 $0xFFFFFFFF;
	p2 =	slt.u32 s8, $0xFFFFF086  }
0x1c: {  	p1 =	slt.u32 s9, $0xF7A;
	s5 =	simm.s32 @!p2 $0x0  }
0x1d: {  	s5 =	simm.s32 @p1 $0x1;
	p0 =	seq.s32 s7, s2  }
0x1e: {  	s7 =	smul.u32 @!p0 $0xF7A, s2;
	p2 =	seq.s32 @!p0 s5, $0x0  }
0x1f: {  	s9 =	smul.u32 $0xF7A, s1;
	s8 =	simm.s32 @!p0 $0x1BF5;
	p2 =	por !p2, p0  }
0x20: {  	[sflag:s8] =	ssyncset.s32 @!p0 $0xFFFFF086;
	s6 =	sadd.s32 @!p0 s3, s7;
	s7 =	simm.s32 @!p0 $0x108  }
0x21: {  	s3 =	sadd.s32 s3, s9;
	s6 =	sadd.s32 @!p0 $0x88, s6;
	s7 =	simm.s32 @p2 $0x1082  }
0x22: {  	[simem:s7], [sflag:s8] =	dma.local @!p0 [hbm:s6], $0xF7A  }
0x23: {  	s9 =	sor.u32 $0xD0000000, s2;
	s6 =	simm.s32 $0x108;
	_ =	swait.ge @!p0 [sflag:s8], $0x0  }
0x24: {  	s3 =	sadd.s32 $0x88, s3;
	s6 =	simm.s32 @!p1 $0x1082;
	[sflag:s4] =	ssyncset.s32 $0xFFFFF086  }
0x25: {  	[simem:s6], [sflag:s4] =	dma.local [hbm:s3], $0xF7A  }
0x26: {  	[smem:$0x3F9E] =	sst s1;
	(tag) =	ssettag s2;
	_ =	strace s9  }
0x27: {  	s1 =	sld [smem:$0x3FAE]  }
0x28: {  	s2 =	sld [smem:$0x3FAF]  }
0x29: {  	s4 =	sld [smem:$0x3FB1]  }
0x2a: {  	p0 =	seq.s32 s5, $0x0;
	s5 =	sld [smem:$0x3FB2]  }
0x2b: {  	s6 =	sld [smem:$0x3FB3]  }
0x2c: {  	s7 =	sld [smem:$0x3FB4]  }
0x2d: {  	s3 =	simm.s32 $0x108;
	s8 =	sld [smem:$0x3FB5]  }
0x2e: {  	s3 =	simm.s32 @!p0 $0x1082;
	s9 =	sld [smem:$0x3FB6]  }
0x2f: {  	lr =	sadd.s32 s0, s3;
	s0 =	sld [smem:$0x3FAD]  }
0x30: {  	s3 =	sld [smem:$0x3FB0]  }
0x31: {  	[smem:$0x3FB9] =	sst s10  }
0x32: {  	s10 =	sld [smem:$0x3FB7];
	_ =	sdelay $0x3  }
0x33: {  	p0 =	seq.s32 s10, $0x1;
	s10 =	sld [smem:$0x3FB9];
	_ =	sdelay $0x3  }
0x34: {  	[smem:$0x3FB9] =	sst s10  }
0x35: {  	s10 =	sld [smem:$0x3FB8];
	_ =	sdelay $0x3  }
0x36: {  	p1 =	seq.s32 s10, $0x1;
	s10 =	sld [smem:$0x3FB9];
	_ =	sdelay $0x3  }
0x37: {  	[smem:$0x3FB9] =	sst s10  }
0x38: {  	s10 =	sld [smem:$0x3FBA]  }
0x39: {  	_ = 	snop;
	(pc) =	sbr.ind lr, $3  }
0x3a: {  	_ = 	snop  }
0x3b: {  	_ = 	snop  }
0x3c: {  	p2 =	seq.s32 s10, $0x1;
	s10 =	sld [smem:$0x3FB9]  }
0x3d: {  	_ =	shalt  }
0x3e: {  	_ =	shalt  }
0x3f: {  	_ =	shalt  }
0x40: {  	_ =	shalt  }
0x41: {  	_ =	shalt  }
0x42: {  	_ =	shalt  }
0x43: {  	_ =	shalt  }
0x44: {  	_ =	shalt  }
0x45: {  	_ =	shalt  }
0x46: {  	_ =	shalt  }
0x47: {  	_ =	shalt  }
0x48: {  	_ =	shalt  }
0x49: {  	_ =	shalt  }
0x4a: {  	_ =	shalt  }
0x4b: {  	_ =	shalt  }
0x4c: {  	_ =	shalt  }
0x4d: {  	_ =	shalt  }
0x4e: {  	_ =	shalt  }
0x4f: {  	_ =	shalt  }
0x50: {  	_ =	shalt  }
0x51: {  	_ =	shalt  }
0x52: {  	_ =	shalt  }
0x53: {  	_ =	shalt  }
0x54: {  	_ =	shalt  }
0x55: {  	_ =	shalt  }
0x56: {  	_ =	shalt  }
0x57: {  	_ =	shalt  }
0x58: {  	_ =	shalt  }
0x59: {  	_ =	shalt  }
0x5a: {  	_ =	shalt  }
0x5b: {  	_ =	shalt  }
0x5c: {  	_ =	shalt  }
0x5d: {  	_ =	shalt  }
0x5e: {  	_ =	shalt  }
0x5f: {  	_ =	shalt  }
0x60: {  	_ =	shalt  }
0x61: {  	_ =	shalt  }
0x62: {  	_ =	shalt  }
0x63: {  	_ =	shalt  }
0x64: {  	_ =	shalt  }
0x65: {  	_ =	shalt  }
0x66: {  	_ =	shalt  }
0x67: {  	_ =	shalt  }
0x68: {  	_ =	shalt  }
0x69: {  	_ =	shalt  }
0x6a: {  	_ =	shalt  }
0x6b: {  	_ =	shalt  }
0x6c: {  	_ =	shalt  }
0x6d: {  	_ =	shalt  }
0x6e: {  	_ =	shalt  }
0x6f: {  	_ =	shalt  }
0x70: {  	_ =	shalt  }
0x71: {  	_ =	shalt  }
0x72: {  	_ =	shalt  }
0x73: {  	_ =	shalt  }
0x74: {  	_ =	shalt  }
0x75: {  	_ =	shalt  }
0x76: {  	_ =	shalt  }
0x77: {  	_ =	shalt  }
0x78: {  	_ =	shalt  }
0x79: {  	_ =	shalt  }
0x7a: {  	_ =	shalt  }
0x7b: {  	_ =	shalt  }
0x7c: {  	_ =	shalt  }
0x7d: {  	_ =	shalt  }
0x7e: {  	_ =	shalt  }
0x7f: {  	_ =	shalt  }
0x80: {  	_ =	shalt  }
0x81: {  	_ =	shalt  }
0x82: {  	_ =	shalt  }
0x83: {  	_ =	shalt  }
0x84: {  	_ =	shalt  }
0x85: {  	_ =	shalt  }
0x86: {  	_ =	shalt  }
0x87: {  	_ =	shalt  }
.Lfunc_end0:
.L_simem_size_0:
called_computation_lowered:
.L_overlay_start_0:
0x88: {  	s2 =	sld [smem:$0x3FD9]  }
0x89: {  	s3 =	sld [smem:$0x3FFE];
	_ =	sdelay $0x1  }
0x8a: {  	s1 =	srdreg.scid  }
0x8b: {  	s0 =	sand.u32 $0x1, s1  }
0x8c: {  	s17 =	sshll.u32 s0, $0xA;
	s2 =	sadd.s32 s3, s2  }
0x8d: {  	s2 =	sadd.s32 s2, s17  }
0x8e: {  	[smem:$0x3FC5] =	sst s2  }
0x8f: {  	_ = 	snop  }
0x90: {  	s2 =	sld [smem:$0x3FD0];
	(tm) =	ssettm $0x1  }
0x91: {  	s18 =	sld [smem:$0x3FFB];
	_ =	sdelay $0x3  }
0x92: {  	_ =	strace s18  }
0x93: {  	s3 =	sld [smem:$0x3FFC];
	_ =	sdelay $0x3  }
0x94: {  	_ =	strace s3  }
0x95: {  	s3 =	sld [smem:$0x3FFD];
	_ =	sdelay $0x3  }
0x96: {  	_ =	strace s3  }
0x97: {  	_ =	strace $0x8FFFFFFF  }
0x98: {  	s19 =	sld [smem:$0x3FDB];
	_ =	sdelay $0x1  }
0x99: {  	s4 =	simm.s32 $_scs_section_size  }
0x9a: {  	s5 =	simm.s32 $_size__tile_overlayer_lowered;
	s6 =	simm.s32 $_tile_overlayer_lowered  }
0x9b: {  	s22 =	simm.s32 $0x1BFF;
	s21 =	sshll.u32 s6, $0x1;
	s3 =	sadd.s32 s4, s19  }
0x9c: {  	s7 =	simm.s32 $0x0;
	s20 =	sshll.u32 s5, $0x1;
	s5 =	sadd.s32 s21, s3  }
0x9d: {  	[timem:s7], [sflag:s22] =	dma.local [hbm:s5], s20  }
0x9e: {  	_ =	swait.ge [sflag:s22], s20  }
0x9f: {  	s4 =	ssub.s32 $0x0, s20;
	[sflag:s22] =	ssyncset.done $0x0  }
0xa0: {  	[sflag:s22] =	ssyncadd.s32 s4;
	_ =	sdelay $0x1  }
0xa1: {  	s23 =	simm.s32 $0x1B8B  }
0xa2: {  	_ =	swait.ge [sflag:s23], $0x1  }
0xa3: {  	[sflag:s23] =	ssyncset.done $0x0  }
0xa4: {  	s25 =	simm.s32 $0x1B8E;
	s24 =	sld [smem:$0x3FFE];
	[sflag:s23] =	ssyncadd.s32 $0xFFFFFFFF  }
0xa5: {  	s26 =	simm.s32 $execute0_lowered;
	[smem:$0x3FD2] =	sst s25  }
0xa6: {  	s5 =	sshll.u32 s26, $0x1;
	_ =	strace $0x80000046;
	[dreg:$0x1] =	wrdreg $0xFFFFFFFF  }
0xa7: {  	s28 =	simm.s32 $_size_execute0_lowered;
	s3 =	sadd.s32 s3, s5;
	[dreg:$0x0] =	wrdreg $0x0  }
0xa8: {  	s5 =	sshll.u32 s28, $0x1;
	[dreg:$0x2] =	wrdreg s3  }
0xa9: {  	[dreg:$0x3] =	wrdreg s5  }
0xaa: {  	[dreg:$0x4] =	wrdreg $0xC0  }
0xab: {  	_ =	task [dreg:s7], $0x5FFFF  }
0xac: {  	[dreg:$0x1] =	wrdreg $0xFFFFFFFF  }
0xad: {  	[dreg:$0x0] =	wrdreg $0x60  }
0xae: {  	[dreg:$0x2] =	wrdreg s24  }
0xaf: {  	[dreg:$0x3] =	wrdreg s2  }
0xb0: {  	[dreg:$0x4] =	wrdreg $0x9  }
0xb1: {  	_ =	task.clear_ibuf [dreg:s7], $0x5FFFF;
	_ =	strace $0x90000046  }
0xb2: {  	s29 =	simm.s32 $0x9;
	_ =	strace $0x80000048  }
0xb3: {  	_ =	swait.ge [sflag:s29], $0x1  }
0xb4: {  	[sflag:s29] =	ssyncadd.s32 $0xFFFFFFFF  }
0xb5: {  	_ =	strace $0x90000048  }
0xb6: {  	_ =	sfence  }
0xb7: {  	s30 =	sld [smem:$0x0];
	_ =	sdelay $0x2  }
0xb8: {  	s31 =	sshll.u32 s1, $0xD;
	s1 =	sshrl.u32 s1, $0x2  }
0xb9: {  	s3 =	sand.u32 $0x4000, s31;
	s1 =	sadd.s32 s1, s30  }
0xba: {  	s0 =	sor.u32 s3, s0;
	s1 =	sshll.u32 s1, $0x11  }
0xbb: {  	s0 =	sor.u32 s1, s0  }
0xbc: {  	s0 =	sadd.s32 $0x8F2B, s0  }
0xbd: {  	[sflag:s0] =	ssyncadd.remote.s32 $0x1  }
0xbe: {  	_ =	sfence.sel $0xFFFF  }
0xbf: {  	[dreg:$0x0] =	wrdreg $0xFFFFFFFF;
	(pc) =	sbr.abs _section_cstart, $3  }
0xc0: {  	[dreg:$0x1] =	wrdreg $0xFFFFFFFF  }
0xc1: {  	_ =	task.clear_ibuf [dreg:s7], $0x2FFFF;
	_ =	strace $0x9FFFFFFF  }
0xc2: {  	(tm) =	ssettm $0x7FFFFFFF  }
0xc3: {  	_ =	shalt  }
tec
execute0_lowered:
.L_overlay_start_1:
0x0: {  	(tag) =	ssettag $0x1  }
0x1: {  	s0 =	rddreg [dreg:$0x0]  }
0x2: {  	s1 =	rddreg [dreg:$0x1];
	s2 =	simm.s32 $0x0  }
0x3: {  	s3 =	srdreg.scid;
	s7 =	stileid.u32;
	s13 =	simm.s32 $0x7  }
0x4: {  	s14 =	simm.s32 $0x186A0;
	s15 =	simm.s32 $0x18768;
	s16 =	simm.s32 $0x1  }
0x5: {  	s17 =	simm.s32 $0x19768;
	s18 =	simm.s32 $0x2;
	s19 =	simm.s32 $0x80  }
0x6: {  	s20 =	simm.s32 $0x400;
	s21 =	simm.s32 $0x1A768;
	s22 =	simm.s32 $0x1B768  }
0x7: {  	s29 =	simm.s32 $0x6;
	[smem:$0x7FF] =	sst s2;
	s3 =	sand.u32 $0x1, s3  }
0x8: {  	s4 =	sadd.s32 $0xC00, s0;
	s6 =	sadd.s32 $0x19C00, s0;
	s8 =	sadd.s32 $0x400, s0  }
0x9: {  	s24 =	sshrl.u32 s7, $0x1;
	s7 =	sshll.u32 s7, $0x2;
	s9 =	sadd.s32 $0x1400, s0  }
0xa: {  	_ =	strace $0x80000047;
	s5 =	ssub.s32 $0x2, s3;
	[dreg:$0x3] =	wrdreg s6  }
0xb: {  	[dreg:$0x4] =	wrdreg s8;
	s3 =	sshll.u32 s3, $0x1;
	s25 =	sshll.u32 s24, $0xC  }
0xc: {  	s6 =	sshll.u32 s24, $0xF;
	s24 =	simm.s32 $0x3;
	s23 =	sshrl.u32 s5, $0x1  }
0xd: {  	s3 =	sor.u32 s3, s7;
	s26 =	sadd.s32 s25, s1;
	s12 =	smov.u32 s6  }
0xe: {  	s31 =	sor.u32 $0xFFFC0000, s6;
	s25 =	simm.s32 $0x4;
	[dreg:$0x5] =	wrdreg s3  }
0xf: {  	s5 =	ssub.s32 s5, s23;
	s28 =	sadd.s32 $0x638000, s26;
	[dreg:$0x8] =	wrdreg s31  }
0x10: {  	s23 =	simm.s32 $0x1C768;
	[dreg:$0x6] =	wrdreg s28;
	s30 =	smax.u32 s5, $0x1  }
0x11: {  	s26 =	simm.s32 $0x5;
	s3 =	simm.s32 $0x0;
	[dreg:$0x7] =	wrdreg s30  }
.LBB2_1:
0x12: {  	[dreg:$0x9] =	wrdreg s3;
	p1 =	por $0x1, $0x1;
	s0 =	simm.s32 $0x0  }
.LBB2_2:
0x13: {  	s3 =	rddreg [dreg:$0x5]  }
0x14: {  	s0 =	sor.u32 s3, s0  }
0x15: {  	s3 =	smul.u32 $0x30D4, s0  }
0x16: {  	s5 =	rddreg [dreg:$0x3]  }
0x17: {  	s31 =	simm.s32 $0x0;
	s3 =	sadd.s32 s5, s3  }
0x18: {  	[tilespmem:s31], [sflag:$0x7] =	stream.linear.gather [hbm4b:s3+s31], $0x186A0, $0x38;
	[tilespmem:$0x1E768] =	vst v63  }
0x19: {  	s10 =	smul.u32 $0x19, s0;
	_ =	swait.ge [sflag:s13], $0x186A0  }
0x1a: {  	[sflag:s13] =	ssyncset.done $0x0;
	s11 =	rddreg [dreg:$0x4]  }
0x1b: {  	[sflag:s13] =	ssyncadd.s32 $0xFFFE7960;
	s3 =	sadd.s32 s11, s10  }
0x1c: {  	[tilespmem:s14], [sflag:$0x7] =	stream.linear.gather [hbm4b:s3+s31], $0xC8, $0x38;
	[tilespmem:$0x1E768] =	vst v63  }
0x1d: {  	p0 =	por p1, p1;
	s0 =	sand.u32 $0x7, s0;
	_ =	swait.ge [sflag:s13], $0xC8  }
0x1e: {  	s28 =	sshll.u32 s0, $0x7;
	[sflag:s13] =	ssyncset.done $0x0;
	s30 =	rddreg [dreg:$0x8]  }
0x1f: {  	s11 =	sor.u32 s28, s12;
	[sflag:s13] =	ssyncadd.s32 $0xFFFFFF38;
	s3 =	sor.u32 s30, s28  }
0x20: {  	[tilespmem:s15], [sflag:$0x1] =	stream.linear.gather [hbm4b:s4+s31], $0x1000, $0x38;
	[tilespmem:$0x1E768] =	vst v63  }
.LBB2_3:
0x21: {  	s5 =	sshll.u32 s31, $0x2  }
0x22: {  	_ =	swait.ge [sflag:s16], $0x1000;
	s28 =	sor.u32 $0x1, s5  }
0x23: {  	[sflag:s16] =	ssyncset.done $0x0;
	v0 =	vmov s5;
	s6 =	sshll.u32 s28, $0x9  }
0x24: {  	p1 =	seq.s32 s31, $0x0;
	[sflag:s16] =	ssyncadd.s32 $0xFFFFF000;
	v0 =	vand.u32 $0xFFFFFFFC, v0;
	s6 =	sadd.s32 s4, s6  }
0x25: {  	v0 =	vbroadcast v0, $0x0;
	[tilespmem:s17], [sflag:$0x2] =	stream.linear.gather [hbm4b:s6+s2], $0x1000, $0x38;
	[tilespmem:$0x1E768] =	vst v63  }
0x26: {  	s7 =	sshll.u32 @!p1 s31, $0x14;
	s6 =	simm.s32 @!p1 $0x3  }
0x27: {  	s8 =	simm.s32 @!p1 $0x400;
	s7 =	sadd.s32 @!p1 s3, s7;
	_ =	swait.ge @!p1 [sflag:s6], $0x1000  }
0x28: {  	s10 =	simm.s32 @!p1 $0x1D768;
	s7 =	sshrl.u32 @!p1 s7, $0x3;
	[sflag:s6] =	ssyncset.done @!p1 $0x0  }
0x29: {  	[sflag:s6] =	ssyncadd.s32 @!p1 $0xFFFFF000;
	s6 =	sadd.s32 @!p1 s1, s7;
	s7 =	simm.s32 @!p1 $0x80  }
0x2a: {  	[hbm4b:s6+s7] =	stream.strided.scatter @!p1 [tilespmem:s10], [sflag:$0x6], $0x1000, s8, s7, $0x38;
	[tilespmem:$0x1E768] =	vst v63  }
0x2b: {  	s10 =	simm.s32 $0x18968;
	v0 =	vld.idx.msk [tilespmem:v0+s14+$0x0], $0xffff  }
0x2c: {  	v1 =	vld [tilespmem:s10+$0x180]  }
0x2d: {  	v2 =	vld [tilespmem:s10+$0xFFFFFE80]  }
0x2e: {  	v3 =	vld [tilespmem:s10+$0xFFFFFF00]  }
0x2f: {  	v4 =	vld [tilespmem:s10+$0xFFFFFF80]  }
0x30: {  	v5 =	vld [tilespmem:s10+$0x0]  }
0x31: {  	v6 =	vld [tilespmem:s10+$0x80]  }
0x32: {  	v7 =	vld [tilespmem:s10+$0x100]  }
0x33: {  	v8 =	vld [tilespmem:s10+$0xFFFFFE00]  }
0x34: {  	v1 =	vld.idx.msk [tilespmem:v1+s2+$0x0], $0xffff  }
0x35: {  	v2 =	vld.idx.msk [tilespmem:v2+s2+$0x0], $0xffff  }
0x36: {  	v3 =	vld.idx.msk [tilespmem:v3+s2+$0x0], $0xffff  }
0x37: {  	v4 =	vld.idx.msk [tilespmem:v4+s2+$0x0], $0xffff  }
0x38: {  	v5 =	vld.idx.msk [tilespmem:v5+s2+$0x0], $0xffff  }
0x39: {  	v6 =	vld.idx.msk [tilespmem:v6+s2+$0x0], $0xffff;
	v1 =	vadd.f32 v1, v0  }
0x3a: {  	s30 =	simm.s32 $0x1A968;
	v7 =	vld.idx.msk [tilespmem:v7+s2+$0x0], $0xffff;
	v2 =	vadd.f32 v2, v0  }
0x3b: {  	v8 =	vld.idx.msk [tilespmem:v8+s2+$0x0], $0xffff;
	v3 =	vadd.f32 v3, v0;
	[tilespmem:s30+$0x180] =	vst v1  }
0x3c: {  	[tilespmem:s30+$0xFFFFFE80] =	vst v2;
	v1 =	vadd.f32 v4, v0;
	v2 =	vld [tilespmem:s10+$0x190]  }
0x3d: {  	[tilespmem:s30+$0xFFFFFF00] =	vst v3;
	v3 =	vadd.f32 v5, v0;
	v4 =	vld [tilespmem:s10+$0xFFFFFE90]  }
0x3e: {  	v5 =	vld [tilespmem:s10+$0xFFFFFF10];
	[tilespmem:s30+$0xFFFFFF80] =	vst v1;
	v1 =	vadd.f32 v6, v0  }
0x3f: {  	[tilespmem:s30+$0x0] =	vst v3;
	v3 =	vadd.f32 v7, v0;
	v6 =	vld [tilespmem:s10+$0xFFFFFF90]  }
0x40: {  	v7 =	vadd.f32 v8, v0;
	v8 =	vld [tilespmem:s10+$0x10];
	[tilespmem:s30+$0x80] =	vst v1  }
0x41: {  	[tilespmem:s30+$0x100] =	vst v3;
	v1 =	vld [tilespmem:s10+$0x90]  }
0x42: {  	[tilespmem:s30+$0xFFFFFE00] =	vst v7;
	v3 =	vld [tilespmem:s10+$0x110]  }
0x43: {  	v7 =	vld [tilespmem:s10+$0xFFFFFE10]  }
0x44: {  	v2 =	vld.idx.msk [tilespmem:v2+s2+$0x0], $0xffff  }
0x45: {  	v4 =	vld.idx.msk [tilespmem:v4+s2+$0x0], $0xffff  }
0x46: {  	v5 =	vld.idx.msk [tilespmem:v5+s2+$0x0], $0xffff  }
0x47: {  	v6 =	vld.idx.msk [tilespmem:v6+s2+$0x0], $0xffff  }
0x48: {  	v8 =	vld.idx.msk [tilespmem:v8+s2+$0x0], $0xffff  }
0x49: {  	v1 =	vld.idx.msk [tilespmem:v1+s2+$0x0], $0xffff;
	v2 =	vadd.f32 v2, v0  }
0x4a: {  	v3 =	vld.idx.msk [tilespmem:v3+s2+$0x0], $0xffff;
	v4 =	vadd.f32 v4, v0  }
0x4b: {  	v7 =	vld.idx.msk [tilespmem:v7+s2+$0x0], $0xffff;
	v5 =	vadd.f32 v5, v0;
	[tilespmem:s30+$0x190] =	vst v2  }
0x4c: {  	[tilespmem:s30+$0xFFFFFE90] =	vst v4;
	v2 =	vadd.f32 v6, v0;
	v4 =	vld [tilespmem:s10+$0x1A0]  }
0x4d: {  	[tilespmem:s30+$0xFFFFFF10] =	vst v5;
	v5 =	vadd.f32 v8, v0;
	v6 =	vld [tilespmem:s10+$0xFFFFFEA0]  }
0x4e: {  	v8 =	vld [tilespmem:s10+$0xFFFFFF20];
	[tilespmem:s30+$0xFFFFFF90] =	vst v2;
	v1 =	vadd.f32 v1, v0  }
0x4f: {  	[tilespmem:s30+$0x10] =	vst v5;
	v3 =	vadd.f32 v3, v0;
	v2 =	vld [tilespmem:s10+$0xFFFFFFA0]  }
0x50: {  	v5 =	vadd.f32 v7, v0;
	v7 =	vld [tilespmem:s10+$0x20];
	[tilespmem:s30+$0x90] =	vst v1  }
0x51: {  	[tilespmem:s30+$0x110] =	vst v3;
	v1 =	vld [tilespmem:s10+$0xA0]  }
0x52: {  	[tilespmem:s30+$0xFFFFFE10] =	vst v5;
	v3 =	vld [tilespmem:s10+$0x120]  }
0x53: {  	v5 =	vld [tilespmem:s10+$0xFFFFFE20]  }
0x54: {  	v4 =	vld.idx.msk [tilespmem:v4+s2+$0x0], $0xffff  }
0x55: {  	v6 =	vld.idx.msk [tilespmem:v6+s2+$0x0], $0xffff  }
0x56: {  	v8 =	vld.idx.msk [tilespmem:v8+s2+$0x0], $0xffff  }
0x57: {  	v2 =	vld.idx.msk [tilespmem:v2+s2+$0x0], $0xffff  }
0x58: {  	v7 =	vld.idx.msk [tilespmem:v7+s2+$0x0], $0xffff  }
0x59: {  	v1 =	vld.idx.msk [tilespmem:v1+s2+$0x0], $0xffff;
	v4 =	vadd.f32 v4, v0  }
0x5a: {  	v3 =	vld.idx.msk [tilespmem:v3+s2+$0x0], $0xffff;
	v6 =	vadd.f32 v6, v0  }
0x5b: {  	v5 =	vld.idx.msk [tilespmem:v5+s2+$0x0], $0xffff;
	v8 =	vadd.f32 v8, v0;
	[tilespmem:s30+$0x1A0] =	vst v4  }
0x5c: {  	[tilespmem:s30+$0xFFFFFEA0] =	vst v6;
	v2 =	vadd.f32 v2, v0;
	v4 =	vld [tilespmem:s10+$0x1B0]  }
0x5d: {  	[tilespmem:s30+$0xFFFFFF20] =	vst v8;
	v7 =	vadd.f32 v7, v0;
	v6 =	vld [tilespmem:s10+$0xFFFFFEB0]  }
0x5e: {  	v8 =	vld [tilespmem:s10+$0xFFFFFF30];
	[tilespmem:s30+$0xFFFFFFA0] =	vst v2;
	v1 =	vadd.f32 v1, v0  }
0x5f: {  	[tilespmem:s30+$0x20] =	vst v7;
	v3 =	vadd.f32 v3, v0;
	v2 =	vld [tilespmem:s10+$0xFFFFFFB0]  }
0x60: {  	v5 =	vadd.f32 v5, v0;
	v7 =	vld [tilespmem:s10+$0x30];
	[tilespmem:s30+$0xA0] =	vst v1  }
0x61: {  	[tilespmem:s30+$0x120] =	vst v3;
	v1 =	vld [tilespmem:s10+$0xB0]  }
0x62: {  	[tilespmem:s30+$0xFFFFFE20] =	vst v5;
	v3 =	vld [tilespmem:s10+$0x130]  }
0x63: {  	v5 =	vld [tilespmem:s10+$0xFFFFFE30]  }
0x64: {  	v4 =	vld.idx.msk [tilespmem:v4+s2+$0x0], $0xffff  }
0x65: {  	v6 =	vld.idx.msk [tilespmem:v6+s2+$0x0], $0xffff  }
0x66: {  	v8 =	vld.idx.msk [tilespmem:v8+s2+$0x0], $0xffff  }
0x67: {  	v2 =	vld.idx.msk [tilespmem:v2+s2+$0x0], $0xffff  }
0x68: {  	v7 =	vld.idx.msk [tilespmem:v7+s2+$0x0], $0xffff  }
0x69: {  	v1 =	vld.idx.msk [tilespmem:v1+s2+$0x0], $0xffff;
	v4 =	vadd.f32 v4, v0  }
0x6a: {  	v3 =	vld.idx.msk [tilespmem:v3+s2+$0x0], $0xffff;
	v6 =	vadd.f32 v6, v0  }
0x6b: {  	v5 =	vld.idx.msk [tilespmem:v5+s2+$0x0], $0xffff;
	v8 =	vadd.f32 v8, v0;
	[tilespmem:s30+$0x1B0] =	vst v4  }
0x6c: {  	[tilespmem:s30+$0xFFFFFEB0] =	vst v6;
	v2 =	vadd.f32 v2, v0;
	v4 =	vld [tilespmem:s10+$0x1C0]  }
0x6d: {  	[tilespmem:s30+$0xFFFFFF30] =	vst v8;
	v7 =	vadd.f32 v7, v0;
	v6 =	vld [tilespmem:s10+$0xFFFFFEC0]  }
0x6e: {  	v8 =	vld [tilespmem:s10+$0xFFFFFF40];
	[tilespmem:s30+$0xFFFFFFB0] =	vst v2;
	v1 =	vadd.f32 v1, v0  }
0x6f: {  	[tilespmem:s30+$0x30] =	vst v7;
	v3 =	vadd.f32 v3, v0;
	v2 =	vld [tilespmem:s10+$0xFFFFFFC0]  }
0x70: {  	v5 =	vadd.f32 v5, v0;
	v7 =	vld [tilespmem:s10+$0x40];
	[tilespmem:s30+$0xB0] =	vst v1  }
0x71: {  	[tilespmem:s30+$0x130] =	vst v3;
	v1 =	vld [tilespmem:s10+$0xC0]  }
0x72: {  	[tilespmem:s30+$0xFFFFFE30] =	vst v5;
	v3 =	vld [tilespmem:s10+$0x140]  }
0x73: {  	v5 =	vld [tilespmem:s10+$0xFFFFFE40]  }
0x74: {  	v4 =	vld.idx.msk [tilespmem:v4+s2+$0x0], $0xffff  }
0x75: {  	v6 =	vld.idx.msk [tilespmem:v6+s2+$0x0], $0xffff  }
0x76: {  	v8 =	vld.idx.msk [tilespmem:v8+s2+$0x0], $0xffff  }
0x77: {  	v2 =	vld.idx.msk [tilespmem:v2+s2+$0x0], $0xffff  }
0x78: {  	v7 =	vld.idx.msk [tilespmem:v7+s2+$0x0], $0xffff  }
0x79: {  	v1 =	vld.idx.msk [tilespmem:v1+s2+$0x0], $0xffff;
	v4 =	vadd.f32 v4, v0  }
0x7a: {  	v3 =	vld.idx.msk [tilespmem:v3+s2+$0x0], $0xffff;
	v6 =	vadd.f32 v6, v0  }
0x7b: {  	v5 =	vld.idx.msk [tilespmem:v5+s2+$0x0], $0xffff;
	v8 =	vadd.f32 v8, v0;
	[tilespmem:s30+$0x1C0] =	vst v4  }
0x7c: {  	[tilespmem:s30+$0xFFFFFEC0] =	vst v6;
	v2 =	vadd.f32 v2, v0;
	v4 =	vld [tilespmem:s10+$0x1D0]  }
0x7d: {  	[tilespmem:s30+$0xFFFFFF40] =	vst v8;
	v7 =	vadd.f32 v7, v0;
	v6 =	vld [tilespmem:s10+$0xFFFFFED0]  }
0x7e: {  	v8 =	vld [tilespmem:s10+$0xFFFFFF50];
	[tilespmem:s30+$0xFFFFFFC0] =	vst v2;
	v1 =	vadd.f32 v1, v0  }
0x7f: {  	[tilespmem:s30+$0x40] =	vst v7;
	v3 =	vadd.f32 v3, v0;
	v2 =	vld [tilespmem:s10+$0xFFFFFFD0]  }
0x80: {  	v5 =	vadd.f32 v5, v0;
	v7 =	vld [tilespmem:s10+$0x50];
	[tilespmem:s30+$0xC0] =	vst v1  }
0x81: {  	[tilespmem:s30+$0x140] =	vst v3;
	v1 =	vld [tilespmem:s10+$0xD0]  }
0x82: {  	[tilespmem:s30+$0xFFFFFE40] =	vst v5;
	v3 =	vld [tilespmem:s10+$0x150]  }
0x83: {  	v5 =	vld [tilespmem:s10+$0xFFFFFE50]  }
0x84: {  	v4 =	vld.idx.msk [tilespmem:v4+s2+$0x0], $0xffff  }
0x85: {  	v6 =	vld.idx.msk [tilespmem:v6+s2+$0x0], $0xffff  }
0x86: {  	v8 =	vld.idx.msk [tilespmem:v8+s2+$0x0], $0xffff  }
0x87: {  	v2 =	vld.idx.msk [tilespmem:v2+s2+$0x0], $0xffff  }
0x88: {  	v7 =	vld.idx.msk [tilespmem:v7+s2+$0x0], $0xffff  }
0x89: {  	v1 =	vld.idx.msk [tilespmem:v1+s2+$0x0], $0xffff;
	v4 =	vadd.f32 v4, v0  }
0x8a: {  	v3 =	vld.idx.msk [tilespmem:v3+s2+$0x0], $0xffff;
	v6 =	vadd.f32 v6, v0  }
0x8b: {  	v5 =	vld.idx.msk [tilespmem:v5+s2+$0x0], $0xffff;
	v8 =	vadd.f32 v8, v0;
	[tilespmem:s30+$0x1D0] =	vst v4  }
0x8c: {  	[tilespmem:s30+$0xFFFFFED0] =	vst v6;
	v2 =	vadd.f32 v2, v0;
	v4 =	vld [tilespmem:s10+$0x1E0]  }
0x8d: {  	[tilespmem:s30+$0xFFFFFF50] =	vst v8;
	v7 =	vadd.f32 v7, v0;
	v6 =	vld [tilespmem:s10+$0xFFFFFEE0]  }
0x8e: {  	v8 =	vld [tilespmem:s10+$0xFFFFFF60];
	[tilespmem:s30+$0xFFFFFFD0] =	vst v2;
	v1 =	vadd.f32 v1, v0  }
0x8f: {  	[tilespmem:s30+$0x50] =	vst v7;
	v3 =	vadd.f32 v3, v0;
	v2 =	vld [tilespmem:s10+$0xFFFFFFE0]  }
0x90: {  	v5 =	vadd.f32 v5, v0;
	v7 =	vld [tilespmem:s10+$0x60];
	[tilespmem:s30+$0xD0] =	vst v1  }
0x91: {  	[tilespmem:s30+$0x150] =	vst v3;
	v1 =	vld [tilespmem:s10+$0xE0]  }
0x92: {  	[tilespmem:s30+$0xFFFFFE50] =	vst v5;
	v3 =	vld [tilespmem:s10+$0x160]  }
0x93: {  	v5 =	vld [tilespmem:s10+$0xFFFFFE60]  }
0x94: {  	v4 =	vld.idx.msk [tilespmem:v4+s2+$0x0], $0xffff  }
0x95: {  	v6 =	vld.idx.msk [tilespmem:v6+s2+$0x0], $0xffff  }
0x96: {  	v8 =	vld.idx.msk [tilespmem:v8+s2+$0x0], $0xffff  }
0x97: {  	v2 =	vld.idx.msk [tilespmem:v2+s2+$0x0], $0xffff  }
0x98: {  	v7 =	vld.idx.msk [tilespmem:v7+s2+$0x0], $0xffff  }
0x99: {  	v1 =	vld.idx.msk [tilespmem:v1+s2+$0x0], $0xffff;
	v4 =	vadd.f32 v4, v0  }
0x9a: {  	v3 =	vld.idx.msk [tilespmem:v3+s2+$0x0], $0xffff;
	v6 =	vadd.f32 v6, v0  }
0x9b: {  	v9 =	vld.idx.msk [tilespmem:v5+s2+$0x0], $0xffff;
	v5 =	vadd.f32 v8, v0;
	[tilespmem:s30+$0x1E0] =	vst v4  }
0x9c: {  	[tilespmem:s30+$0xFFFFFEE0] =	vst v6;
	v2 =	vadd.f32 v2, v0;
	v8 =	vld [tilespmem:s10+$0x1F0]  }
0x9d: {  	[tilespmem:s30+$0xFFFFFF60] =	vst v5;
	v7 =	vadd.f32 v7, v0;
	v6 =	vld [tilespmem:s10+$0xFFFFFEF0]  }
0x9e: {  	v5 =	vld [tilespmem:s10+$0xFFFFFF70];
	[tilespmem:s30+$0xFFFFFFE0] =	vst v2;
	v1 =	vadd.f32 v1, v0  }
0x9f: {  	[tilespmem:s30+$0x60] =	vst v7;
	v7 =	vadd.f32 v3, v0;
	v4 =	vld [tilespmem:s10+$0xFFFFFFF0]  }
0xa0: {  	v9 =	vadd.f32 v9, v0;
	v3 =	vld [tilespmem:s10+$0x70];
	[tilespmem:s30+$0xE0] =	vst v1  }
0xa1: {  	[tilespmem:s30+$0x160] =	vst v7;
	v2 =	vld [tilespmem:s10+$0xF0]  }
0xa2: {  	[tilespmem:s30+$0xFFFFFE60] =	vst v9;
	v1 =	vld [tilespmem:s10+$0x170]  }
0xa3: {  	v7 =	vld [tilespmem:s10+$0xFFFFFE70]  }
0xa4: {  	s7 =	simm.s32 $0x0;
	s8 =	simm.s32 $0x18D68;
	s6 =	simm.s32 $0x1A968;
	v8 =	vld.idx.msk [tilespmem:v8+s2+$0x0], $0xffff  }
.LBB2_4:
0xa5: {  	v9 =	vld [tilespmem:s8+$0x180];
	s7 =	sadd.s32 $0x8, s7  }
0xa6: {  	v10 =	vld [tilespmem:s8+$0xFFFFFE80];
	p2 =	slt.u32 s7, $0x18  }
0xa7: {  	v11 =	vld [tilespmem:s8+$0xFFFFFF00]  }
0xa8: {  	v12 =	vld [tilespmem:s8+$0xFFFFFF80]  }
0xa9: {  	v13 =	vld [tilespmem:s8+$0x0]  }
0xaa: {  	v8 =	vadd.f32 v8, v0;
	v14 =	vld [tilespmem:s8+$0x80]  }
0xab: {  	v15 =	vld [tilespmem:s8+$0x100]  }
0xac: {  	v16 =	vld [tilespmem:s8+$0xFFFFFE00];
	[tilespmem:s30+$0x1F0] =	vst v8  }
0xad: {  	v8 =	vld.idx.msk [tilespmem:v9+s2+$0x0], $0xffff  }
0xae: {  	v9 =	vld.idx.msk [tilespmem:v10+s2+$0x0], $0xffff  }
0xaf: {  	v10 =	vld.idx.msk [tilespmem:v11+s2+$0x0], $0xffff  }
0xb0: {  	v11 =	vld.idx.msk [tilespmem:v12+s2+$0x0], $0xffff  }
0xb1: {  	v12 =	vld.idx.msk [tilespmem:v13+s2+$0x0], $0xffff  }
0xb2: {  	v13 =	vld.idx.msk [tilespmem:v14+s2+$0x0], $0xffff  }
0xb3: {  	v8 =	vadd.f32 v8, v0;
	v14 =	vld.idx.msk [tilespmem:v15+s2+$0x0], $0xffff  }
0xb4: {  	s30 =	sadd.s32 $0x400, s30;
	v9 =	vadd.f32 v9, v0;
	v15 =	vld.idx.msk [tilespmem:v16+s2+$0x0], $0xffff  }
0xb5: {  	v10 =	vadd.f32 v10, v0;
	[tilespmem:s30+$0x180] =	vst v8;
	v7 =	vld.idx.msk [tilespmem:v7+s2+$0x0], $0xffff  }
0xb6: {  	v8 =	vadd.f32 v11, v0;
	[tilespmem:s30+$0xFFFFFE80] =	vst v9;
	v9 =	vld [tilespmem:s8+$0x190]  }
0xb7: {  	v11 =	vld [tilespmem:s8+$0xFFFFFE90];
	[tilespmem:s30+$0xFFFFFF00] =	vst v10;
	v10 =	vadd.f32 v12, v0  }
0xb8: {  	v12 =	vld [tilespmem:s8+$0xFFFFFF10];
	[tilespmem:s30+$0xFFFFFF80] =	vst v8;
	v8 =	vadd.f32 v13, v0  }
0xb9: {  	v13 =	vld [tilespmem:s8+$0xFFFFFF90];
	[tilespmem:s30+$0x0] =	vst v10;
	v10 =	vadd.f32 v14, v0  }
0xba: {  	v14 =	vadd.f32 v15, v0;
	v15 =	vld [tilespmem:s8+$0x10];
	[tilespmem:s30+$0x80] =	vst v8  }
0xbb: {  	v7 =	vadd.f32 v7, v0;
	v8 =	vld [tilespmem:s8+$0x90];
	[tilespmem:s30+$0x100] =	vst v10  }
0xbc: {  	[tilespmem:s30+$0xFFFFFE00] =	vst v14;
	v10 =	vld [tilespmem:s8+$0x110]  }
0xbd: {  	v14 =	vld [tilespmem:s8+$0xFFFFFE10];
	[tilespmem:s6+$0xFFFFFE70] =	vst v7  }
0xbe: {  	v7 =	vld.idx.msk [tilespmem:v9+s2+$0x0], $0xffff  }
0xbf: {  	v9 =	vld.idx.msk [tilespmem:v11+s2+$0x0], $0xffff  }
0xc0: {  	v11 =	vld.idx.msk [tilespmem:v12+s2+$0x0], $0xffff  }
0xc1: {  	v12 =	vld.idx.msk [tilespmem:v13+s2+$0x0], $0xffff  }
0xc2: {  	v13 =	vld.idx.msk [tilespmem:v15+s2+$0x0], $0xffff  }
0xc3: {  	v8 =	vld.idx.msk [tilespmem:v8+s2+$0x0], $0xffff  }
0xc4: {  	v7 =	vadd.f32 v7, v0;
	v10 =	vld.idx.msk [tilespmem:v10+s2+$0x0], $0xffff  }
0xc5: {  	v9 =	vadd.f32 v9, v0;
	v14 =	vld.idx.msk [tilespmem:v14+s2+$0x0], $0xffff  }
0xc6: {  	v11 =	vadd.f32 v11, v0;
	[tilespmem:s30+$0x190] =	vst v7;
	v6 =	vld.idx.msk [tilespmem:v6+s2+$0x0], $0xffff  }
0xc7: {  	v7 =	vadd.f32 v12, v0;
	[tilespmem:s30+$0xFFFFFE90] =	vst v9;
	v9 =	vld [tilespmem:s8+$0x1A0]  }
0xc8: {  	v12 =	vld [tilespmem:s8+$0xFFFFFEA0];
	[tilespmem:s30+$0xFFFFFF10] =	vst v11;
	v11 =	vadd.f32 v13, v0  }
0xc9: {  	v13 =	vld [tilespmem:s8+$0xFFFFFF20];
	[tilespmem:s30+$0xFFFFFF90] =	vst v7;
	v7 =	vadd.f32 v8, v0  }
0xca: {  	v10 =	vadd.f32 v10, v0;
	v8 =	vld [tilespmem:s8+$0xFFFFFFA0];
	[tilespmem:s30+$0x10] =	vst v11  }
0xcb: {  	v11 =	vadd.f32 v14, v0;
	v14 =	vld [tilespmem:s8+$0x20];
	[tilespmem:s30+$0x90] =	vst v7  }
0xcc: {  	v6 =	vadd.f32 v6, v0;
	v7 =	vld [tilespmem:s8+$0xA0];
	[tilespmem:s30+$0x110] =	vst v10  }
0xcd: {  	[tilespmem:s30+$0xFFFFFE10] =	vst v11;
	v10 =	vld [tilespmem:s8+$0x120]  }
0xce: {  	v11 =	vld [tilespmem:s8+$0xFFFFFE20];
	[tilespmem:s6+$0xFFFFFEF0] =	vst v6  }
0xcf: {  	v6 =	vld.idx.msk [tilespmem:v9+s2+$0x0], $0xffff  }
0xd0: {  	v9 =	vld.idx.msk [tilespmem:v12+s2+$0x0], $0xffff  }
0xd1: {  	v12 =	vld.idx.msk [tilespmem:v13+s2+$0x0], $0xffff  }
0xd2: {  	v8 =	vld.idx.msk [tilespmem:v8+s2+$0x0], $0xffff  }
0xd3: {  	v13 =	vld.idx.msk [tilespmem:v14+s2+$0x0], $0xffff  }
0xd4: {  	v7 =	vld.idx.msk [tilespmem:v7+s2+$0x0], $0xffff  }
0xd5: {  	v6 =	vadd.f32 v6, v0;
	v10 =	vld.idx.msk [tilespmem:v10+s2+$0x0], $0xffff  }
0xd6: {  	v9 =	vadd.f32 v9, v0;
	v11 =	vld.idx.msk [tilespmem:v11+s2+$0x0], $0xffff  }
0xd7: {  	v12 =	vadd.f32 v12, v0;
	[tilespmem:s30+$0x1A0] =	vst v6;
	v5 =	vld.idx.msk [tilespmem:v5+s2+$0x0], $0xffff  }
0xd8: {  	v6 =	vadd.f32 v8, v0;
	[tilespmem:s30+$0xFFFFFEA0] =	vst v9;
	v8 =	vld [tilespmem:s8+$0x1B0]  }
0xd9: {  	v9 =	vld [tilespmem:s8+$0xFFFFFEB0];
	[tilespmem:s30+$0xFFFFFF20] =	vst v12;
	v12 =	vadd.f32 v13, v0  }
0xda: {  	v13 =	vld [tilespmem:s8+$0xFFFFFF30];
	[tilespmem:s30+$0xFFFFFFA0] =	vst v6;
	v6 =	vadd.f32 v7, v0  }
0xdb: {  	v10 =	vadd.f32 v10, v0;
	v7 =	vld [tilespmem:s8+$0xFFFFFFB0];
	[tilespmem:s30+$0x20] =	vst v12  }
0xdc: {  	v11 =	vadd.f32 v11, v0;
	v12 =	vld [tilespmem:s8+$0x30];
	[tilespmem:s30+$0xA0] =	vst v6  }
0xdd: {  	v5 =	vadd.f32 v5, v0;
	v6 =	vld [tilespmem:s8+$0xB0];
	[tilespmem:s30+$0x120] =	vst v10  }
0xde: {  	[tilespmem:s30+$0xFFFFFE20] =	vst v11;
	v10 =	vld [tilespmem:s8+$0x130]  }
0xdf: {  	v11 =	vld [tilespmem:s8+$0xFFFFFE30];
	[tilespmem:s6+$0xFFFFFF70] =	vst v5  }
0xe0: {  	v5 =	vld.idx.msk [tilespmem:v8+s2+$0x0], $0xffff  }
0xe1: {  	v8 =	vld.idx.msk [tilespmem:v9+s2+$0x0], $0xffff  }
0xe2: {  	v9 =	vld.idx.msk [tilespmem:v13+s2+$0x0], $0xffff  }
0xe3: {  	v7 =	vld.idx.msk [tilespmem:v7+s2+$0x0], $0xffff  }
0xe4: {  	v12 =	vld.idx.msk [tilespmem:v12+s2+$0x0], $0xffff  }
0xe5: {  	v6 =	vld.idx.msk [tilespmem:v6+s2+$0x0], $0xffff  }
0xe6: {  	v5 =	vadd.f32 v5, v0;
	v10 =	vld.idx.msk [tilespmem:v10+s2+$0x0], $0xffff  }
0xe7: {  	v8 =	vadd.f32 v8, v0;
	v11 =	vld.idx.msk [tilespmem:v11+s2+$0x0], $0xffff  }
0xe8: {  	v9 =	vadd.f32 v9, v0;
	[tilespmem:s30+$0x1B0] =	vst v5;
	v4 =	vld.idx.msk [tilespmem:v4+s2+$0x0], $0xffff  }
0xe9: {  	v5 =	vadd.f32 v7, v0;
	[tilespmem:s30+$0xFFFFFEB0] =	vst v8;
	v7 =	vld [tilespmem:s8+$0x1C0]  }
0xea: {  	v8 =	vld [tilespmem:s8+$0xFFFFFEC0];
	[tilespmem:s30+$0xFFFFFF30] =	vst v9;
	v9 =	vadd.f32 v12, v0  }
0xeb: {  	v12 =	vld [tilespmem:s8+$0xFFFFFF40];
	[tilespmem:s30+$0xFFFFFFB0] =	vst v5;
	v5 =	vadd.f32 v6, v0  }
0xec: {  	v6 =	vld [tilespmem:s8+$0xFFFFFFC0];
	[tilespmem:s30+$0x30] =	vst v9;
	v9 =	vadd.f32 v10, v0  }
0xed: {  	v10 =	vadd.f32 v11, v0;
	v11 =	vld [tilespmem:s8+$0x40];
	[tilespmem:s30+$0xB0] =	vst v5  }
0xee: {  	v4 =	vadd.f32 v4, v0;
	v5 =	vld [tilespmem:s8+$0xC0];
	[tilespmem:s30+$0x130] =	vst v9  }
0xef: {  	[tilespmem:s30+$0xFFFFFE30] =	vst v10;
	v9 =	vld [tilespmem:s8+$0x140]  }
0xf0: {  	v10 =	vld [tilespmem:s8+$0xFFFFFE40];
	[tilespmem:s6+$0xFFFFFFF0] =	vst v4  }
0xf1: {  	v4 =	vld.idx.msk [tilespmem:v7+s2+$0x0], $0xffff  }
0xf2: {  	v7 =	vld.idx.msk [tilespmem:v8+s2+$0x0], $0xffff  }
0xf3: {  	v8 =	vld.idx.msk [tilespmem:v12+s2+$0x0], $0xffff  }
0xf4: {  	v6 =	vld.idx.msk [tilespmem:v6+s2+$0x0], $0xffff  }
0xf5: {  	v11 =	vld.idx.msk [tilespmem:v11+s2+$0x0], $0xffff  }
0xf6: {  	v5 =	vld.idx.msk [tilespmem:v5+s2+$0x0], $0xffff  }
0xf7: {  	v4 =	vadd.f32 v4, v0;
	v9 =	vld.idx.msk [tilespmem:v9+s2+$0x0], $0xffff  }
0xf8: {  	v7 =	vadd.f32 v7, v0;
	v10 =	vld.idx.msk [tilespmem:v10+s2+$0x0], $0xffff  }
0xf9: {  	v8 =	vadd.f32 v8, v0;
	[tilespmem:s30+$0x1C0] =	vst v4;
	v3 =	vld.idx.msk [tilespmem:v3+s2+$0x0], $0xffff  }
0xfa: {  	v4 =	vadd.f32 v6, v0;
	[tilespmem:s30+$0xFFFFFEC0] =	vst v7;
	v6 =	vld [tilespmem:s8+$0x1D0]  }
0xfb: {  	v7 =	vld [tilespmem:s8+$0xFFFFFED0];
	[tilespmem:s30+$0xFFFFFF40] =	vst v8;
	v8 =	vadd.f32 v11, v0  }
0xfc: {  	v11 =	vld [tilespmem:s8+$0xFFFFFF50];
	[tilespmem:s30+$0xFFFFFFC0] =	vst v4;
	v4 =	vadd.f32 v5, v0  }
0xfd: {  	v5 =	vld [tilespmem:s8+$0xFFFFFFD0];
	[tilespmem:s30+$0x40] =	vst v8;
	v8 =	vadd.f32 v9, v0  }
0xfe: {  	v9 =	vadd.f32 v10, v0;
	v10 =	vld [tilespmem:s8+$0x50];
	[tilespmem:s30+$0xC0] =	vst v4  }
0xff: {  	v3 =	vadd.f32 v3, v0;
	v4 =	vld [tilespmem:s8+$0xD0];
	[tilespmem:s30+$0x140] =	vst v8  }
0x100: {  	[tilespmem:s30+$0xFFFFFE40] =	vst v9;
	v8 =	vld [tilespmem:s8+$0x150]  }
0x101: {  	v9 =	vld [tilespmem:s8+$0xFFFFFE50];
	[tilespmem:s6+$0x70] =	vst v3  }
0x102: {  	v3 =	vld.idx.msk [tilespmem:v6+s2+$0x0], $0xffff  }
0x103: {  	v6 =	vld.idx.msk [tilespmem:v7+s2+$0x0], $0xffff  }
0x104: {  	v7 =	vld.idx.msk [tilespmem:v11+s2+$0x0], $0xffff  }
0x105: {  	v5 =	vld.idx.msk [tilespmem:v5+s2+$0x0], $0xffff  }
0x106: {  	v10 =	vld.idx.msk [tilespmem:v10+s2+$0x0], $0xffff  }
0x107: {  	v4 =	vld.idx.msk [tilespmem:v4+s2+$0x0], $0xffff  }
0x108: {  	v3 =	vadd.f32 v3, v0;
	v8 =	vld.idx.msk [tilespmem:v8+s2+$0x0], $0xffff  }
0x109: {  	v6 =	vadd.f32 v6, v0;
	v9 =	vld.idx.msk [tilespmem:v9+s2+$0x0], $0xffff  }
0x10a: {  	v7 =	vadd.f32 v7, v0;
	[tilespmem:s30+$0x1D0] =	vst v3;
	v2 =	vld.idx.msk [tilespmem:v2+s2+$0x0], $0xffff  }
0x10b: {  	v3 =	vadd.f32 v5, v0;
	[tilespmem:s30+$0xFFFFFED0] =	vst v6;
	v5 =	vld [tilespmem:s8+$0x1E0]  }
0x10c: {  	v6 =	vld [tilespmem:s8+$0xFFFFFEE0];
	[tilespmem:s30+$0xFFFFFF50] =	vst v7;
	v7 =	vadd.f32 v10, v0  }
0x10d: {  	v10 =	vld [tilespmem:s8+$0xFFFFFF60];
	[tilespmem:s30+$0xFFFFFFD0] =	vst v3;
	v3 =	vadd.f32 v4, v0  }
0x10e: {  	v4 =	vld [tilespmem:s8+$0xFFFFFFE0];
	[tilespmem:s30+$0x50] =	vst v7;
	v7 =	vadd.f32 v8, v0  }
0x10f: {  	v8 =	vadd.f32 v9, v0;
	v9 =	vld [tilespmem:s8+$0x60];
	[tilespmem:s30+$0xD0] =	vst v3  }
0x110: {  	v2 =	vadd.f32 v2, v0;
	v3 =	vld [tilespmem:s8+$0xE0];
	[tilespmem:s30+$0x150] =	vst v7  }
0x111: {  	[tilespmem:s30+$0xFFFFFE50] =	vst v8;
	v7 =	vld [tilespmem:s8+$0x160]  }
0x112: {  	v8 =	vld [tilespmem:s8+$0xFFFFFE60];
	[tilespmem:s6+$0xF0] =	vst v2  }
0x113: {  	v2 =	vld.idx.msk [tilespmem:v5+s2+$0x0], $0xffff  }
0x114: {  	v5 =	vld.idx.msk [tilespmem:v6+s2+$0x0], $0xffff  }
0x115: {  	v6 =	vld.idx.msk [tilespmem:v10+s2+$0x0], $0xffff  }
0x116: {  	v4 =	vld.idx.msk [tilespmem:v4+s2+$0x0], $0xffff  }
0x117: {  	v9 =	vld.idx.msk [tilespmem:v9+s2+$0x0], $0xffff  }
0x118: {  	v3 =	vld.idx.msk [tilespmem:v3+s2+$0x0], $0xffff  }
0x119: {  	v2 =	vadd.f32 v2, v0;
	v7 =	vld.idx.msk [tilespmem:v7+s2+$0x0], $0xffff  }
0x11a: {  	v5 =	vadd.f32 v5, v0;
	v8 =	vld.idx.msk [tilespmem:v8+s2+$0x0], $0xffff  }
0x11b: {  	v10 =	vadd.f32 v6, v0;
	[tilespmem:s30+$0x1E0] =	vst v2;
	v1 =	vld.idx.msk [tilespmem:v1+s2+$0x0], $0xffff  }
0x11c: {  	v2 =	vadd.f32 v4, v0;
	[tilespmem:s30+$0xFFFFFEE0] =	vst v5;
	v11 =	vld [tilespmem:s8+$0x1F0]  }
0x11d: {  	v9 =	vadd.f32 v9, v0;
	v6 =	vld [tilespmem:s8+$0xFFFFFEF0];
	[tilespmem:s30+$0xFFFFFF60] =	vst v10  }
0x11e: {  	v5 =	vld [tilespmem:s8+$0xFFFFFF70];
	[tilespmem:s30+$0xFFFFFFE0] =	vst v2;
	v2 =	vadd.f32 v3, v0  }
0x11f: {  	v7 =	vadd.f32 v7, v0;
	v4 =	vld [tilespmem:s8+$0xFFFFFFF0];
	[tilespmem:s30+$0x60] =	vst v9  }
.Ltmp0:
0x120: {  	v8 =	vadd.f32 v8, v0;
	v3 =	vld [tilespmem:s8+$0x70];
	[tilespmem:s30+$0xE0] =	vst v2;
	(pc) =	sbr.rel @p2 .LBB2_4-.Ltmp0, $4  }
0x121: {  	v9 =	vadd.f32 v1, v0;
	v2 =	vld [tilespmem:s8+$0xF0];
	[tilespmem:s30+$0x160] =	vst v7  }
0x122: {  	[tilespmem:s30+$0xFFFFFE60] =	vst v8;
	v1 =	vld [tilespmem:s8+$0x170]  }
0x123: {  	v7 =	vld [tilespmem:s8+$0xFFFFFE70];
	[tilespmem:s6+$0x170] =	vst v9;
	s6 =	smov.u32 s30  }
0x124: {  	s8 =	sadd.s32 $0x400, s8;
	v8 =	vld.idx.msk [tilespmem:v11+s2+$0x0], $0xffff  }
0x125: {  	_ =	sdelay $0x3  }
0x126: {  	v6 =	vld.idx.msk [tilespmem:v6+s2+$0x0], $0xffff  }
0x127: {  	v5 =	vld.idx.msk [tilespmem:v5+s2+$0x0], $0xffff  }
0x128: {  	v4 =	vld.idx.msk [tilespmem:v4+s2+$0x0], $0xffff  }
0x129: {  	v3 =	vld.idx.msk [tilespmem:v3+s2+$0x0], $0xffff  }
0x12a: {  	v2 =	vld.idx.msk [tilespmem:v2+s2+$0x0], $0xffff;
	v8 =	vadd.f32 v8, v0  }
0x12b: {  	v7 =	vld.idx.msk [tilespmem:v7+s2+$0x0], $0xffff;
	v6 =	vadd.f32 v6, v0  }
0x12c: {  	v1 =	vld.idx.msk [tilespmem:v1+s2+$0x0], $0xffff;
	v5 =	vadd.f32 v5, v0;
	[tilespmem:s30+$0x1F0] =	vst v8  }
0x12d: {  	v4 =	vadd.f32 v4, v0;
	[tilespmem:s6+$0xFFFFFEF0] =	vst v6  }
0x12e: {  	v3 =	vadd.f32 v3, v0;
	[tilespmem:s6+$0xFFFFFF70] =	vst v5  }
0x12f: {  	v2 =	vadd.f32 v2, v0;
	[tilespmem:s6+$0xFFFFFFF0] =	vst v4  }
0x130: {  	[tilespmem:s6+$0x70] =	vst v3;
	v7 =	vadd.f32 v7, v0  }
0x131: {  	v0 =	vadd.f32 v1, v0;
	[tilespmem:s6+$0xF0] =	vst v2  }
0x132: {  	[tilespmem:s6+$0xFFFFFE70] =	vst v7  }
0x133: {  	[tilespmem:s6+$0x170] =	vst v0  }
0x134: {  	s30 =	sor.u32 $0x2, s5;
	_ =	swait.ge [sflag:s18], $0x1000  }
0x135: {  	s7 =	sshll.u32 s30, $0x9;
	v0 =	vmov s28;
	[sflag:s18] =	ssyncset.done $0x0  }
0x136: {  	s6 =	sadd.s32 s4, s7;
	v0 =	vand.u32 $0xFFFFFFFD, v0;
	[sflag:s18] =	ssyncadd.s32 $0xFFFFF000  }
0x137: {  	v0 =	vbroadcast v0, $0x0;
	[tilespmem:s15], [sflag:$0x1] =	stream.linear.gather [hbm4b:s6+s2], $0x1000, $0x38;
	[tilespmem:$0x1E768] =	vst v63  }
0x138: {  	s7 =	sshll.u32 s31, $0x14;
	s6 =	simm.s32 @!p1 $0x4  }
0x139: {  	s7 =	sor.u32 s11, s7;
	_ =	swait.ge @!p1 [sflag:s6], $0x1000  }
0x13a: {  	s7 =	sshrl.u32 s7, $0x3;
	[sflag:s6] =	ssyncset.done @!p1 $0x0  }
0x13b: {  	s8 =	sadd.s32 s1, s7;
	[sflag:s6] =	ssyncadd.s32 @!p1 $0xFFFFF000  }
0x13c: {  	[hbm4b:s8+s19] =	stream.strided.scatter [tilespmem:s21], [sflag:$0x3], $0x1000, s20, s19, $0x38;
	[tilespmem:$0x1E768] =	vst v63  }
0x13d: {  	s10 =	simm.s32 $0x19968;
	v0 =	vld.idx.msk [tilespmem:v0+s14+$0x0], $0xffff  }
0x13e: {  	v1 =	vld [tilespmem:s10+$0x180]  }
0x13f: {  	v2 =	vld [tilespmem:s10+$0xFFFFFE80]  }
0x140: {  	v3 =	vld [tilespmem:s10+$0xFFFFFF00]  }
0x141: {  	v4 =	vld [tilespmem:s10+$0xFFFFFF80]  }
0x142: {  	v5 =	vld [tilespmem:s10+$0x0]  }
0x143: {  	v6 =	vld [tilespmem:s10+$0x80]  }
0x144: {  	v7 =	vld [tilespmem:s10+$0x100]  }
0x145: {  	v8 =	vld [tilespmem:s10+$0xFFFFFE00]  }
0x146: {  	v1 =	vld.idx.msk [tilespmem:v1+s2+$0x0], $0xffff  }
0x147: {  	v2 =	vld.idx.msk [tilespmem:v2+s2+$0x0], $0xffff  }
0x148: {  	v3 =	vld.idx.msk [tilespmem:v3+s2+$0x0], $0xffff  }
0x149: {  	v4 =	vld.idx.msk [tilespmem:v4+s2+$0x0], $0xffff  }
0x14a: {  	v5 =	vld.idx.msk [tilespmem:v5+s2+$0x0], $0xffff  }
0x14b: {  	v6 =	vld.idx.msk [tilespmem:v6+s2+$0x0], $0xffff;
	v1 =	vadd.f32 v1, v0  }
0x14c: {  	s6 =	simm.s32 $0x1B968;
	v7 =	vld.idx.msk [tilespmem:v7+s2+$0x0], $0xffff;
	v2 =	vadd.f32 v2, v0  }
0x14d: {  	v8 =	vld.idx.msk [tilespmem:v8+s2+$0x0], $0xffff;
	v3 =	vadd.f32 v3, v0;
	[tilespmem:s6+$0x180] =	vst v1  }
0x14e: {  	[tilespmem:s6+$0xFFFFFE80] =	vst v2;
	v1 =	vadd.f32 v4, v0;
	v2 =	vld [tilespmem:s10+$0x190]  }
0x14f: {  	[tilespmem:s6+$0xFFFFFF00] =	vst v3;
	v3 =	vadd.f32 v5, v0;
	v4 =	vld [tilespmem:s10+$0xFFFFFE90]  }
0x150: {  	v5 =	vld [tilespmem:s10+$0xFFFFFF10];
	[tilespmem:s6+$0xFFFFFF80] =	vst v1;
	v1 =	vadd.f32 v6, v0  }
0x151: {  	[tilespmem:s6+$0x0] =	vst v3;
	v3 =	vadd.f32 v7, v0;
	v6 =	vld [tilespmem:s10+$0xFFFFFF90]  }
0x152: {  	v7 =	vadd.f32 v8, v0;
	v8 =	vld [tilespmem:s10+$0x10];
	[tilespmem:s6+$0x80] =	vst v1  }
0x153: {  	[tilespmem:s6+$0x100] =	vst v3;
	v1 =	vld [tilespmem:s10+$0x90]  }
0x154: {  	[tilespmem:s6+$0xFFFFFE00] =	vst v7;
	v3 =	vld [tilespmem:s10+$0x110]  }
0x155: {  	v7 =	vld [tilespmem:s10+$0xFFFFFE10]  }
0x156: {  	v2 =	vld.idx.msk [tilespmem:v2+s2+$0x0], $0xffff  }
0x157: {  	v4 =	vld.idx.msk [tilespmem:v4+s2+$0x0], $0xffff  }
0x158: {  	v5 =	vld.idx.msk [tilespmem:v5+s2+$0x0], $0xffff  }
0x159: {  	v6 =	vld.idx.msk [tilespmem:v6+s2+$0x0], $0xffff  }
0x15a: {  	v8 =	vld.idx.msk [tilespmem:v8+s2+$0x0], $0xffff  }
0x15b: {  	v1 =	vld.idx.msk [tilespmem:v1+s2+$0x0], $0xffff;
	v2 =	vadd.f32 v2, v0  }
0x15c: {  	v3 =	vld.idx.msk [tilespmem:v3+s2+$0x0], $0xffff;
	v4 =	vadd.f32 v4, v0  }
0x15d: {  	v7 =	vld.idx.msk [tilespmem:v7+s2+$0x0], $0xffff;
	v5 =	vadd.f32 v5, v0;
	[tilespmem:s6+$0x190] =	vst v2  }
0x15e: {  	[tilespmem:s6+$0xFFFFFE90] =	vst v4;
	v2 =	vadd.f32 v6, v0;
	v4 =	vld [tilespmem:s10+$0x1A0]  }
0x15f: {  	[tilespmem:s6+$0xFFFFFF10] =	vst v5;
	v5 =	vadd.f32 v8, v0;
	v6 =	vld [tilespmem:s10+$0xFFFFFEA0]  }
0x160: {  	v8 =	vld [tilespmem:s10+$0xFFFFFF20];
	[tilespmem:s6+$0xFFFFFF90] =	vst v2;
	v1 =	vadd.f32 v1, v0  }
0x161: {  	[tilespmem:s6+$0x10] =	vst v5;
	v3 =	vadd.f32 v3, v0;
	v2 =	vld [tilespmem:s10+$0xFFFFFFA0]  }
0x162: {  	v5 =	vadd.f32 v7, v0;
	v7 =	vld [tilespmem:s10+$0x20];
	[tilespmem:s6+$0x90] =	vst v1  }
0x163: {  	[tilespmem:s6+$0x110] =	vst v3;
	v1 =	vld [tilespmem:s10+$0xA0]  }
0x164: {  	[tilespmem:s6+$0xFFFFFE10] =	vst v5;
	v3 =	vld [tilespmem:s10+$0x120]  }
0x165: {  	v5 =	vld [tilespmem:s10+$0xFFFFFE20]  }
0x166: {  	v4 =	vld.idx.msk [tilespmem:v4+s2+$0x0], $0xffff  }
0x167: {  	v6 =	vld.idx.msk [tilespmem:v6+s2+$0x0], $0xffff  }
0x168: {  	v8 =	vld.idx.msk [tilespmem:v8+s2+$0x0], $0xffff  }
0x169: {  	v2 =	vld.idx.msk [tilespmem:v2+s2+$0x0], $0xffff  }
0x16a: {  	v7 =	vld.idx.msk [tilespmem:v7+s2+$0x0], $0xffff  }
0x16b: {  	v1 =	vld.idx.msk [tilespmem:v1+s2+$0x0], $0xffff;
	v4 =	vadd.f32 v4, v0  }
0x16c: {  	v3 =	vld.idx.msk [tilespmem:v3+s2+$0x0], $0xffff;
	v6 =	vadd.f32 v6, v0  }
0x16d: {  	v5 =	vld.idx.msk [tilespmem:v5+s2+$0x0], $0xffff;
	v8 =	vadd.f32 v8, v0;
	[tilespmem:s6+$0x1A0] =	vst v4  }
0x16e: {  	[tilespmem:s6+$0xFFFFFEA0] =	vst v6;
	v2 =	vadd.f32 v2, v0;
	v4 =	vld [tilespmem:s10+$0x1B0]  }
0x16f: {  	[tilespmem:s6+$0xFFFFFF20] =	vst v8;
	v7 =	vadd.f32 v7, v0;
	v6 =	vld [tilespmem:s10+$0xFFFFFEB0]  }
0x170: {  	v8 =	vld [tilespmem:s10+$0xFFFFFF30];
	[tilespmem:s6+$0xFFFFFFA0] =	vst v2;
	v1 =	vadd.f32 v1, v0  }
0x171: {  	[tilespmem:s6+$0x20] =	vst v7;
	v3 =	vadd.f32 v3, v0;
	v2 =	vld [tilespmem:s10+$0xFFFFFFB0]  }
0x172: {  	v5 =	vadd.f32 v5, v0;
	v7 =	vld [tilespmem:s10+$0x30];
	[tilespmem:s6+$0xA0] =	vst v1  }
0x173: {  	[tilespmem:s6+$0x120] =	vst v3;
	v1 =	vld [tilespmem:s10+$0xB0]  }
0x174: {  	[tilespmem:s6+$0xFFFFFE20] =	vst v5;
	v3 =	vld [tilespmem:s10+$0x130]  }
0x175: {  	v5 =	vld [tilespmem:s10+$0xFFFFFE30]  }
0x176: {  	v4 =	vld.idx.msk [tilespmem:v4+s2+$0x0], $0xffff  }
0x177: {  	v6 =	vld.idx.msk [tilespmem:v6+s2+$0x0], $0xffff  }
0x178: {  	v8 =	vld.idx.msk [tilespmem:v8+s2+$0x0], $0xffff  }
0x179: {  	v2 =	vld.idx.msk [tilespmem:v2+s2+$0x0], $0xffff  }
0x17a: {  	v7 =	vld.idx.msk [tilespmem:v7+s2+$0x0], $0xffff  }
0x17b: {  	v1 =	vld.idx.msk [tilespmem:v1+s2+$0x0], $0xffff;
	v4 =	vadd.f32 v4, v0  }
0x17c: {  	v3 =	vld.idx.msk [tilespmem:v3+s2+$0x0], $0xffff;
	v6 =	vadd.f32 v6, v0  }
0x17d: {  	v5 =	vld.idx.msk [tilespmem:v5+s2+$0x0], $0xffff;
	v8 =	vadd.f32 v8, v0;
	[tilespmem:s6+$0x1B0] =	vst v4  }
0x17e: {  	[tilespmem:s6+$0xFFFFFEB0] =	vst v6;
	v2 =	vadd.f32 v2, v0;
	v4 =	vld [tilespmem:s10+$0x1C0]  }
0x17f: {  	[tilespmem:s6+$0xFFFFFF30] =	vst v8;
	v7 =	vadd.f32 v7, v0;
	v6 =	vld [tilespmem:s10+$0xFFFFFEC0]  }
0x180: {  	v8 =	vld [tilespmem:s10+$0xFFFFFF40];
	[tilespmem:s6+$0xFFFFFFB0] =	vst v2;
	v1 =	vadd.f32 v1, v0  }
0x181: {  	[tilespmem:s6+$0x30] =	vst v7;
	v3 =	vadd.f32 v3, v0;
	v2 =	vld [tilespmem:s10+$0xFFFFFFC0]  }
0x182: {  	v5 =	vadd.f32 v5, v0;
	v7 =	vld [tilespmem:s10+$0x40];
	[tilespmem:s6+$0xB0] =	vst v1  }
0x183: {  	[tilespmem:s6+$0x130] =	vst v3;
	v1 =	vld [tilespmem:s10+$0xC0]  }
0x184: {  	[tilespmem:s6+$0xFFFFFE30] =	vst v5;
	v3 =	vld [tilespmem:s10+$0x140]  }
0x185: {  	v5 =	vld [tilespmem:s10+$0xFFFFFE40]  }
0x186: {  	v4 =	vld.idx.msk [tilespmem:v4+s2+$0x0], $0xffff  }
0x187: {  	v6 =	vld.idx.msk [tilespmem:v6+s2+$0x0], $0xffff  }
0x188: {  	v8 =	vld.idx.msk [tilespmem:v8+s2+$0x0], $0xffff  }
0x189: {  	v2 =	vld.idx.msk [tilespmem:v2+s2+$0x0], $0xffff  }
0x18a: {  	v7 =	vld.idx.msk [tilespmem:v7+s2+$0x0], $0xffff  }
0x18b: {  	v1 =	vld.idx.msk [tilespmem:v1+s2+$0x0], $0xffff;
	v4 =	vadd.f32 v4, v0  }
0x18c: {  	v3 =	vld.idx.msk [tilespmem:v3+s2+$0x0], $0xffff;
	v6 =	vadd.f32 v6, v0  }
0x18d: {  	v5 =	vld.idx.msk [tilespmem:v5+s2+$0x0], $0xffff;
	v8 =	vadd.f32 v8, v0;
	[tilespmem:s6+$0x1C0] =	vst v4  }
0x18e: {  	[tilespmem:s6+$0xFFFFFEC0] =	vst v6;
	v2 =	vadd.f32 v2, v0;
	v4 =	vld [tilespmem:s10+$0x1D0]  }
0x18f: {  	[tilespmem:s6+$0xFFFFFF40] =	vst v8;
	v7 =	vadd.f32 v7, v0;
	v6 =	vld [tilespmem:s10+$0xFFFFFED0]  }
0x190: {  	v8 =	vld [tilespmem:s10+$0xFFFFFF50];
	[tilespmem:s6+$0xFFFFFFC0] =	vst v2;
	v1 =	vadd.f32 v1, v0  }
0x191: {  	[tilespmem:s6+$0x40] =	vst v7;
	v3 =	vadd.f32 v3, v0;
	v2 =	vld [tilespmem:s10+$0xFFFFFFD0]  }
0x192: {  	v5 =	vadd.f32 v5, v0;
	v7 =	vld [tilespmem:s10+$0x50];
	[tilespmem:s6+$0xC0] =	vst v1  }
0x193: {  	[tilespmem:s6+$0x140] =	vst v3;
	v1 =	vld [tilespmem:s10+$0xD0]  }
0x194: {  	[tilespmem:s6+$0xFFFFFE40] =	vst v5;
	v3 =	vld [tilespmem:s10+$0x150]  }
0x195: {  	v5 =	vld [tilespmem:s10+$0xFFFFFE50]  }
0x196: {  	v4 =	vld.idx.msk [tilespmem:v4+s2+$0x0], $0xffff  }
0x197: {  	v6 =	vld.idx.msk [tilespmem:v6+s2+$0x0], $0xffff  }
0x198: {  	v8 =	vld.idx.msk [tilespmem:v8+s2+$0x0], $0xffff  }
0x199: {  	v2 =	vld.idx.msk [tilespmem:v2+s2+$0x0], $0xffff  }
0x19a: {  	v7 =	vld.idx.msk [tilespmem:v7+s2+$0x0], $0xffff  }
0x19b: {  	v1 =	vld.idx.msk [tilespmem:v1+s2+$0x0], $0xffff;
	v4 =	vadd.f32 v4, v0  }
0x19c: {  	v3 =	vld.idx.msk [tilespmem:v3+s2+$0x0], $0xffff;
	v6 =	vadd.f32 v6, v0  }
0x19d: {  	v5 =	vld.idx.msk [tilespmem:v5+s2+$0x0], $0xffff;
	v8 =	vadd.f32 v8, v0;
	[tilespmem:s6+$0x1D0] =	vst v4  }
0x19e: {  	[tilespmem:s6+$0xFFFFFED0] =	vst v6;
	v2 =	vadd.f32 v2, v0;
	v4 =	vld [tilespmem:s10+$0x1E0]  }
0x19f: {  	[tilespmem:s6+$0xFFFFFF50] =	vst v8;
	v7 =	vadd.f32 v7, v0;
	v6 =	vld [tilespmem:s10+$0xFFFFFEE0]  }
0x1a0: {  	v8 =	vld [tilespmem:s10+$0xFFFFFF60];
	[tilespmem:s6+$0xFFFFFFD0] =	vst v2;
	v1 =	vadd.f32 v1, v0  }
0x1a1: {  	[tilespmem:s6+$0x50] =	vst v7;
	v3 =	vadd.f32 v3, v0;
	v2 =	vld [tilespmem:s10+$0xFFFFFFE0]  }
0x1a2: {  	v5 =	vadd.f32 v5, v0;
	v7 =	vld [tilespmem:s10+$0x60];
	[tilespmem:s6+$0xD0] =	vst v1  }
0x1a3: {  	[tilespmem:s6+$0x150] =	vst v3;
	v1 =	vld [tilespmem:s10+$0xE0]  }
0x1a4: {  	[tilespmem:s6+$0xFFFFFE50] =	vst v5;
	v3 =	vld [tilespmem:s10+$0x160]  }
0x1a5: {  	v5 =	vld [tilespmem:s10+$0xFFFFFE60]  }
0x1a6: {  	v4 =	vld.idx.msk [tilespmem:v4+s2+$0x0], $0xffff  }
0x1a7: {  	v6 =	vld.idx.msk [tilespmem:v6+s2+$0x0], $0xffff  }
0x1a8: {  	v8 =	vld.idx.msk [tilespmem:v8+s2+$0x0], $0xffff  }
0x1a9: {  	v2 =	vld.idx.msk [tilespmem:v2+s2+$0x0], $0xffff  }
0x1aa: {  	v7 =	vld.idx.msk [tilespmem:v7+s2+$0x0], $0xffff  }
0x1ab: {  	v1 =	vld.idx.msk [tilespmem:v1+s2+$0x0], $0xffff;
	v4 =	vadd.f32 v4, v0  }
0x1ac: {  	v3 =	vld.idx.msk [tilespmem:v3+s2+$0x0], $0xffff;
	v6 =	vadd.f32 v6, v0  }
0x1ad: {  	v9 =	vld.idx.msk [tilespmem:v5+s2+$0x0], $0xffff;
	v5 =	vadd.f32 v8, v0;
	[tilespmem:s6+$0x1E0] =	vst v4  }
0x1ae: {  	[tilespmem:s6+$0xFFFFFEE0] =	vst v6;
	v2 =	vadd.f32 v2, v0;
	v8 =	vld [tilespmem:s10+$0x1F0]  }
0x1af: {  	[tilespmem:s6+$0xFFFFFF60] =	vst v5;
	v7 =	vadd.f32 v7, v0;
	v6 =	vld [tilespmem:s10+$0xFFFFFEF0]  }
0x1b0: {  	v5 =	vld [tilespmem:s10+$0xFFFFFF70];
	[tilespmem:s6+$0xFFFFFFE0] =	vst v2;
	v1 =	vadd.f32 v1, v0  }
0x1b1: {  	[tilespmem:s6+$0x60] =	vst v7;
	v7 =	vadd.f32 v3, v0;
	v4 =	vld [tilespmem:s10+$0xFFFFFFF0]  }
0x1b2: {  	v9 =	vadd.f32 v9, v0;
	v3 =	vld [tilespmem:s10+$0x70];
	[tilespmem:s6+$0xE0] =	vst v1  }
0x1b3: {  	[tilespmem:s6+$0x160] =	vst v7;
	v2 =	vld [tilespmem:s10+$0xF0]  }
0x1b4: {  	[tilespmem:s6+$0xFFFFFE60] =	vst v9;
	v1 =	vld [tilespmem:s10+$0x170]  }
0x1b5: {  	v7 =	vld [tilespmem:s10+$0xFFFFFE70]  }
0x1b6: {  	s7 =	simm.s32 $0x1B968;
	s8 =	simm.s32 $0x0;
	s10 =	simm.s32 $0x19D68;
	v8 =	vld.idx.msk [tilespmem:v8+s2+$0x0], $0xffff  }
.LBB2_6:
0x1b7: {  	v9 =	vld [tilespmem:s10+$0x180];
	s8 =	sadd.s32 $0x8, s8  }
0x1b8: {  	v10 =	vld [tilespmem:s10+$0xFFFFFE80];
	p2 =	slt.u32 s8, $0x18  }
0x1b9: {  	v11 =	vld [tilespmem:s10+$0xFFFFFF00]  }
0x1ba: {  	v12 =	vld [tilespmem:s10+$0xFFFFFF80]  }
0x1bb: {  	v13 =	vld [tilespmem:s10+$0x0]  }
0x1bc: {  	v8 =	vadd.f32 v8, v0;
	v14 =	vld [tilespmem:s10+$0x80]  }
0x1bd: {  	v15 =	vld [tilespmem:s10+$0x100]  }
0x1be: {  	v16 =	vld [tilespmem:s10+$0xFFFFFE00];
	[tilespmem:s6+$0x1F0] =	vst v8  }
0x1bf: {  	v8 =	vld.idx.msk [tilespmem:v9+s2+$0x0], $0xffff  }
0x1c0: {  	v9 =	vld.idx.msk [tilespmem:v10+s2+$0x0], $0xffff  }
0x1c1: {  	v10 =	vld.idx.msk [tilespmem:v11+s2+$0x0], $0xffff  }
0x1c2: {  	v11 =	vld.idx.msk [tilespmem:v12+s2+$0x0], $0xffff  }
0x1c3: {  	v12 =	vld.idx.msk [tilespmem:v13+s2+$0x0], $0xffff  }
0x1c4: {  	v13 =	vld.idx.msk [tilespmem:v14+s2+$0x0], $0xffff  }
0x1c5: {  	v8 =	vadd.f32 v8, v0;
	v14 =	vld.idx.msk [tilespmem:v15+s2+$0x0], $0xffff  }
0x1c6: {  	s6 =	sadd.s32 $0x400, s6;
	v9 =	vadd.f32 v9, v0;
	v15 =	vld.idx.msk [tilespmem:v16+s2+$0x0], $0xffff  }
0x1c7: {  	v10 =	vadd.f32 v10, v0;
	[tilespmem:s6+$0x180] =	vst v8;
	v7 =	vld.idx.msk [tilespmem:v7+s2+$0x0], $0xffff  }
0x1c8: {  	v8 =	vadd.f32 v11, v0;
	[tilespmem:s6+$0xFFFFFE80] =	vst v9;
	v9 =	vld [tilespmem:s10+$0x190]  }
0x1c9: {  	v11 =	vld [tilespmem:s10+$0xFFFFFE90];
	[tilespmem:s6+$0xFFFFFF00] =	vst v10;
	v10 =	vadd.f32 v12, v0  }
0x1ca: {  	v12 =	vld [tilespmem:s10+$0xFFFFFF10];
	[tilespmem:s6+$0xFFFFFF80] =	vst v8;
	v8 =	vadd.f32 v13, v0  }
0x1cb: {  	v13 =	vld [tilespmem:s10+$0xFFFFFF90];
	[tilespmem:s6+$0x0] =	vst v10;
	v10 =	vadd.f32 v14, v0  }
0x1cc: {  	v14 =	vadd.f32 v15, v0;
	v15 =	vld [tilespmem:s10+$0x10];
	[tilespmem:s6+$0x80] =	vst v8  }
0x1cd: {  	v7 =	vadd.f32 v7, v0;
	v8 =	vld [tilespmem:s10+$0x90];
	[tilespmem:s6+$0x100] =	vst v10  }
0x1ce: {  	[tilespmem:s6+$0xFFFFFE00] =	vst v14;
	v10 =	vld [tilespmem:s10+$0x110]  }
0x1cf: {  	v14 =	vld [tilespmem:s10+$0xFFFFFE10];
	[tilespmem:s7+$0xFFFFFE70] =	vst v7  }
0x1d0: {  	v7 =	vld.idx.msk [tilespmem:v9+s2+$0x0], $0xffff  }
0x1d1: {  	v9 =	vld.idx.msk [tilespmem:v11+s2+$0x0], $0xffff  }
0x1d2: {  	v11 =	vld.idx.msk [tilespmem:v12+s2+$0x0], $0xffff  }
0x1d3: {  	v12 =	vld.idx.msk [tilespmem:v13+s2+$0x0], $0xffff  }
0x1d4: {  	v13 =	vld.idx.msk [tilespmem:v15+s2+$0x0], $0xffff  }
0x1d5: {  	v8 =	vld.idx.msk [tilespmem:v8+s2+$0x0], $0xffff  }
0x1d6: {  	v7 =	vadd.f32 v7, v0;
	v10 =	vld.idx.msk [tilespmem:v10+s2+$0x0], $0xffff  }
0x1d7: {  	v9 =	vadd.f32 v9, v0;
	v14 =	vld.idx.msk [tilespmem:v14+s2+$0x0], $0xffff  }
0x1d8: {  	v11 =	vadd.f32 v11, v0;
	[tilespmem:s6+$0x190] =	vst v7;
	v6 =	vld.idx.msk [tilespmem:v6+s2+$0x0], $0xffff  }
0x1d9: {  	v7 =	vadd.f32 v12, v0;
	[tilespmem:s6+$0xFFFFFE90] =	vst v9;
	v9 =	vld [tilespmem:s10+$0x1A0]  }
0x1da: {  	v12 =	vld [tilespmem:s10+$0xFFFFFEA0];
	[tilespmem:s6+$0xFFFFFF10] =	vst v11;
	v11 =	vadd.f32 v13, v0  }
0x1db: {  	v13 =	vld [tilespmem:s10+$0xFFFFFF20];
	[tilespmem:s6+$0xFFFFFF90] =	vst v7;
	v7 =	vadd.f32 v8, v0  }
0x1dc: {  	v10 =	vadd.f32 v10, v0;
	v8 =	vld [tilespmem:s10+$0xFFFFFFA0];
	[tilespmem:s6+$0x10] =	vst v11  }
0x1dd: {  	v11 =	vadd.f32 v14, v0;
	v14 =	vld [tilespmem:s10+$0x20];
	[tilespmem:s6+$0x90] =	vst v7  }
0x1de: {  	v6 =	vadd.f32 v6, v0;
	v7 =	vld [tilespmem:s10+$0xA0];
	[tilespmem:s6+$0x110] =	vst v10  }
0x1df: {  	[tilespmem:s6+$0xFFFFFE10] =	vst v11;
	v10 =	vld [tilespmem:s10+$0x120]  }
0x1e0: {  	v11 =	vld [tilespmem:s10+$0xFFFFFE20];
	[tilespmem:s7+$0xFFFFFEF0] =	vst v6  }
0x1e1: {  	v6 =	vld.idx.msk [tilespmem:v9+s2+$0x0], $0xffff  }
0x1e2: {  	v9 =	vld.idx.msk [tilespmem:v12+s2+$0x0], $0xffff  }
0x1e3: {  	v12 =	vld.idx.msk [tilespmem:v13+s2+$0x0], $0xffff  }
0x1e4: {  	v8 =	vld.idx.msk [tilespmem:v8+s2+$0x0], $0xffff  }
0x1e5: {  	v13 =	vld.idx.msk [tilespmem:v14+s2+$0x0], $0xffff  }
0x1e6: {  	v7 =	vld.idx.msk [tilespmem:v7+s2+$0x0], $0xffff  }
0x1e7: {  	v6 =	vadd.f32 v6, v0;
	v10 =	vld.idx.msk [tilespmem:v10+s2+$0x0], $0xffff  }
0x1e8: {  	v9 =	vadd.f32 v9, v0;
	v11 =	vld.idx.msk [tilespmem:v11+s2+$0x0], $0xffff  }
0x1e9: {  	v12 =	vadd.f32 v12, v0;
	[tilespmem:s6+$0x1A0] =	vst v6;
	v5 =	vld.idx.msk [tilespmem:v5+s2+$0x0], $0xffff  }
0x1ea: {  	v6 =	vadd.f32 v8, v0;
	[tilespmem:s6+$0xFFFFFEA0] =	vst v9;
	v8 =	vld [tilespmem:s10+$0x1B0]  }
0x1eb: {  	v9 =	vld [tilespmem:s10+$0xFFFFFEB0];
	[tilespmem:s6+$0xFFFFFF20] =	vst v12;
	v12 =	vadd.f32 v13, v0  }
0x1ec: {  	v13 =	vld [tilespmem:s10+$0xFFFFFF30];
	[tilespmem:s6+$0xFFFFFFA0] =	vst v6;
	v6 =	vadd.f32 v7, v0  }
0x1ed: {  	v10 =	vadd.f32 v10, v0;
	v7 =	vld [tilespmem:s10+$0xFFFFFFB0];
	[tilespmem:s6+$0x20] =	vst v12  }
0x1ee: {  	v11 =	vadd.f32 v11, v0;
	v12 =	vld [tilespmem:s10+$0x30];
	[tilespmem:s6+$0xA0] =	vst v6  }
0x1ef: {  	v5 =	vadd.f32 v5, v0;
	v6 =	vld [tilespmem:s10+$0xB0];
	[tilespmem:s6+$0x120] =	vst v10  }
0x1f0: {  	[tilespmem:s6+$0xFFFFFE20] =	vst v11;
	v10 =	vld [tilespmem:s10+$0x130]  }
0x1f1: {  	v11 =	vld [tilespmem:s10+$0xFFFFFE30];
	[tilespmem:s7+$0xFFFFFF70] =	vst v5  }
0x1f2: {  	v5 =	vld.idx.msk [tilespmem:v8+s2+$0x0], $0xffff  }
0x1f3: {  	v8 =	vld.idx.msk [tilespmem:v9+s2+$0x0], $0xffff  }
0x1f4: {  	v9 =	vld.idx.msk [tilespmem:v13+s2+$0x0], $0xffff  }
0x1f5: {  	v7 =	vld.idx.msk [tilespmem:v7+s2+$0x0], $0xffff  }
0x1f6: {  	v12 =	vld.idx.msk [tilespmem:v12+s2+$0x0], $0xffff  }
0x1f7: {  	v6 =	vld.idx.msk [tilespmem:v6+s2+$0x0], $0xffff  }
0x1f8: {  	v5 =	vadd.f32 v5, v0;
	v10 =	vld.idx.msk [tilespmem:v10+s2+$0x0], $0xffff  }
0x1f9: {  	v8 =	vadd.f32 v8, v0;
	v11 =	vld.idx.msk [tilespmem:v11+s2+$0x0], $0xffff  }
0x1fa: {  	v9 =	vadd.f32 v9, v0;
	[tilespmem:s6+$0x1B0] =	vst v5;
	v4 =	vld.idx.msk [tilespmem:v4+s2+$0x0], $0xffff  }
0x1fb: {  	v5 =	vadd.f32 v7, v0;
	[tilespmem:s6+$0xFFFFFEB0] =	vst v8;
	v7 =	vld [tilespmem:s10+$0x1C0]  }
0x1fc: {  	v8 =	vld [tilespmem:s10+$0xFFFFFEC0];
	[tilespmem:s6+$0xFFFFFF30] =	vst v9;
	v9 =	vadd.f32 v12, v0  }
0x1fd: {  	v12 =	vld [tilespmem:s10+$0xFFFFFF40];
	[tilespmem:s6+$0xFFFFFFB0] =	vst v5;
	v5 =	vadd.f32 v6, v0  }
0x1fe: {  	v6 =	vld [tilespmem:s10+$0xFFFFFFC0];
	[tilespmem:s6+$0x30] =	vst v9;
	v9 =	vadd.f32 v10, v0  }
0x1ff: {  	v10 =	vadd.f32 v11, v0;
	v11 =	vld [tilespmem:s10+$0x40];
	[tilespmem:s6+$0xB0] =	vst v5  }
0x200: {  	v4 =	vadd.f32 v4, v0;
	v5 =	vld [tilespmem:s10+$0xC0];
	[tilespmem:s6+$0x130] =	vst v9  }
0x201: {  	[tilespmem:s6+$0xFFFFFE30] =	vst v10;
	v9 =	vld [tilespmem:s10+$0x140]  }
0x202: {  	v10 =	vld [tilespmem:s10+$0xFFFFFE40];
	[tilespmem:s7+$0xFFFFFFF0] =	vst v4  }
0x203: {  	v4 =	vld.idx.msk [tilespmem:v7+s2+$0x0], $0xffff  }
0x204: {  	v7 =	vld.idx.msk [tilespmem:v8+s2+$0x0], $0xffff  }
0x205: {  	v8 =	vld.idx.msk [tilespmem:v12+s2+$0x0], $0xffff  }
0x206: {  	v6 =	vld.idx.msk [tilespmem:v6+s2+$0x0], $0xffff  }
0x207: {  	v11 =	vld.idx.msk [tilespmem:v11+s2+$0x0], $0xffff  }
0x208: {  	v5 =	vld.idx.msk [tilespmem:v5+s2+$0x0], $0xffff  }
0x209: {  	v4 =	vadd.f32 v4, v0;
	v9 =	vld.idx.msk [tilespmem:v9+s2+$0x0], $0xffff  }
0x20a: {  	v7 =	vadd.f32 v7, v0;
	v10 =	vld.idx.msk [tilespmem:v10+s2+$0x0], $0xffff  }
0x20b: {  	v8 =	vadd.f32 v8, v0;
	[tilespmem:s6+$0x1C0] =	vst v4;
	v3 =	vld.idx.msk [tilespmem:v3+s2+$0x0], $0xffff  }
0x20c: {  	v4 =	vadd.f32 v6, v0;
	[tilespmem:s6+$0xFFFFFEC0] =	vst v7;
	v6 =	vld [tilespmem:s10+$0x1D0]  }
0x20d: {  	v7 =	vld [tilespmem:s10+$0xFFFFFED0];
	[tilespmem:s6+$0xFFFFFF40] =	vst v8;
	v8 =	vadd.f32 v11, v0  }
0x20e: {  	v11 =	vld [tilespmem:s10+$0xFFFFFF50];
	[tilespmem:s6+$0xFFFFFFC0] =	vst v4;
	v4 =	vadd.f32 v5, v0  }
0x20f: {  	v5 =	vld [tilespmem:s10+$0xFFFFFFD0];
	[tilespmem:s6+$0x40] =	vst v8;
	v8 =	vadd.f32 v9, v0  }
0x210: {  	v9 =	vadd.f32 v10, v0;
	v10 =	vld [tilespmem:s10+$0x50];
	[tilespmem:s6+$0xC0] =	vst v4  }
0x211: {  	v3 =	vadd.f32 v3, v0;
	v4 =	vld [tilespmem:s10+$0xD0];
	[tilespmem:s6+$0x140] =	vst v8  }
0x212: {  	[tilespmem:s6+$0xFFFFFE40] =	vst v9;
	v8 =	vld [tilespmem:s10+$0x150]  }
0x213: {  	v9 =	vld [tilespmem:s10+$0xFFFFFE50];
	[tilespmem:s7+$0x70] =	vst v3  }
0x214: {  	v3 =	vld.idx.msk [tilespmem:v6+s2+$0x0], $0xffff  }
0x215: {  	v6 =	vld.idx.msk [tilespmem:v7+s2+$0x0], $0xffff  }
0x216: {  	v7 =	vld.idx.msk [tilespmem:v11+s2+$0x0], $0xffff  }
0x217: {  	v5 =	vld.idx.msk [tilespmem:v5+s2+$0x0], $0xffff  }
0x218: {  	v10 =	vld.idx.msk [tilespmem:v10+s2+$0x0], $0xffff  }
0x219: {  	v4 =	vld.idx.msk [tilespmem:v4+s2+$0x0], $0xffff  }
0x21a: {  	v3 =	vadd.f32 v3, v0;
	v8 =	vld.idx.msk [tilespmem:v8+s2+$0x0], $0xffff  }
0x21b: {  	v6 =	vadd.f32 v6, v0;
	v9 =	vld.idx.msk [tilespmem:v9+s2+$0x0], $0xffff  }
0x21c: {  	v7 =	vadd.f32 v7, v0;
	[tilespmem:s6+$0x1D0] =	vst v3;
	v2 =	vld.idx.msk [tilespmem:v2+s2+$0x0], $0xffff  }
0x21d: {  	v3 =	vadd.f32 v5, v0;
	[tilespmem:s6+$0xFFFFFED0] =	vst v6;
	v5 =	vld [tilespmem:s10+$0x1E0]  }
0x21e: {  	v6 =	vld [tilespmem:s10+$0xFFFFFEE0];
	[tilespmem:s6+$0xFFFFFF50] =	vst v7;
	v7 =	vadd.f32 v10, v0  }
0x21f: {  	v10 =	vld [tilespmem:s10+$0xFFFFFF60];
	[tilespmem:s6+$0xFFFFFFD0] =	vst v3;
	v3 =	vadd.f32 v4, v0  }
0x220: {  	v4 =	vld [tilespmem:s10+$0xFFFFFFE0];
	[tilespmem:s6+$0x50] =	vst v7;
	v7 =	vadd.f32 v8, v0  }
0x221: {  	v8 =	vadd.f32 v9, v0;
	v9 =	vld [tilespmem:s10+$0x60];
	[tilespmem:s6+$0xD0] =	vst v3  }
0x222: {  	v2 =	vadd.f32 v2, v0;
	v3 =	vld [tilespmem:s10+$0xE0];
	[tilespmem:s6+$0x150] =	vst v7  }
0x223: {  	[tilespmem:s6+$0xFFFFFE50] =	vst v8;
	v7 =	vld [tilespmem:s10+$0x160]  }
0x224: {  	v8 =	vld [tilespmem:s10+$0xFFFFFE60];
	[tilespmem:s7+$0xF0] =	vst v2  }
0x225: {  	v2 =	vld.idx.msk [tilespmem:v5+s2+$0x0], $0xffff  }
0x226: {  	v5 =	vld.idx.msk [tilespmem:v6+s2+$0x0], $0xffff  }
0x227: {  	v6 =	vld.idx.msk [tilespmem:v10+s2+$0x0], $0xffff  }
0x228: {  	v4 =	vld.idx.msk [tilespmem:v4+s2+$0x0], $0xffff  }
0x229: {  	v9 =	vld.idx.msk [tilespmem:v9+s2+$0x0], $0xffff  }
0x22a: {  	v3 =	vld.idx.msk [tilespmem:v3+s2+$0x0], $0xffff  }
0x22b: {  	v2 =	vadd.f32 v2, v0;
	v7 =	vld.idx.msk [tilespmem:v7+s2+$0x0], $0xffff  }
0x22c: {  	v5 =	vadd.f32 v5, v0;
	v8 =	vld.idx.msk [tilespmem:v8+s2+$0x0], $0xffff  }
0x22d: {  	v10 =	vadd.f32 v6, v0;
	[tilespmem:s6+$0x1E0] =	vst v2;
	v1 =	vld.idx.msk [tilespmem:v1+s2+$0x0], $0xffff  }
0x22e: {  	v2 =	vadd.f32 v4, v0;
	[tilespmem:s6+$0xFFFFFEE0] =	vst v5;
	v11 =	vld [tilespmem:s10+$0x1F0]  }
0x22f: {  	v9 =	vadd.f32 v9, v0;
	v6 =	vld [tilespmem:s10+$0xFFFFFEF0];
	[tilespmem:s6+$0xFFFFFF60] =	vst v10  }
0x230: {  	v5 =	vld [tilespmem:s10+$0xFFFFFF70];
	[tilespmem:s6+$0xFFFFFFE0] =	vst v2;
	v2 =	vadd.f32 v3, v0  }
0x231: {  	v7 =	vadd.f32 v7, v0;
	v4 =	vld [tilespmem:s10+$0xFFFFFFF0];
	[tilespmem:s6+$0x60] =	vst v9  }
.Ltmp1:
0x232: {  	v8 =	vadd.f32 v8, v0;
	v3 =	vld [tilespmem:s10+$0x70];
	[tilespmem:s6+$0xE0] =	vst v2;
	(pc) =	sbr.rel @p2 .LBB2_6-.Ltmp1, $4  }
0x233: {  	v9 =	vadd.f32 v1, v0;
	v2 =	vld [tilespmem:s10+$0xF0];
	[tilespmem:s6+$0x160] =	vst v7  }
0x234: {  	[tilespmem:s6+$0xFFFFFE60] =	vst v8;
	v1 =	vld [tilespmem:s10+$0x170]  }
0x235: {  	v7 =	vld [tilespmem:s10+$0xFFFFFE70];
	[tilespmem:s7+$0x170] =	vst v9;
	s7 =	smov.u32 s6  }
0x236: {  	s10 =	sadd.s32 $0x400, s10;
	v8 =	vld.idx.msk [tilespmem:v11+s2+$0x0], $0xffff  }
0x237: {  	_ =	sdelay $0x3  }
0x238: {  	v6 =	vld.idx.msk [tilespmem:v6+s2+$0x0], $0xffff  }
0x239: {  	v5 =	vld.idx.msk [tilespmem:v5+s2+$0x0], $0xffff  }
0x23a: {  	v4 =	vld.idx.msk [tilespmem:v4+s2+$0x0], $0xffff  }
0x23b: {  	v3 =	vld.idx.msk [tilespmem:v3+s2+$0x0], $0xffff  }
0x23c: {  	v2 =	vld.idx.msk [tilespmem:v2+s2+$0x0], $0xffff;
	v8 =	vadd.f32 v8, v0  }
0x23d: {  	v7 =	vld.idx.msk [tilespmem:v7+s2+$0x0], $0xffff;
	v6 =	vadd.f32 v6, v0  }
0x23e: {  	v1 =	vld.idx.msk [tilespmem:v1+s2+$0x0], $0xffff;
	v5 =	vadd.f32 v5, v0;
	[tilespmem:s6+$0x1F0] =	vst v8  }
0x23f: {  	v4 =	vadd.f32 v4, v0;
	[tilespmem:s7+$0xFFFFFEF0] =	vst v6  }
0x240: {  	v3 =	vadd.f32 v3, v0;
	[tilespmem:s7+$0xFFFFFF70] =	vst v5  }
0x241: {  	v2 =	vadd.f32 v2, v0;
	[tilespmem:s7+$0xFFFFFFF0] =	vst v4  }
0x242: {  	[tilespmem:s7+$0x70] =	vst v3;
	v7 =	vadd.f32 v7, v0  }
0x243: {  	v0 =	vadd.f32 v1, v0;
	[tilespmem:s7+$0xF0] =	vst v2  }
0x244: {  	[tilespmem:s7+$0xFFFFFE70] =	vst v7  }
0x245: {  	[tilespmem:s7+$0x170] =	vst v0  }
0x246: {  	s5 =	sor.u32 $0x3, s5;
	_ =	swait.ge [sflag:s16], $0x1000  }
0x247: {  	s7 =	sshll.u32 s5, $0x9;
	v0 =	vmov s30;
	[sflag:s16] =	ssyncset.done $0x0  }
0x248: {  	s6 =	sadd.s32 s4, s7;
	v0 =	vand.u32 $0xFFFFFFFE, v0;
	[sflag:s16] =	ssyncadd.s32 $0xFFFFF000  }
0x249: {  	v0 =	vbroadcast v0, $0x0;
	[tilespmem:s17], [sflag:$0x2] =	stream.linear.gather [hbm4b:s6+s2], $0x1000, $0x38;
	[tilespmem:$0x1E768] =	vst v63  }
0x24a: {  	s8 =	sshll.u32 s28, $0x12;
	s6 =	simm.s32 @!p1 $0x5  }
0x24b: {  	s7 =	sor.u32 s11, s8;
	_ =	swait.ge @!p1 [sflag:s6], $0x1000  }
0x24c: {  	s7 =	sshrl.u32 s7, $0x3;
	[sflag:s6] =	ssyncset.done @!p1 $0x0  }
0x24d: {  	s10 =	sadd.s32 s1, s7;
	[sflag:s6] =	ssyncadd.s32 @!p1 $0xFFFFF000  }
0x24e: {  	[hbm4b:s10+s19] =	stream.strided.scatter [tilespmem:s22], [sflag:$0x4], $0x1000, s20, s19, $0x38;
	[tilespmem:$0x1E768] =	vst v63  }
0x24f: {  	s28 =	simm.s32 $0x18968;
	v0 =	vld.idx.msk [tilespmem:v0+s14+$0x0], $0xffff  }
0x250: {  	v1 =	vld [tilespmem:s28+$0x180]  }
0x251: {  	v2 =	vld [tilespmem:s28+$0xFFFFFE80]  }
0x252: {  	v3 =	vld [tilespmem:s28+$0xFFFFFF00]  }
0x253: {  	v4 =	vld [tilespmem:s28+$0xFFFFFF80]  }
0x254: {  	v5 =	vld [tilespmem:s28+$0x0]  }
0x255: {  	v6 =	vld [tilespmem:s28+$0x80]  }
0x256: {  	v7 =	vld [tilespmem:s28+$0x100]  }
0x257: {  	v8 =	vld [tilespmem:s28+$0xFFFFFE00]  }
0x258: {  	v1 =	vld.idx.msk [tilespmem:v1+s2+$0x0], $0xffff  }
0x259: {  	v2 =	vld.idx.msk [tilespmem:v2+s2+$0x0], $0xffff  }
0x25a: {  	v3 =	vld.idx.msk [tilespmem:v3+s2+$0x0], $0xffff  }
0x25b: {  	v4 =	vld.idx.msk [tilespmem:v4+s2+$0x0], $0xffff  }
0x25c: {  	v5 =	vld.idx.msk [tilespmem:v5+s2+$0x0], $0xffff  }
0x25d: {  	v6 =	vld.idx.msk [tilespmem:v6+s2+$0x0], $0xffff;
	v1 =	vadd.f32 v1, v0  }
0x25e: {  	s6 =	simm.s32 $0x1C968;
	v7 =	vld.idx.msk [tilespmem:v7+s2+$0x0], $0xffff;
	v2 =	vadd.f32 v2, v0  }
0x25f: {  	v8 =	vld.idx.msk [tilespmem:v8+s2+$0x0], $0xffff;
	v3 =	vadd.f32 v3, v0;
	[tilespmem:s6+$0x180] =	vst v1  }
0x260: {  	[tilespmem:s6+$0xFFFFFE80] =	vst v2;
	v1 =	vadd.f32 v4, v0;
	v2 =	vld [tilespmem:s28+$0x190]  }
0x261: {  	[tilespmem:s6+$0xFFFFFF00] =	vst v3;
	v3 =	vadd.f32 v5, v0;
	v4 =	vld [tilespmem:s28+$0xFFFFFE90]  }
0x262: {  	v5 =	vld [tilespmem:s28+$0xFFFFFF10];
	[tilespmem:s6+$0xFFFFFF80] =	vst v1;
	v1 =	vadd.f32 v6, v0  }
0x263: {  	[tilespmem:s6+$0x0] =	vst v3;
	v3 =	vadd.f32 v7, v0;
	v6 =	vld [tilespmem:s28+$0xFFFFFF90]  }
0x264: {  	v7 =	vadd.f32 v8, v0;
	v8 =	vld [tilespmem:s28+$0x10];
	[tilespmem:s6+$0x80] =	vst v1  }
0x265: {  	[tilespmem:s6+$0x100] =	vst v3;
	v1 =	vld [tilespmem:s28+$0x90]  }
0x266: {  	[tilespmem:s6+$0xFFFFFE00] =	vst v7;
	v3 =	vld [tilespmem:s28+$0x110]  }
0x267: {  	v7 =	vld [tilespmem:s28+$0xFFFFFE10]  }
0x268: {  	v2 =	vld.idx.msk [tilespmem:v2+s2+$0x0], $0xffff  }
0x269: {  	v4 =	vld.idx.msk [tilespmem:v4+s2+$0x0], $0xffff  }
0x26a: {  	v5 =	vld.idx.msk [tilespmem:v5+s2+$0x0], $0xffff  }
0x26b: {  	v6 =	vld.idx.msk [tilespmem:v6+s2+$0x0], $0xffff  }
0x26c: {  	v8 =	vld.idx.msk [tilespmem:v8+s2+$0x0], $0xffff  }
0x26d: {  	v1 =	vld.idx.msk [tilespmem:v1+s2+$0x0], $0xffff;
	v2 =	vadd.f32 v2, v0  }
0x26e: {  	v3 =	vld.idx.msk [tilespmem:v3+s2+$0x0], $0xffff;
	v4 =	vadd.f32 v4, v0  }
0x26f: {  	v7 =	vld.idx.msk [tilespmem:v7+s2+$0x0], $0xffff;
	v5 =	vadd.f32 v5, v0;
	[tilespmem:s6+$0x190] =	vst v2  }
0x270: {  	[tilespmem:s6+$0xFFFFFE90] =	vst v4;
	v2 =	vadd.f32 v6, v0;
	v4 =	vld [tilespmem:s28+$0x1A0]  }
0x271: {  	[tilespmem:s6+$0xFFFFFF10] =	vst v5;
	v5 =	vadd.f32 v8, v0;
	v6 =	vld [tilespmem:s28+$0xFFFFFEA0]  }
0x272: {  	v8 =	vld [tilespmem:s28+$0xFFFFFF20];
	[tilespmem:s6+$0xFFFFFF90] =	vst v2;
	v1 =	vadd.f32 v1, v0  }
0x273: {  	[tilespmem:s6+$0x10] =	vst v5;
	v3 =	vadd.f32 v3, v0;
	v2 =	vld [tilespmem:s28+$0xFFFFFFA0]  }
0x274: {  	v5 =	vadd.f32 v7, v0;
	v7 =	vld [tilespmem:s28+$0x20];
	[tilespmem:s6+$0x90] =	vst v1  }
0x275: {  	[tilespmem:s6+$0x110] =	vst v3;
	v1 =	vld [tilespmem:s28+$0xA0]  }
0x276: {  	[tilespmem:s6+$0xFFFFFE10] =	vst v5;
	v3 =	vld [tilespmem:s28+$0x120]  }
0x277: {  	v5 =	vld [tilespmem:s28+$0xFFFFFE20]  }
0x278: {  	v4 =	vld.idx.msk [tilespmem:v4+s2+$0x0], $0xffff  }
0x279: {  	v6 =	vld.idx.msk [tilespmem:v6+s2+$0x0], $0xffff  }
0x27a: {  	v8 =	vld.idx.msk [tilespmem:v8+s2+$0x0], $0xffff  }
0x27b: {  	v2 =	vld.idx.msk [tilespmem:v2+s2+$0x0], $0xffff  }
0x27c: {  	v7 =	vld.idx.msk [tilespmem:v7+s2+$0x0], $0xffff  }
0x27d: {  	v1 =	vld.idx.msk [tilespmem:v1+s2+$0x0], $0xffff;
	v4 =	vadd.f32 v4, v0  }
0x27e: {  	v3 =	vld.idx.msk [tilespmem:v3+s2+$0x0], $0xffff;
	v6 =	vadd.f32 v6, v0  }
0x27f: {  	v5 =	vld.idx.msk [tilespmem:v5+s2+$0x0], $0xffff;
	v8 =	vadd.f32 v8, v0;
	[tilespmem:s6+$0x1A0] =	vst v4  }
0x280: {  	[tilespmem:s6+$0xFFFFFEA0] =	vst v6;
	v2 =	vadd.f32 v2, v0;
	v4 =	vld [tilespmem:s28+$0x1B0]  }
0x281: {  	[tilespmem:s6+$0xFFFFFF20] =	vst v8;
	v7 =	vadd.f32 v7, v0;
	v6 =	vld [tilespmem:s28+$0xFFFFFEB0]  }
0x282: {  	v8 =	vld [tilespmem:s28+$0xFFFFFF30];
	[tilespmem:s6+$0xFFFFFFA0] =	vst v2;
	v1 =	vadd.f32 v1, v0  }
0x283: {  	[tilespmem:s6+$0x20] =	vst v7;
	v3 =	vadd.f32 v3, v0;
	v2 =	vld [tilespmem:s28+$0xFFFFFFB0]  }
0x284: {  	v5 =	vadd.f32 v5, v0;
	v7 =	vld [tilespmem:s28+$0x30];
	[tilespmem:s6+$0xA0] =	vst v1  }
0x285: {  	[tilespmem:s6+$0x120] =	vst v3;
	v1 =	vld [tilespmem:s28+$0xB0]  }
0x286: {  	[tilespmem:s6+$0xFFFFFE20] =	vst v5;
	v3 =	vld [tilespmem:s28+$0x130]  }
0x287: {  	v5 =	vld [tilespmem:s28+$0xFFFFFE30]  }
0x288: {  	v4 =	vld.idx.msk [tilespmem:v4+s2+$0x0], $0xffff  }
0x289: {  	v6 =	vld.idx.msk [tilespmem:v6+s2+$0x0], $0xffff  }
0x28a: {  	v8 =	vld.idx.msk [tilespmem:v8+s2+$0x0], $0xffff  }
0x28b: {  	v2 =	vld.idx.msk [tilespmem:v2+s2+$0x0], $0xffff  }
0x28c: {  	v7 =	vld.idx.msk [tilespmem:v7+s2+$0x0], $0xffff  }
0x28d: {  	v1 =	vld.idx.msk [tilespmem:v1+s2+$0x0], $0xffff;
	v4 =	vadd.f32 v4, v0  }
0x28e: {  	v3 =	vld.idx.msk [tilespmem:v3+s2+$0x0], $0xffff;
	v6 =	vadd.f32 v6, v0  }
0x28f: {  	v5 =	vld.idx.msk [tilespmem:v5+s2+$0x0], $0xffff;
	v8 =	vadd.f32 v8, v0;
	[tilespmem:s6+$0x1B0] =	vst v4  }
0x290: {  	[tilespmem:s6+$0xFFFFFEB0] =	vst v6;
	v2 =	vadd.f32 v2, v0;
	v4 =	vld [tilespmem:s28+$0x1C0]  }
0x291: {  	[tilespmem:s6+$0xFFFFFF30] =	vst v8;
	v7 =	vadd.f32 v7, v0;
	v6 =	vld [tilespmem:s28+$0xFFFFFEC0]  }
0x292: {  	v8 =	vld [tilespmem:s28+$0xFFFFFF40];
	[tilespmem:s6+$0xFFFFFFB0] =	vst v2;
	v1 =	vadd.f32 v1, v0  }
0x293: {  	[tilespmem:s6+$0x30] =	vst v7;
	v3 =	vadd.f32 v3, v0;
	v2 =	vld [tilespmem:s28+$0xFFFFFFC0]  }
0x294: {  	v5 =	vadd.f32 v5, v0;
	v7 =	vld [tilespmem:s28+$0x40];
	[tilespmem:s6+$0xB0] =	vst v1  }
0x295: {  	[tilespmem:s6+$0x130] =	vst v3;
	v1 =	vld [tilespmem:s28+$0xC0]  }
0x296: {  	[tilespmem:s6+$0xFFFFFE30] =	vst v5;
	v3 =	vld [tilespmem:s28+$0x140]  }
0x297: {  	v5 =	vld [tilespmem:s28+$0xFFFFFE40]  }
0x298: {  	v4 =	vld.idx.msk [tilespmem:v4+s2+$0x0], $0xffff  }
0x299: {  	v6 =	vld.idx.msk [tilespmem:v6+s2+$0x0], $0xffff  }
0x29a: {  	v8 =	vld.idx.msk [tilespmem:v8+s2+$0x0], $0xffff  }
0x29b: {  	v2 =	vld.idx.msk [tilespmem:v2+s2+$0x0], $0xffff  }
0x29c: {  	v7 =	vld.idx.msk [tilespmem:v7+s2+$0x0], $0xffff  }
0x29d: {  	v1 =	vld.idx.msk [tilespmem:v1+s2+$0x0], $0xffff;
	v4 =	vadd.f32 v4, v0  }
0x29e: {  	v3 =	vld.idx.msk [tilespmem:v3+s2+$0x0], $0xffff;
	v6 =	vadd.f32 v6, v0  }
0x29f: {  	v5 =	vld.idx.msk [tilespmem:v5+s2+$0x0], $0xffff;
	v8 =	vadd.f32 v8, v0;
	[tilespmem:s6+$0x1C0] =	vst v4  }
0x2a0: {  	[tilespmem:s6+$0xFFFFFEC0] =	vst v6;
	v2 =	vadd.f32 v2, v0;
	v4 =	vld [tilespmem:s28+$0x1D0]  }
0x2a1: {  	[tilespmem:s6+$0xFFFFFF40] =	vst v8;
	v7 =	vadd.f32 v7, v0;
	v6 =	vld [tilespmem:s28+$0xFFFFFED0]  }
0x2a2: {  	v8 =	vld [tilespmem:s28+$0xFFFFFF50];
	[tilespmem:s6+$0xFFFFFFC0] =	vst v2;
	v1 =	vadd.f32 v1, v0  }
0x2a3: {  	[tilespmem:s6+$0x40] =	vst v7;
	v3 =	vadd.f32 v3, v0;
	v2 =	vld [tilespmem:s28+$0xFFFFFFD0]  }
0x2a4: {  	v5 =	vadd.f32 v5, v0;
	v7 =	vld [tilespmem:s28+$0x50];
	[tilespmem:s6+$0xC0] =	vst v1  }
0x2a5: {  	[tilespmem:s6+$0x140] =	vst v3;
	v1 =	vld [tilespmem:s28+$0xD0]  }
0x2a6: {  	[tilespmem:s6+$0xFFFFFE40] =	vst v5;
	v3 =	vld [tilespmem:s28+$0x150]  }
0x2a7: {  	v5 =	vld [tilespmem:s28+$0xFFFFFE50]  }
0x2a8: {  	v4 =	vld.idx.msk [tilespmem:v4+s2+$0x0], $0xffff  }
0x2a9: {  	v6 =	vld.idx.msk [tilespmem:v6+s2+$0x0], $0xffff  }
0x2aa: {  	v8 =	vld.idx.msk [tilespmem:v8+s2+$0x0], $0xffff  }
0x2ab: {  	v2 =	vld.idx.msk [tilespmem:v2+s2+$0x0], $0xffff  }
0x2ac: {  	v7 =	vld.idx.msk [tilespmem:v7+s2+$0x0], $0xffff  }
0x2ad: {  	v1 =	vld.idx.msk [tilespmem:v1+s2+$0x0], $0xffff;
	v4 =	vadd.f32 v4, v0  }
0x2ae: {  	v3 =	vld.idx.msk [tilespmem:v3+s2+$0x0], $0xffff;
	v6 =	vadd.f32 v6, v0  }
0x2af: {  	v5 =	vld.idx.msk [tilespmem:v5+s2+$0x0], $0xffff;
	v8 =	vadd.f32 v8, v0;
	[tilespmem:s6+$0x1D0] =	vst v4  }
0x2b0: {  	[tilespmem:s6+$0xFFFFFED0] =	vst v6;
	v2 =	vadd.f32 v2, v0;
	v4 =	vld [tilespmem:s28+$0x1E0]  }
0x2b1: {  	[tilespmem:s6+$0xFFFFFF50] =	vst v8;
	v7 =	vadd.f32 v7, v0;
	v6 =	vld [tilespmem:s28+$0xFFFFFEE0]  }
0x2b2: {  	v8 =	vld [tilespmem:s28+$0xFFFFFF60];
	[tilespmem:s6+$0xFFFFFFD0] =	vst v2;
	v1 =	vadd.f32 v1, v0  }
0x2b3: {  	[tilespmem:s6+$0x50] =	vst v7;
	v3 =	vadd.f32 v3, v0;
	v2 =	vld [tilespmem:s28+$0xFFFFFFE0]  }
0x2b4: {  	v5 =	vadd.f32 v5, v0;
	v7 =	vld [tilespmem:s28+$0x60];
	[tilespmem:s6+$0xD0] =	vst v1  }
0x2b5: {  	[tilespmem:s6+$0x150] =	vst v3;
	v1 =	vld [tilespmem:s28+$0xE0]  }
0x2b6: {  	[tilespmem:s6+$0xFFFFFE50] =	vst v5;
	v3 =	vld [tilespmem:s28+$0x160]  }
0x2b7: {  	v5 =	vld [tilespmem:s28+$0xFFFFFE60]  }
0x2b8: {  	v4 =	vld.idx.msk [tilespmem:v4+s2+$0x0], $0xffff  }
0x2b9: {  	v6 =	vld.idx.msk [tilespmem:v6+s2+$0x0], $0xffff  }
0x2ba: {  	v8 =	vld.idx.msk [tilespmem:v8+s2+$0x0], $0xffff  }
0x2bb: {  	v2 =	vld.idx.msk [tilespmem:v2+s2+$0x0], $0xffff  }
0x2bc: {  	v7 =	vld.idx.msk [tilespmem:v7+s2+$0x0], $0xffff  }
0x2bd: {  	v1 =	vld.idx.msk [tilespmem:v1+s2+$0x0], $0xffff;
	v4 =	vadd.f32 v4, v0  }
0x2be: {  	v3 =	vld.idx.msk [tilespmem:v3+s2+$0x0], $0xffff;
	v6 =	vadd.f32 v6, v0  }
0x2bf: {  	v9 =	vld.idx.msk [tilespmem:v5+s2+$0x0], $0xffff;
	v5 =	vadd.f32 v8, v0;
	[tilespmem:s6+$0x1E0] =	vst v4  }
0x2c0: {  	[tilespmem:s6+$0xFFFFFEE0] =	vst v6;
	v2 =	vadd.f32 v2, v0;
	v8 =	vld [tilespmem:s28+$0x1F0]  }
0x2c1: {  	[tilespmem:s6+$0xFFFFFF60] =	vst v5;
	v7 =	vadd.f32 v7, v0;
	v6 =	vld [tilespmem:s28+$0xFFFFFEF0]  }
0x2c2: {  	v5 =	vld [tilespmem:s28+$0xFFFFFF70];
	[tilespmem:s6+$0xFFFFFFE0] =	vst v2;
	v1 =	vadd.f32 v1, v0  }
0x2c3: {  	[tilespmem:s6+$0x60] =	vst v7;
	v7 =	vadd.f32 v3, v0;
	v4 =	vld [tilespmem:s28+$0xFFFFFFF0]  }
0x2c4: {  	v9 =	vadd.f32 v9, v0;
	v3 =	vld [tilespmem:s28+$0x70];
	[tilespmem:s6+$0xE0] =	vst v1  }
0x2c5: {  	[tilespmem:s6+$0x160] =	vst v7;
	v2 =	vld [tilespmem:s28+$0xF0]  }
0x2c6: {  	[tilespmem:s6+$0xFFFFFE60] =	vst v9;
	v1 =	vld [tilespmem:s28+$0x170]  }
0x2c7: {  	v7 =	vld [tilespmem:s28+$0xFFFFFE70]  }
0x2c8: {  	s8 =	simm.s32 $0x0;
	s7 =	simm.s32 $0x1C968;
	s10 =	simm.s32 $0x18D68;
	v8 =	vld.idx.msk [tilespmem:v8+s2+$0x0], $0xffff  }
.LBB2_8:
0x2c9: {  	v9 =	vld [tilespmem:s10+$0x180];
	s8 =	sadd.s32 $0x8, s8  }
0x2ca: {  	v10 =	vld [tilespmem:s10+$0xFFFFFE80];
	p1 =	slt.u32 s8, $0x18  }
0x2cb: {  	v11 =	vld [tilespmem:s10+$0xFFFFFF00]  }
0x2cc: {  	v12 =	vld [tilespmem:s10+$0xFFFFFF80]  }
0x2cd: {  	v13 =	vld [tilespmem:s10+$0x0]  }
0x2ce: {  	v8 =	vadd.f32 v8, v0;
	v14 =	vld [tilespmem:s10+$0x80]  }
0x2cf: {  	v15 =	vld [tilespmem:s10+$0x100]  }
0x2d0: {  	v16 =	vld [tilespmem:s10+$0xFFFFFE00];
	[tilespmem:s6+$0x1F0] =	vst v8  }
0x2d1: {  	v8 =	vld.idx.msk [tilespmem:v9+s2+$0x0], $0xffff  }
0x2d2: {  	v9 =	vld.idx.msk [tilespmem:v10+s2+$0x0], $0xffff  }
0x2d3: {  	v10 =	vld.idx.msk [tilespmem:v11+s2+$0x0], $0xffff  }
0x2d4: {  	v11 =	vld.idx.msk [tilespmem:v12+s2+$0x0], $0xffff  }
0x2d5: {  	v12 =	vld.idx.msk [tilespmem:v13+s2+$0x0], $0xffff  }
0x2d6: {  	v13 =	vld.idx.msk [tilespmem:v14+s2+$0x0], $0xffff  }
0x2d7: {  	v8 =	vadd.f32 v8, v0;
	v14 =	vld.idx.msk [tilespmem:v15+s2+$0x0], $0xffff  }
0x2d8: {  	s6 =	sadd.s32 $0x400, s6;
	v9 =	vadd.f32 v9, v0;
	v15 =	vld.idx.msk [tilespmem:v16+s2+$0x0], $0xffff  }
0x2d9: {  	v10 =	vadd.f32 v10, v0;
	[tilespmem:s6+$0x180] =	vst v8;
	v7 =	vld.idx.msk [tilespmem:v7+s2+$0x0], $0xffff  }
0x2da: {  	v8 =	vadd.f32 v11, v0;
	[tilespmem:s6+$0xFFFFFE80] =	vst v9;
	v9 =	vld [tilespmem:s10+$0x190]  }
0x2db: {  	v11 =	vld [tilespmem:s10+$0xFFFFFE90];
	[tilespmem:s6+$0xFFFFFF00] =	vst v10;
	v10 =	vadd.f32 v12, v0  }
0x2dc: {  	v12 =	vld [tilespmem:s10+$0xFFFFFF10];
	[tilespmem:s6+$0xFFFFFF80] =	vst v8;
	v8 =	vadd.f32 v13, v0  }
0x2dd: {  	v13 =	vld [tilespmem:s10+$0xFFFFFF90];
	[tilespmem:s6+$0x0] =	vst v10;
	v10 =	vadd.f32 v14, v0  }
0x2de: {  	v14 =	vadd.f32 v15, v0;
	v15 =	vld [tilespmem:s10+$0x10];
	[tilespmem:s6+$0x80] =	vst v8  }
0x2df: {  	v7 =	vadd.f32 v7, v0;
	v8 =	vld [tilespmem:s10+$0x90];
	[tilespmem:s6+$0x100] =	vst v10  }
0x2e0: {  	[tilespmem:s6+$0xFFFFFE00] =	vst v14;
	v10 =	vld [tilespmem:s10+$0x110]  }
0x2e1: {  	v14 =	vld [tilespmem:s10+$0xFFFFFE10];
	[tilespmem:s7+$0xFFFFFE70] =	vst v7  }
0x2e2: {  	v7 =	vld.idx.msk [tilespmem:v9+s2+$0x0], $0xffff  }
0x2e3: {  	v9 =	vld.idx.msk [tilespmem:v11+s2+$0x0], $0xffff  }
0x2e4: {  	v11 =	vld.idx.msk [tilespmem:v12+s2+$0x0], $0xffff  }
0x2e5: {  	v12 =	vld.idx.msk [tilespmem:v13+s2+$0x0], $0xffff  }
0x2e6: {  	v13 =	vld.idx.msk [tilespmem:v15+s2+$0x0], $0xffff  }
0x2e7: {  	v8 =	vld.idx.msk [tilespmem:v8+s2+$0x0], $0xffff  }
0x2e8: {  	v7 =	vadd.f32 v7, v0;
	v10 =	vld.idx.msk [tilespmem:v10+s2+$0x0], $0xffff  }
0x2e9: {  	v9 =	vadd.f32 v9, v0;
	v14 =	vld.idx.msk [tilespmem:v14+s2+$0x0], $0xffff  }
0x2ea: {  	v11 =	vadd.f32 v11, v0;
	[tilespmem:s6+$0x190] =	vst v7;
	v6 =	vld.idx.msk [tilespmem:v6+s2+$0x0], $0xffff  }
0x2eb: {  	v7 =	vadd.f32 v12, v0;
	[tilespmem:s6+$0xFFFFFE90] =	vst v9;
	v9 =	vld [tilespmem:s10+$0x1A0]  }
0x2ec: {  	v12 =	vld [tilespmem:s10+$0xFFFFFEA0];
	[tilespmem:s6+$0xFFFFFF10] =	vst v11;
	v11 =	vadd.f32 v13, v0  }
0x2ed: {  	v13 =	vld [tilespmem:s10+$0xFFFFFF20];
	[tilespmem:s6+$0xFFFFFF90] =	vst v7;
	v7 =	vadd.f32 v8, v0  }
0x2ee: {  	v10 =	vadd.f32 v10, v0;
	v8 =	vld [tilespmem:s10+$0xFFFFFFA0];
	[tilespmem:s6+$0x10] =	vst v11  }
0x2ef: {  	v11 =	vadd.f32 v14, v0;
	v14 =	vld [tilespmem:s10+$0x20];
	[tilespmem:s6+$0x90] =	vst v7  }
0x2f0: {  	v6 =	vadd.f32 v6, v0;
	v7 =	vld [tilespmem:s10+$0xA0];
	[tilespmem:s6+$0x110] =	vst v10  }
0x2f1: {  	[tilespmem:s6+$0xFFFFFE10] =	vst v11;
	v10 =	vld [tilespmem:s10+$0x120]  }
0x2f2: {  	v11 =	vld [tilespmem:s10+$0xFFFFFE20];
	[tilespmem:s7+$0xFFFFFEF0] =	vst v6  }
0x2f3: {  	v6 =	vld.idx.msk [tilespmem:v9+s2+$0x0], $0xffff  }
0x2f4: {  	v9 =	vld.idx.msk [tilespmem:v12+s2+$0x0], $0xffff  }
0x2f5: {  	v12 =	vld.idx.msk [tilespmem:v13+s2+$0x0], $0xffff  }
0x2f6: {  	v8 =	vld.idx.msk [tilespmem:v8+s2+$0x0], $0xffff  }
0x2f7: {  	v13 =	vld.idx.msk [tilespmem:v14+s2+$0x0], $0xffff  }
0x2f8: {  	v7 =	vld.idx.msk [tilespmem:v7+s2+$0x0], $0xffff  }
0x2f9: {  	v6 =	vadd.f32 v6, v0;
	v10 =	vld.idx.msk [tilespmem:v10+s2+$0x0], $0xffff  }
0x2fa: {  	v9 =	vadd.f32 v9, v0;
	v11 =	vld.idx.msk [tilespmem:v11+s2+$0x0], $0xffff  }
0x2fb: {  	v12 =	vadd.f32 v12, v0;
	[tilespmem:s6+$0x1A0] =	vst v6;
	v5 =	vld.idx.msk [tilespmem:v5+s2+$0x0], $0xffff  }
0x2fc: {  	v6 =	vadd.f32 v8, v0;
	[tilespmem:s6+$0xFFFFFEA0] =	vst v9;
	v8 =	vld [tilespmem:s10+$0x1B0]  }
0x2fd: {  	v9 =	vld [tilespmem:s10+$0xFFFFFEB0];
	[tilespmem:s6+$0xFFFFFF20] =	vst v12;
	v12 =	vadd.f32 v13, v0  }
0x2fe: {  	v13 =	vld [tilespmem:s10+$0xFFFFFF30];
	[tilespmem:s6+$0xFFFFFFA0] =	vst v6;
	v6 =	vadd.f32 v7, v0  }
0x2ff: {  	v10 =	vadd.f32 v10, v0;
	v7 =	vld [tilespmem:s10+$0xFFFFFFB0];
	[tilespmem:s6+$0x20] =	vst v12  }
0x300: {  	v11 =	vadd.f32 v11, v0;
	v12 =	vld [tilespmem:s10+$0x30];
	[tilespmem:s6+$0xA0] =	vst v6  }
0x301: {  	v5 =	vadd.f32 v5, v0;
	v6 =	vld [tilespmem:s10+$0xB0];
	[tilespmem:s6+$0x120] =	vst v10  }
0x302: {  	[tilespmem:s6+$0xFFFFFE20] =	vst v11;
	v10 =	vld [tilespmem:s10+$0x130]  }
0x303: {  	v11 =	vld [tilespmem:s10+$0xFFFFFE30];
	[tilespmem:s7+$0xFFFFFF70] =	vst v5  }
0x304: {  	v5 =	vld.idx.msk [tilespmem:v8+s2+$0x0], $0xffff  }
0x305: {  	v8 =	vld.idx.msk [tilespmem:v9+s2+$0x0], $0xffff  }
0x306: {  	v9 =	vld.idx.msk [tilespmem:v13+s2+$0x0], $0xffff  }
0x307: {  	v7 =	vld.idx.msk [tilespmem:v7+s2+$0x0], $0xffff  }
0x308: {  	v12 =	vld.idx.msk [tilespmem:v12+s2+$0x0], $0xffff  }
0x309: {  	v6 =	vld.idx.msk [tilespmem:v6+s2+$0x0], $0xffff  }
0x30a: {  	v5 =	vadd.f32 v5, v0;
	v10 =	vld.idx.msk [tilespmem:v10+s2+$0x0], $0xffff  }
0x30b: {  	v8 =	vadd.f32 v8, v0;
	v11 =	vld.idx.msk [tilespmem:v11+s2+$0x0], $0xffff  }
0x30c: {  	v9 =	vadd.f32 v9, v0;
	[tilespmem:s6+$0x1B0] =	vst v5;
	v4 =	vld.idx.msk [tilespmem:v4+s2+$0x0], $0xffff  }
0x30d: {  	v5 =	vadd.f32 v7, v0;
	[tilespmem:s6+$0xFFFFFEB0] =	vst v8;
	v7 =	vld [tilespmem:s10+$0x1C0]  }
0x30e: {  	v8 =	vld [tilespmem:s10+$0xFFFFFEC0];
	[tilespmem:s6+$0xFFFFFF30] =	vst v9;
	v9 =	vadd.f32 v12, v0  }
0x30f: {  	v12 =	vld [tilespmem:s10+$0xFFFFFF40];
	[tilespmem:s6+$0xFFFFFFB0] =	vst v5;
	v5 =	vadd.f32 v6, v0  }
0x310: {  	v6 =	vld [tilespmem:s10+$0xFFFFFFC0];
	[tilespmem:s6+$0x30] =	vst v9;
	v9 =	vadd.f32 v10, v0  }
0x311: {  	v10 =	vadd.f32 v11, v0;
	v11 =	vld [tilespmem:s10+$0x40];
	[tilespmem:s6+$0xB0] =	vst v5  }
0x312: {  	v4 =	vadd.f32 v4, v0;
	v5 =	vld [tilespmem:s10+$0xC0];
	[tilespmem:s6+$0x130] =	vst v9  }
0x313: {  	[tilespmem:s6+$0xFFFFFE30] =	vst v10;
	v9 =	vld [tilespmem:s10+$0x140]  }
0x314: {  	v10 =	vld [tilespmem:s10+$0xFFFFFE40];
	[tilespmem:s7+$0xFFFFFFF0] =	vst v4  }
0x315: {  	v4 =	vld.idx.msk [tilespmem:v7+s2+$0x0], $0xffff  }
0x316: {  	v7 =	vld.idx.msk [tilespmem:v8+s2+$0x0], $0xffff  }
0x317: {  	v8 =	vld.idx.msk [tilespmem:v12+s2+$0x0], $0xffff  }
0x318: {  	v6 =	vld.idx.msk [tilespmem:v6+s2+$0x0], $0xffff  }
0x319: {  	v11 =	vld.idx.msk [tilespmem:v11+s2+$0x0], $0xffff  }
0x31a: {  	v5 =	vld.idx.msk [tilespmem:v5+s2+$0x0], $0xffff  }
0x31b: {  	v4 =	vadd.f32 v4, v0;
	v9 =	vld.idx.msk [tilespmem:v9+s2+$0x0], $0xffff  }
0x31c: {  	v7 =	vadd.f32 v7, v0;
	v10 =	vld.idx.msk [tilespmem:v10+s2+$0x0], $0xffff  }
0x31d: {  	v8 =	vadd.f32 v8, v0;
	[tilespmem:s6+$0x1C0] =	vst v4;
	v3 =	vld.idx.msk [tilespmem:v3+s2+$0x0], $0xffff  }
0x31e: {  	v4 =	vadd.f32 v6, v0;
	[tilespmem:s6+$0xFFFFFEC0] =	vst v7;
	v6 =	vld [tilespmem:s10+$0x1D0]  }
0x31f: {  	v7 =	vld [tilespmem:s10+$0xFFFFFED0];
	[tilespmem:s6+$0xFFFFFF40] =	vst v8;
	v8 =	vadd.f32 v11, v0  }
0x320: {  	v11 =	vld [tilespmem:s10+$0xFFFFFF50];
	[tilespmem:s6+$0xFFFFFFC0] =	vst v4;
	v4 =	vadd.f32 v5, v0  }
0x321: {  	v5 =	vld [tilespmem:s10+$0xFFFFFFD0];
	[tilespmem:s6+$0x40] =	vst v8;
	v8 =	vadd.f32 v9, v0  }
0x322: {  	v9 =	vadd.f32 v10, v0;
	v10 =	vld [tilespmem:s10+$0x50];
	[tilespmem:s6+$0xC0] =	vst v4  }
0x323: {  	v3 =	vadd.f32 v3, v0;
	v4 =	vld [tilespmem:s10+$0xD0];
	[tilespmem:s6+$0x140] =	vst v8  }
0x324: {  	[tilespmem:s6+$0xFFFFFE40] =	vst v9;
	v8 =	vld [tilespmem:s10+$0x150]  }
0x325: {  	v9 =	vld [tilespmem:s10+$0xFFFFFE50];
	[tilespmem:s7+$0x70] =	vst v3  }
0x326: {  	v3 =	vld.idx.msk [tilespmem:v6+s2+$0x0], $0xffff  }
0x327: {  	v6 =	vld.idx.msk [tilespmem:v7+s2+$0x0], $0xffff  }
0x328: {  	v7 =	vld.idx.msk [tilespmem:v11+s2+$0x0], $0xffff  }
0x329: {  	v5 =	vld.idx.msk [tilespmem:v5+s2+$0x0], $0xffff  }
0x32a: {  	v10 =	vld.idx.msk [tilespmem:v10+s2+$0x0], $0xffff  }
0x32b: {  	v4 =	vld.idx.msk [tilespmem:v4+s2+$0x0], $0xffff  }
0x32c: {  	v3 =	vadd.f32 v3, v0;
	v8 =	vld.idx.msk [tilespmem:v8+s2+$0x0], $0xffff  }
0x32d: {  	v6 =	vadd.f32 v6, v0;
	v9 =	vld.idx.msk [tilespmem:v9+s2+$0x0], $0xffff  }
0x32e: {  	v7 =	vadd.f32 v7, v0;
	[tilespmem:s6+$0x1D0] =	vst v3;
	v2 =	vld.idx.msk [tilespmem:v2+s2+$0x0], $0xffff  }
0x32f: {  	v3 =	vadd.f32 v5, v0;
	[tilespmem:s6+$0xFFFFFED0] =	vst v6;
	v5 =	vld [tilespmem:s10+$0x1E0]  }
0x330: {  	v6 =	vld [tilespmem:s10+$0xFFFFFEE0];
	[tilespmem:s6+$0xFFFFFF50] =	vst v7;
	v7 =	vadd.f32 v10, v0  }
0x331: {  	v10 =	vld [tilespmem:s10+$0xFFFFFF60];
	[tilespmem:s6+$0xFFFFFFD0] =	vst v3;
	v3 =	vadd.f32 v4, v0  }
0x332: {  	v4 =	vld [tilespmem:s10+$0xFFFFFFE0];
	[tilespmem:s6+$0x50] =	vst v7;
	v7 =	vadd.f32 v8, v0  }
0x333: {  	v8 =	vadd.f32 v9, v0;
	v9 =	vld [tilespmem:s10+$0x60];
	[tilespmem:s6+$0xD0] =	vst v3  }
0x334: {  	v2 =	vadd.f32 v2, v0;
	v3 =	vld [tilespmem:s10+$0xE0];
	[tilespmem:s6+$0x150] =	vst v7  }
0x335: {  	[tilespmem:s6+$0xFFFFFE50] =	vst v8;
	v7 =	vld [tilespmem:s10+$0x160]  }
0x336: {  	v8 =	vld [tilespmem:s10+$0xFFFFFE60];
	[tilespmem:s7+$0xF0] =	vst v2  }
0x337: {  	v2 =	vld.idx.msk [tilespmem:v5+s2+$0x0], $0xffff  }
0x338: {  	v5 =	vld.idx.msk [tilespmem:v6+s2+$0x0], $0xffff  }
0x339: {  	v6 =	vld.idx.msk [tilespmem:v10+s2+$0x0], $0xffff  }
0x33a: {  	v4 =	vld.idx.msk [tilespmem:v4+s2+$0x0], $0xffff  }
0x33b: {  	v9 =	vld.idx.msk [tilespmem:v9+s2+$0x0], $0xffff  }
0x33c: {  	v3 =	vld.idx.msk [tilespmem:v3+s2+$0x0], $0xffff  }
0x33d: {  	v2 =	vadd.f32 v2, v0;
	v7 =	vld.idx.msk [tilespmem:v7+s2+$0x0], $0xffff  }
0x33e: {  	v5 =	vadd.f32 v5, v0;
	v8 =	vld.idx.msk [tilespmem:v8+s2+$0x0], $0xffff  }
0x33f: {  	v10 =	vadd.f32 v6, v0;
	[tilespmem:s6+$0x1E0] =	vst v2;
	v1 =	vld.idx.msk [tilespmem:v1+s2+$0x0], $0xffff  }
0x340: {  	v2 =	vadd.f32 v4, v0;
	[tilespmem:s6+$0xFFFFFEE0] =	vst v5;
	v11 =	vld [tilespmem:s10+$0x1F0]  }
0x341: {  	v9 =	vadd.f32 v9, v0;
	v6 =	vld [tilespmem:s10+$0xFFFFFEF0];
	[tilespmem:s6+$0xFFFFFF60] =	vst v10  }
0x342: {  	v5 =	vld [tilespmem:s10+$0xFFFFFF70];
	[tilespmem:s6+$0xFFFFFFE0] =	vst v2;
	v2 =	vadd.f32 v3, v0  }
0x343: {  	v7 =	vadd.f32 v7, v0;
	v4 =	vld [tilespmem:s10+$0xFFFFFFF0];
	[tilespmem:s6+$0x60] =	vst v9  }
.Ltmp2:
0x344: {  	v8 =	vadd.f32 v8, v0;
	v3 =	vld [tilespmem:s10+$0x70];
	[tilespmem:s6+$0xE0] =	vst v2;
	(pc) =	sbr.rel @p1 .LBB2_8-.Ltmp2, $4  }
0x345: {  	v9 =	vadd.f32 v1, v0;
	v2 =	vld [tilespmem:s10+$0xF0];
	[tilespmem:s6+$0x160] =	vst v7  }
0x346: {  	[tilespmem:s6+$0xFFFFFE60] =	vst v8;
	v1 =	vld [tilespmem:s10+$0x170]  }
0x347: {  	v7 =	vld [tilespmem:s10+$0xFFFFFE70];
	[tilespmem:s7+$0x170] =	vst v9;
	s7 =	smov.u32 s6  }
0x348: {  	s10 =	sadd.s32 $0x400, s10;
	v8 =	vld.idx.msk [tilespmem:v11+s2+$0x0], $0xffff  }
0x349: {  	_ =	sdelay $0x3  }
0x34a: {  	v6 =	vld.idx.msk [tilespmem:v6+s2+$0x0], $0xffff  }
0x34b: {  	v5 =	vld.idx.msk [tilespmem:v5+s2+$0x0], $0xffff  }
0x34c: {  	v4 =	vld.idx.msk [tilespmem:v4+s2+$0x0], $0xffff  }
0x34d: {  	v3 =	vld.idx.msk [tilespmem:v3+s2+$0x0], $0xffff  }
0x34e: {  	v2 =	vld.idx.msk [tilespmem:v2+s2+$0x0], $0xffff;
	v8 =	vadd.f32 v8, v0  }
0x34f: {  	v7 =	vld.idx.msk [tilespmem:v7+s2+$0x0], $0xffff;
	v6 =	vadd.f32 v6, v0  }
0x350: {  	v1 =	vld.idx.msk [tilespmem:v1+s2+$0x0], $0xffff;
	v5 =	vadd.f32 v5, v0;
	[tilespmem:s6+$0x1F0] =	vst v8  }
0x351: {  	v4 =	vadd.f32 v4, v0;
	[tilespmem:s7+$0xFFFFFEF0] =	vst v6  }
0x352: {  	v3 =	vadd.f32 v3, v0;
	[tilespmem:s7+$0xFFFFFF70] =	vst v5  }
0x353: {  	v2 =	vadd.f32 v2, v0;
	[tilespmem:s7+$0xFFFFFFF0] =	vst v4  }
0x354: {  	[tilespmem:s7+$0x70] =	vst v3;
	v7 =	vadd.f32 v7, v0  }
0x355: {  	v0 =	vadd.f32 v1, v0;
	[tilespmem:s7+$0xF0] =	vst v2  }
0x356: {  	[tilespmem:s7+$0xFFFFFE70] =	vst v7  }
0x357: {  	p1 =	seq.s32 s31, $0x31;
	[tilespmem:s7+$0x170] =	vst v0  }
0x358: {  	p2 =	seq.s32 @!p1 s31, $0x0;
	_ =	swait.ge [sflag:s18], $0x1000  }
0x359: {  	s8 =	simm.s32 @!p1 $0x18768;
	s6 =	sshll.u32 @!p1 s31, $0xB;
	[sflag:s18] =	ssyncset.done $0x0  }
0x35a: {  	s6 =	sadd.s32 @!p1 s6, s9;
	s7 =	simm.s32 @!p1 $0x0;
	[sflag:s18] =	ssyncadd.s32 $0xFFFFF000  }
0x35b: {  	[tilespmem:s8], [sflag:$0x1] =	stream.linear.gather @!p1 [hbm4b:s6+s7], $0x1000, $0x38;
	[tilespmem:$0x1E768] =	vst v63  }
0x35c: {  	s10 =	sshll.u32 s30, $0x12;
	v0 =	vmov s5;
	p1 =	por p1, !p2  }
0x35d: {  	s28 =	sor.u32 s11, s10;
	_ =	swait.ge @p1 [sflag:s29], $0x1000  }
0x35e: {  	s5 =	sshrl.u32 s28, $0x3;
	[sflag:s29] =	ssyncset.done @p1 $0x0  }
0x35f: {  	s5 =	sadd.s32 s1, s5;
	[sflag:s29] =	ssyncadd.s32 @p1 $0xFFFFF000  }
0x360: {  	[hbm4b:s5+s19] =	stream.strided.scatter [tilespmem:s23], [sflag:$0x5], $0x1000, s20, s19, $0x38;
	[tilespmem:$0x1E768] =	vst v63  }
0x361: {  	s30 =	simm.s32 $0x19968;
	v0 =	vld.idx.msk [tilespmem:v0+s14+$0x0], $0xffff  }
0x362: {  	v1 =	vld [tilespmem:s30+$0x180]  }
0x363: {  	v2 =	vld [tilespmem:s30+$0xFFFFFE80]  }
0x364: {  	v3 =	vld [tilespmem:s30+$0xFFFFFF00]  }
0x365: {  	v4 =	vld [tilespmem:s30+$0xFFFFFF80]  }
0x366: {  	v5 =	vld [tilespmem:s30+$0x0]  }
0x367: {  	v6 =	vld [tilespmem:s30+$0x80]  }
0x368: {  	v7 =	vld [tilespmem:s30+$0x100]  }
0x369: {  	v8 =	vld [tilespmem:s30+$0xFFFFFE00]  }
0x36a: {  	v1 =	vld.idx.msk [tilespmem:v1+s2+$0x0], $0xffff  }
0x36b: {  	v2 =	vld.idx.msk [tilespmem:v2+s2+$0x0], $0xffff  }
0x36c: {  	v3 =	vld.idx.msk [tilespmem:v3+s2+$0x0], $0xffff  }
0x36d: {  	v4 =	vld.idx.msk [tilespmem:v4+s2+$0x0], $0xffff  }
0x36e: {  	v5 =	vld.idx.msk [tilespmem:v5+s2+$0x0], $0xffff  }
0x36f: {  	v6 =	vld.idx.msk [tilespmem:v6+s2+$0x0], $0xffff;
	v1 =	vadd.f32 v1, v0  }
0x370: {  	s5 =	simm.s32 $0x1D968;
	v7 =	vld.idx.msk [tilespmem:v7+s2+$0x0], $0xffff;
	v2 =	vadd.f32 v2, v0  }
0x371: {  	v8 =	vld.idx.msk [tilespmem:v8+s2+$0x0], $0xffff;
	v3 =	vadd.f32 v3, v0;
	[tilespmem:s5+$0x180] =	vst v1  }
0x372: {  	[tilespmem:s5+$0xFFFFFE80] =	vst v2;
	v1 =	vadd.f32 v4, v0;
	v2 =	vld [tilespmem:s30+$0x190]  }
0x373: {  	[tilespmem:s5+$0xFFFFFF00] =	vst v3;
	v3 =	vadd.f32 v5, v0;
	v4 =	vld [tilespmem:s30+$0xFFFFFE90]  }
0x374: {  	v5 =	vld [tilespmem:s30+$0xFFFFFF10];
	[tilespmem:s5+$0xFFFFFF80] =	vst v1;
	v1 =	vadd.f32 v6, v0  }
0x375: {  	[tilespmem:s5+$0x0] =	vst v3;
	v3 =	vadd.f32 v7, v0;
	v6 =	vld [tilespmem:s30+$0xFFFFFF90]  }
0x376: {  	v7 =	vadd.f32 v8, v0;
	v8 =	vld [tilespmem:s30+$0x10];
	[tilespmem:s5+$0x80] =	vst v1  }
0x377: {  	[tilespmem:s5+$0x100] =	vst v3;
	v1 =	vld [tilespmem:s30+$0x90]  }
0x378: {  	[tilespmem:s5+$0xFFFFFE00] =	vst v7;
	v3 =	vld [tilespmem:s30+$0x110]  }
0x379: {  	v7 =	vld [tilespmem:s30+$0xFFFFFE10]  }
0x37a: {  	v2 =	vld.idx.msk [tilespmem:v2+s2+$0x0], $0xffff  }
0x37b: {  	v4 =	vld.idx.msk [tilespmem:v4+s2+$0x0], $0xffff  }
0x37c: {  	v5 =	vld.idx.msk [tilespmem:v5+s2+$0x0], $0xffff  }
0x37d: {  	v6 =	vld.idx.msk [tilespmem:v6+s2+$0x0], $0xffff  }
0x37e: {  	v8 =	vld.idx.msk [tilespmem:v8+s2+$0x0], $0xffff  }
0x37f: {  	v1 =	vld.idx.msk [tilespmem:v1+s2+$0x0], $0xffff;
	v2 =	vadd.f32 v2, v0  }
0x380: {  	v3 =	vld.idx.msk [tilespmem:v3+s2+$0x0], $0xffff;
	v4 =	vadd.f32 v4, v0  }
0x381: {  	v7 =	vld.idx.msk [tilespmem:v7+s2+$0x0], $0xffff;
	v5 =	vadd.f32 v5, v0;
	[tilespmem:s5+$0x190] =	vst v2  }
0x382: {  	[tilespmem:s5+$0xFFFFFE90] =	vst v4;
	v2 =	vadd.f32 v6, v0;
	v4 =	vld [tilespmem:s30+$0x1A0]  }
0x383: {  	[tilespmem:s5+$0xFFFFFF10] =	vst v5;
	v5 =	vadd.f32 v8, v0;
	v6 =	vld [tilespmem:s30+$0xFFFFFEA0]  }
0x384: {  	v8 =	vld [tilespmem:s30+$0xFFFFFF20];
	[tilespmem:s5+$0xFFFFFF90] =	vst v2;
	v1 =	vadd.f32 v1, v0  }
0x385: {  	[tilespmem:s5+$0x10] =	vst v5;
	v3 =	vadd.f32 v3, v0;
	v2 =	vld [tilespmem:s30+$0xFFFFFFA0]  }
0x386: {  	v5 =	vadd.f32 v7, v0;
	v7 =	vld [tilespmem:s30+$0x20];
	[tilespmem:s5+$0x90] =	vst v1  }
0x387: {  	[tilespmem:s5+$0x110] =	vst v3;
	v1 =	vld [tilespmem:s30+$0xA0]  }
0x388: {  	[tilespmem:s5+$0xFFFFFE10] =	vst v5;
	v3 =	vld [tilespmem:s30+$0x120]  }
0x389: {  	v5 =	vld [tilespmem:s30+$0xFFFFFE20]  }
0x38a: {  	v4 =	vld.idx.msk [tilespmem:v4+s2+$0x0], $0xffff  }
0x38b: {  	v6 =	vld.idx.msk [tilespmem:v6+s2+$0x0], $0xffff  }
0x38c: {  	v8 =	vld.idx.msk [tilespmem:v8+s2+$0x0], $0xffff  }
0x38d: {  	v2 =	vld.idx.msk [tilespmem:v2+s2+$0x0], $0xffff  }
0x38e: {  	v7 =	vld.idx.msk [tilespmem:v7+s2+$0x0], $0xffff  }
0x38f: {  	v1 =	vld.idx.msk [tilespmem:v1+s2+$0x0], $0xffff;
	v4 =	vadd.f32 v4, v0  }
0x390: {  	v3 =	vld.idx.msk [tilespmem:v3+s2+$0x0], $0xffff;
	v6 =	vadd.f32 v6, v0  }
0x391: {  	v5 =	vld.idx.msk [tilespmem:v5+s2+$0x0], $0xffff;
	v8 =	vadd.f32 v8, v0;
	[tilespmem:s5+$0x1A0] =	vst v4  }
0x392: {  	[tilespmem:s5+$0xFFFFFEA0] =	vst v6;
	v2 =	vadd.f32 v2, v0;
	v4 =	vld [tilespmem:s30+$0x1B0]  }
0x393: {  	[tilespmem:s5+$0xFFFFFF20] =	vst v8;
	v7 =	vadd.f32 v7, v0;
	v6 =	vld [tilespmem:s30+$0xFFFFFEB0]  }
0x394: {  	v8 =	vld [tilespmem:s30+$0xFFFFFF30];
	[tilespmem:s5+$0xFFFFFFA0] =	vst v2;
	v1 =	vadd.f32 v1, v0  }
0x395: {  	[tilespmem:s5+$0x20] =	vst v7;
	v3 =	vadd.f32 v3, v0;
	v2 =	vld [tilespmem:s30+$0xFFFFFFB0]  }
0x396: {  	v5 =	vadd.f32 v5, v0;
	v7 =	vld [tilespmem:s30+$0x30];
	[tilespmem:s5+$0xA0] =	vst v1  }
0x397: {  	[tilespmem:s5+$0x120] =	vst v3;
	v1 =	vld [tilespmem:s30+$0xB0]  }
0x398: {  	[tilespmem:s5+$0xFFFFFE20] =	vst v5;
	v3 =	vld [tilespmem:s30+$0x130]  }
0x399: {  	v5 =	vld [tilespmem:s30+$0xFFFFFE30]  }
0x39a: {  	v4 =	vld.idx.msk [tilespmem:v4+s2+$0x0], $0xffff  }
0x39b: {  	v6 =	vld.idx.msk [tilespmem:v6+s2+$0x0], $0xffff  }
0x39c: {  	v8 =	vld.idx.msk [tilespmem:v8+s2+$0x0], $0xffff  }
0x39d: {  	v2 =	vld.idx.msk [tilespmem:v2+s2+$0x0], $0xffff  }
0x39e: {  	v7 =	vld.idx.msk [tilespmem:v7+s2+$0x0], $0xffff  }
0x39f: {  	v1 =	vld.idx.msk [tilespmem:v1+s2+$0x0], $0xffff;
	v4 =	vadd.f32 v4, v0  }
0x3a0: {  	v3 =	vld.idx.msk [tilespmem:v3+s2+$0x0], $0xffff;
	v6 =	vadd.f32 v6, v0  }
0x3a1: {  	v5 =	vld.idx.msk [tilespmem:v5+s2+$0x0], $0xffff;
	v8 =	vadd.f32 v8, v0;
	[tilespmem:s5+$0x1B0] =	vst v4  }
0x3a2: {  	[tilespmem:s5+$0xFFFFFEB0] =	vst v6;
	v2 =	vadd.f32 v2, v0;
	v4 =	vld [tilespmem:s30+$0x1C0]  }
0x3a3: {  	[tilespmem:s5+$0xFFFFFF30] =	vst v8;
	v7 =	vadd.f32 v7, v0;
	v6 =	vld [tilespmem:s30+$0xFFFFFEC0]  }
0x3a4: {  	v8 =	vld [tilespmem:s30+$0xFFFFFF40];
	[tilespmem:s5+$0xFFFFFFB0] =	vst v2;
	v1 =	vadd.f32 v1, v0  }
0x3a5: {  	[tilespmem:s5+$0x30] =	vst v7;
	v3 =	vadd.f32 v3, v0;
	v2 =	vld [tilespmem:s30+$0xFFFFFFC0]  }
0x3a6: {  	v5 =	vadd.f32 v5, v0;
	v7 =	vld [tilespmem:s30+$0x40];
	[tilespmem:s5+$0xB0] =	vst v1  }
0x3a7: {  	[tilespmem:s5+$0x130] =	vst v3;
	v1 =	vld [tilespmem:s30+$0xC0]  }
0x3a8: {  	[tilespmem:s5+$0xFFFFFE30] =	vst v5;
	v3 =	vld [tilespmem:s30+$0x140]  }
0x3a9: {  	v5 =	vld [tilespmem:s30+$0xFFFFFE40]  }
0x3aa: {  	v4 =	vld.idx.msk [tilespmem:v4+s2+$0x0], $0xffff  }
0x3ab: {  	v6 =	vld.idx.msk [tilespmem:v6+s2+$0x0], $0xffff  }
0x3ac: {  	v8 =	vld.idx.msk [tilespmem:v8+s2+$0x0], $0xffff  }
0x3ad: {  	v2 =	vld.idx.msk [tilespmem:v2+s2+$0x0], $0xffff  }
0x3ae: {  	v7 =	vld.idx.msk [tilespmem:v7+s2+$0x0], $0xffff  }
0x3af: {  	v1 =	vld.idx.msk [tilespmem:v1+s2+$0x0], $0xffff;
	v4 =	vadd.f32 v4, v0  }
0x3b0: {  	v3 =	vld.idx.msk [tilespmem:v3+s2+$0x0], $0xffff;
	v6 =	vadd.f32 v6, v0  }
0x3b1: {  	v5 =	vld.idx.msk [tilespmem:v5+s2+$0x0], $0xffff;
	v8 =	vadd.f32 v8, v0;
	[tilespmem:s5+$0x1C0] =	vst v4  }
0x3b2: {  	[tilespmem:s5+$0xFFFFFEC0] =	vst v6;
	v2 =	vadd.f32 v2, v0;
	v4 =	vld [tilespmem:s30+$0x1D0]  }
0x3b3: {  	[tilespmem:s5+$0xFFFFFF40] =	vst v8;
	v7 =	vadd.f32 v7, v0;
	v6 =	vld [tilespmem:s30+$0xFFFFFED0]  }
0x3b4: {  	v8 =	vld [tilespmem:s30+$0xFFFFFF50];
	[tilespmem:s5+$0xFFFFFFC0] =	vst v2;
	v1 =	vadd.f32 v1, v0  }
0x3b5: {  	[tilespmem:s5+$0x40] =	vst v7;
	v3 =	vadd.f32 v3, v0;
	v2 =	vld [tilespmem:s30+$0xFFFFFFD0]  }
0x3b6: {  	v5 =	vadd.f32 v5, v0;
	v7 =	vld [tilespmem:s30+$0x50];
	[tilespmem:s5+$0xC0] =	vst v1  }
0x3b7: {  	[tilespmem:s5+$0x140] =	vst v3;
	v1 =	vld [tilespmem:s30+$0xD0]  }
0x3b8: {  	[tilespmem:s5+$0xFFFFFE40] =	vst v5;
	v3 =	vld [tilespmem:s30+$0x150]  }
0x3b9: {  	v5 =	vld [tilespmem:s30+$0xFFFFFE50]  }
0x3ba: {  	v4 =	vld.idx.msk [tilespmem:v4+s2+$0x0], $0xffff  }
0x3bb: {  	v6 =	vld.idx.msk [tilespmem:v6+s2+$0x0], $0xffff  }
0x3bc: {  	v8 =	vld.idx.msk [tilespmem:v8+s2+$0x0], $0xffff  }
0x3bd: {  	v2 =	vld.idx.msk [tilespmem:v2+s2+$0x0], $0xffff  }
0x3be: {  	v7 =	vld.idx.msk [tilespmem:v7+s2+$0x0], $0xffff  }
0x3bf: {  	v1 =	vld.idx.msk [tilespmem:v1+s2+$0x0], $0xffff;
	v4 =	vadd.f32 v4, v0  }
0x3c0: {  	v3 =	vld.idx.msk [tilespmem:v3+s2+$0x0], $0xffff;
	v6 =	vadd.f32 v6, v0  }
0x3c1: {  	v5 =	vld.idx.msk [tilespmem:v5+s2+$0x0], $0xffff;
	v8 =	vadd.f32 v8, v0;
	[tilespmem:s5+$0x1D0] =	vst v4  }
0x3c2: {  	[tilespmem:s5+$0xFFFFFED0] =	vst v6;
	v2 =	vadd.f32 v2, v0;
	v4 =	vld [tilespmem:s30+$0x1E0]  }
0x3c3: {  	[tilespmem:s5+$0xFFFFFF50] =	vst v8;
	v7 =	vadd.f32 v7, v0;
	v6 =	vld [tilespmem:s30+$0xFFFFFEE0]  }
0x3c4: {  	v8 =	vld [tilespmem:s30+$0xFFFFFF60];
	[tilespmem:s5+$0xFFFFFFD0] =	vst v2;
	v1 =	vadd.f32 v1, v0  }
0x3c5: {  	[tilespmem:s5+$0x50] =	vst v7;
	v3 =	vadd.f32 v3, v0;
	v2 =	vld [tilespmem:s30+$0xFFFFFFE0]  }
0x3c6: {  	v5 =	vadd.f32 v5, v0;
	v7 =	vld [tilespmem:s30+$0x60];
	[tilespmem:s5+$0xD0] =	vst v1  }
0x3c7: {  	[tilespmem:s5+$0x150] =	vst v3;
	v1 =	vld [tilespmem:s30+$0xE0]  }
0x3c8: {  	[tilespmem:s5+$0xFFFFFE50] =	vst v5;
	v3 =	vld [tilespmem:s30+$0x160]  }
0x3c9: {  	v5 =	vld [tilespmem:s30+$0xFFFFFE60]  }
0x3ca: {  	v4 =	vld.idx.msk [tilespmem:v4+s2+$0x0], $0xffff  }
0x3cb: {  	v6 =	vld.idx.msk [tilespmem:v6+s2+$0x0], $0xffff  }
0x3cc: {  	v8 =	vld.idx.msk [tilespmem:v8+s2+$0x0], $0xffff  }
0x3cd: {  	v2 =	vld.idx.msk [tilespmem:v2+s2+$0x0], $0xffff  }
0x3ce: {  	v7 =	vld.idx.msk [tilespmem:v7+s2+$0x0], $0xffff  }
0x3cf: {  	v1 =	vld.idx.msk [tilespmem:v1+s2+$0x0], $0xffff;
	v4 =	vadd.f32 v4, v0  }
0x3d0: {  	v3 =	vld.idx.msk [tilespmem:v3+s2+$0x0], $0xffff;
	v6 =	vadd.f32 v6, v0  }
0x3d1: {  	v9 =	vld.idx.msk [tilespmem:v5+s2+$0x0], $0xffff;
	v5 =	vadd.f32 v8, v0;
	[tilespmem:s5+$0x1E0] =	vst v4  }
0x3d2: {  	[tilespmem:s5+$0xFFFFFEE0] =	vst v6;
	v2 =	vadd.f32 v2, v0;
	v8 =	vld [tilespmem:s30+$0x1F0]  }
0x3d3: {  	[tilespmem:s5+$0xFFFFFF60] =	vst v5;
	v7 =	vadd.f32 v7, v0;
	v6 =	vld [tilespmem:s30+$0xFFFFFEF0]  }
0x3d4: {  	v5 =	vld [tilespmem:s30+$0xFFFFFF70];
	[tilespmem:s5+$0xFFFFFFE0] =	vst v2;
	v1 =	vadd.f32 v1, v0  }
0x3d5: {  	[tilespmem:s5+$0x60] =	vst v7;
	v7 =	vadd.f32 v3, v0;
	v4 =	vld [tilespmem:s30+$0xFFFFFFF0]  }
0x3d6: {  	v9 =	vadd.f32 v9, v0;
	v3 =	vld [tilespmem:s30+$0x70];
	[tilespmem:s5+$0xE0] =	vst v1  }
0x3d7: {  	[tilespmem:s5+$0x160] =	vst v7;
	v2 =	vld [tilespmem:s30+$0xF0]  }
0x3d8: {  	[tilespmem:s5+$0xFFFFFE60] =	vst v9;
	v1 =	vld [tilespmem:s30+$0x170]  }
0x3d9: {  	v7 =	vld [tilespmem:s30+$0xFFFFFE70]  }
0x3da: {  	s7 =	simm.s32 $0x0;
	s8 =	simm.s32 $0x19D68;
	s6 =	simm.s32 $0x1D968;
	v8 =	vld.idx.msk [tilespmem:v8+s2+$0x0], $0xffff  }
.LBB2_10:
0x3db: {  	v9 =	vld [tilespmem:s8+$0x180];
	s7 =	sadd.s32 $0x8, s7  }
0x3dc: {  	v10 =	vld [tilespmem:s8+$0xFFFFFE80];
	p1 =	slt.u32 s7, $0x18  }
0x3dd: {  	v11 =	vld [tilespmem:s8+$0xFFFFFF00]  }
0x3de: {  	v12 =	vld [tilespmem:s8+$0xFFFFFF80]  }
0x3df: {  	v13 =	vld [tilespmem:s8+$0x0]  }
0x3e0: {  	v8 =	vadd.f32 v8, v0;
	v14 =	vld [tilespmem:s8+$0x80]  }
0x3e1: {  	v15 =	vld [tilespmem:s8+$0x100]  }
0x3e2: {  	v16 =	vld [tilespmem:s8+$0xFFFFFE00];
	[tilespmem:s5+$0x1F0] =	vst v8  }
0x3e3: {  	v8 =	vld.idx.msk [tilespmem:v9+s2+$0x0], $0xffff  }
0x3e4: {  	v9 =	vld.idx.msk [tilespmem:v10+s2+$0x0], $0xffff  }
0x3e5: {  	v10 =	vld.idx.msk [tilespmem:v11+s2+$0x0], $0xffff  }
0x3e6: {  	v11 =	vld.idx.msk [tilespmem:v12+s2+$0x0], $0xffff  }
0x3e7: {  	v12 =	vld.idx.msk [tilespmem:v13+s2+$0x0], $0xffff  }
0x3e8: {  	v13 =	vld.idx.msk [tilespmem:v14+s2+$0x0], $0xffff  }
0x3e9: {  	v8 =	vadd.f32 v8, v0;
	v14 =	vld.idx.msk [tilespmem:v15+s2+$0x0], $0xffff  }
0x3ea: {  	s5 =	sadd.s32 $0x400, s5;
	v9 =	vadd.f32 v9, v0;
	v15 =	vld.idx.msk [tilespmem:v16+s2+$0x0], $0xffff  }
0x3eb: {  	v10 =	vadd.f32 v10, v0;
	[tilespmem:s5+$0x180] =	vst v8;
	v7 =	vld.idx.msk [tilespmem:v7+s2+$0x0], $0xffff  }
0x3ec: {  	v8 =	vadd.f32 v11, v0;
	[tilespmem:s5+$0xFFFFFE80] =	vst v9;
	v9 =	vld [tilespmem:s8+$0x190]  }
0x3ed: {  	v11 =	vld [tilespmem:s8+$0xFFFFFE90];
	[tilespmem:s5+$0xFFFFFF00] =	vst v10;
	v10 =	vadd.f32 v12, v0  }
0x3ee: {  	v12 =	vld [tilespmem:s8+$0xFFFFFF10];
	[tilespmem:s5+$0xFFFFFF80] =	vst v8;
	v8 =	vadd.f32 v13, v0  }
0x3ef: {  	v13 =	vld [tilespmem:s8+$0xFFFFFF90];
	[tilespmem:s5+$0x0] =	vst v10;
	v10 =	vadd.f32 v14, v0  }
0x3f0: {  	v14 =	vadd.f32 v15, v0;
	v15 =	vld [tilespmem:s8+$0x10];
	[tilespmem:s5+$0x80] =	vst v8  }
0x3f1: {  	v7 =	vadd.f32 v7, v0;
	v8 =	vld [tilespmem:s8+$0x90];
	[tilespmem:s5+$0x100] =	vst v10  }
0x3f2: {  	[tilespmem:s5+$0xFFFFFE00] =	vst v14;
	v10 =	vld [tilespmem:s8+$0x110]  }
0x3f3: {  	v14 =	vld [tilespmem:s8+$0xFFFFFE10];
	[tilespmem:s6+$0xFFFFFE70] =	vst v7  }
0x3f4: {  	v7 =	vld.idx.msk [tilespmem:v9+s2+$0x0], $0xffff  }
0x3f5: {  	v9 =	vld.idx.msk [tilespmem:v11+s2+$0x0], $0xffff  }
0x3f6: {  	v11 =	vld.idx.msk [tilespmem:v12+s2+$0x0], $0xffff  }
0x3f7: {  	v12 =	vld.idx.msk [tilespmem:v13+s2+$0x0], $0xffff  }
0x3f8: {  	v13 =	vld.idx.msk [tilespmem:v15+s2+$0x0], $0xffff  }
0x3f9: {  	v8 =	vld.idx.msk [tilespmem:v8+s2+$0x0], $0xffff  }
0x3fa: {  	v7 =	vadd.f32 v7, v0;
	v10 =	vld.idx.msk [tilespmem:v10+s2+$0x0], $0xffff  }
0x3fb: {  	v9 =	vadd.f32 v9, v0;
	v14 =	vld.idx.msk [tilespmem:v14+s2+$0x0], $0xffff  }
0x3fc: {  	v11 =	vadd.f32 v11, v0;
	[tilespmem:s5+$0x190] =	vst v7;
	v6 =	vld.idx.msk [tilespmem:v6+s2+$0x0], $0xffff  }
0x3fd: {  	v7 =	vadd.f32 v12, v0;
	[tilespmem:s5+$0xFFFFFE90] =	vst v9;
	v9 =	vld [tilespmem:s8+$0x1A0]  }
0x3fe: {  	v12 =	vld [tilespmem:s8+$0xFFFFFEA0];
	[tilespmem:s5+$0xFFFFFF10] =	vst v11;
	v11 =	vadd.f32 v13, v0  }
0x3ff: {  	v13 =	vld [tilespmem:s8+$0xFFFFFF20];
	[tilespmem:s5+$0xFFFFFF90] =	vst v7;
	v7 =	vadd.f32 v8, v0  }
0x400: {  	v10 =	vadd.f32 v10, v0;
	v8 =	vld [tilespmem:s8+$0xFFFFFFA0];
	[tilespmem:s5+$0x10] =	vst v11  }
0x401: {  	v11 =	vadd.f32 v14, v0;
	v14 =	vld [tilespmem:s8+$0x20];
	[tilespmem:s5+$0x90] =	vst v7  }
0x402: {  	v6 =	vadd.f32 v6, v0;
	v7 =	vld [tilespmem:s8+$0xA0];
	[tilespmem:s5+$0x110] =	vst v10  }
0x403: {  	[tilespmem:s5+$0xFFFFFE10] =	vst v11;
	v10 =	vld [tilespmem:s8+$0x120]  }
0x404: {  	v11 =	vld [tilespmem:s8+$0xFFFFFE20];
	[tilespmem:s6+$0xFFFFFEF0] =	vst v6  }
0x405: {  	v6 =	vld.idx.msk [tilespmem:v9+s2+$0x0], $0xffff  }
0x406: {  	v9 =	vld.idx.msk [tilespmem:v12+s2+$0x0], $0xffff  }
0x407: {  	v12 =	vld.idx.msk [tilespmem:v13+s2+$0x0], $0xffff  }
0x408: {  	v8 =	vld.idx.msk [tilespmem:v8+s2+$0x0], $0xffff  }
0x409: {  	v13 =	vld.idx.msk [tilespmem:v14+s2+$0x0], $0xffff  }
0x40a: {  	v7 =	vld.idx.msk [tilespmem:v7+s2+$0x0], $0xffff  }
0x40b: {  	v6 =	vadd.f32 v6, v0;
	v10 =	vld.idx.msk [tilespmem:v10+s2+$0x0], $0xffff  }
0x40c: {  	v9 =	vadd.f32 v9, v0;
	v11 =	vld.idx.msk [tilespmem:v11+s2+$0x0], $0xffff  }
0x40d: {  	v12 =	vadd.f32 v12, v0;
	[tilespmem:s5+$0x1A0] =	vst v6;
	v5 =	vld.idx.msk [tilespmem:v5+s2+$0x0], $0xffff  }
0x40e: {  	v6 =	vadd.f32 v8, v0;
	[tilespmem:s5+$0xFFFFFEA0] =	vst v9;
	v8 =	vld [tilespmem:s8+$0x1B0]  }
0x40f: {  	v9 =	vld [tilespmem:s8+$0xFFFFFEB0];
	[tilespmem:s5+$0xFFFFFF20] =	vst v12;
	v12 =	vadd.f32 v13, v0  }
0x410: {  	v13 =	vld [tilespmem:s8+$0xFFFFFF30];
	[tilespmem:s5+$0xFFFFFFA0] =	vst v6;
	v6 =	vadd.f32 v7, v0  }
0x411: {  	v10 =	vadd.f32 v10, v0;
	v7 =	vld [tilespmem:s8+$0xFFFFFFB0];
	[tilespmem:s5+$0x20] =	vst v12  }
0x412: {  	v11 =	vadd.f32 v11, v0;
	v12 =	vld [tilespmem:s8+$0x30];
	[tilespmem:s5+$0xA0] =	vst v6  }
0x413: {  	v5 =	vadd.f32 v5, v0;
	v6 =	vld [tilespmem:s8+$0xB0];
	[tilespmem:s5+$0x120] =	vst v10  }
0x414: {  	[tilespmem:s5+$0xFFFFFE20] =	vst v11;
	v10 =	vld [tilespmem:s8+$0x130]  }
0x415: {  	v11 =	vld [tilespmem:s8+$0xFFFFFE30];
	[tilespmem:s6+$0xFFFFFF70] =	vst v5  }
0x416: {  	v5 =	vld.idx.msk [tilespmem:v8+s2+$0x0], $0xffff  }
0x417: {  	v8 =	vld.idx.msk [tilespmem:v9+s2+$0x0], $0xffff  }
0x418: {  	v9 =	vld.idx.msk [tilespmem:v13+s2+$0x0], $0xffff  }
0x419: {  	v7 =	vld.idx.msk [tilespmem:v7+s2+$0x0], $0xffff  }
0x41a: {  	v12 =	vld.idx.msk [tilespmem:v12+s2+$0x0], $0xffff  }
0x41b: {  	v6 =	vld.idx.msk [tilespmem:v6+s2+$0x0], $0xffff  }
0x41c: {  	v5 =	vadd.f32 v5, v0;
	v10 =	vld.idx.msk [tilespmem:v10+s2+$0x0], $0xffff  }
0x41d: {  	v8 =	vadd.f32 v8, v0;
	v11 =	vld.idx.msk [tilespmem:v11+s2+$0x0], $0xffff  }
0x41e: {  	v9 =	vadd.f32 v9, v0;
	[tilespmem:s5+$0x1B0] =	vst v5;
	v4 =	vld.idx.msk [tilespmem:v4+s2+$0x0], $0xffff  }
0x41f: {  	v5 =	vadd.f32 v7, v0;
	[tilespmem:s5+$0xFFFFFEB0] =	vst v8;
	v7 =	vld [tilespmem:s8+$0x1C0]  }
0x420: {  	v8 =	vld [tilespmem:s8+$0xFFFFFEC0];
	[tilespmem:s5+$0xFFFFFF30] =	vst v9;
	v9 =	vadd.f32 v12, v0  }
0x421: {  	v12 =	vld [tilespmem:s8+$0xFFFFFF40];
	[tilespmem:s5+$0xFFFFFFB0] =	vst v5;
	v5 =	vadd.f32 v6, v0  }
0x422: {  	v6 =	vld [tilespmem:s8+$0xFFFFFFC0];
	[tilespmem:s5+$0x30] =	vst v9;
	v9 =	vadd.f32 v10, v0  }
0x423: {  	v10 =	vadd.f32 v11, v0;
	v11 =	vld [tilespmem:s8+$0x40];
	[tilespmem:s5+$0xB0] =	vst v5  }
0x424: {  	v4 =	vadd.f32 v4, v0;
	v5 =	vld [tilespmem:s8+$0xC0];
	[tilespmem:s5+$0x130] =	vst v9  }
0x425: {  	[tilespmem:s5+$0xFFFFFE30] =	vst v10;
	v9 =	vld [tilespmem:s8+$0x140]  }
0x426: {  	v10 =	vld [tilespmem:s8+$0xFFFFFE40];
	[tilespmem:s6+$0xFFFFFFF0] =	vst v4  }
0x427: {  	v4 =	vld.idx.msk [tilespmem:v7+s2+$0x0], $0xffff  }
0x428: {  	v7 =	vld.idx.msk [tilespmem:v8+s2+$0x0], $0xffff  }
0x429: {  	v8 =	vld.idx.msk [tilespmem:v12+s2+$0x0], $0xffff  }
0x42a: {  	v6 =	vld.idx.msk [tilespmem:v6+s2+$0x0], $0xffff  }
0x42b: {  	v11 =	vld.idx.msk [tilespmem:v11+s2+$0x0], $0xffff  }
0x42c: {  	v5 =	vld.idx.msk [tilespmem:v5+s2+$0x0], $0xffff  }
0x42d: {  	v4 =	vadd.f32 v4, v0;
	v9 =	vld.idx.msk [tilespmem:v9+s2+$0x0], $0xffff  }
0x42e: {  	v7 =	vadd.f32 v7, v0;
	v10 =	vld.idx.msk [tilespmem:v10+s2+$0x0], $0xffff  }
0x42f: {  	v8 =	vadd.f32 v8, v0;
	[tilespmem:s5+$0x1C0] =	vst v4;
	v3 =	vld.idx.msk [tilespmem:v3+s2+$0x0], $0xffff  }
0x430: {  	v4 =	vadd.f32 v6, v0;
	[tilespmem:s5+$0xFFFFFEC0] =	vst v7;
	v6 =	vld [tilespmem:s8+$0x1D0]  }
0x431: {  	v7 =	vld [tilespmem:s8+$0xFFFFFED0];
	[tilespmem:s5+$0xFFFFFF40] =	vst v8;
	v8 =	vadd.f32 v11, v0  }
0x432: {  	v11 =	vld [tilespmem:s8+$0xFFFFFF50];
	[tilespmem:s5+$0xFFFFFFC0] =	vst v4;
	v4 =	vadd.f32 v5, v0  }
0x433: {  	v5 =	vld [tilespmem:s8+$0xFFFFFFD0];
	[tilespmem:s5+$0x40] =	vst v8;
	v8 =	vadd.f32 v9, v0  }
0x434: {  	v9 =	vadd.f32 v10, v0;
	v10 =	vld [tilespmem:s8+$0x50];
	[tilespmem:s5+$0xC0] =	vst v4  }
0x435: {  	v3 =	vadd.f32 v3, v0;
	v4 =	vld [tilespmem:s8+$0xD0];
	[tilespmem:s5+$0x140] =	vst v8  }
0x436: {  	[tilespmem:s5+$0xFFFFFE40] =	vst v9;
	v8 =	vld [tilespmem:s8+$0x150]  }
0x437: {  	v9 =	vld [tilespmem:s8+$0xFFFFFE50];
	[tilespmem:s6+$0x70] =	vst v3  }
0x438: {  	v3 =	vld.idx.msk [tilespmem:v6+s2+$0x0], $0xffff  }
0x439: {  	v6 =	vld.idx.msk [tilespmem:v7+s2+$0x0], $0xffff  }
0x43a: {  	v7 =	vld.idx.msk [tilespmem:v11+s2+$0x0], $0xffff  }
0x43b: {  	v5 =	vld.idx.msk [tilespmem:v5+s2+$0x0], $0xffff  }
0x43c: {  	v10 =	vld.idx.msk [tilespmem:v10+s2+$0x0], $0xffff  }
0x43d: {  	v4 =	vld.idx.msk [tilespmem:v4+s2+$0x0], $0xffff  }
0x43e: {  	v3 =	vadd.f32 v3, v0;
	v8 =	vld.idx.msk [tilespmem:v8+s2+$0x0], $0xffff  }
0x43f: {  	v6 =	vadd.f32 v6, v0;
	v9 =	vld.idx.msk [tilespmem:v9+s2+$0x0], $0xffff  }
0x440: {  	v7 =	vadd.f32 v7, v0;
	[tilespmem:s5+$0x1D0] =	vst v3;
	v2 =	vld.idx.msk [tilespmem:v2+s2+$0x0], $0xffff  }
0x441: {  	v3 =	vadd.f32 v5, v0;
	[tilespmem:s5+$0xFFFFFED0] =	vst v6;
	v5 =	vld [tilespmem:s8+$0x1E0]  }
0x442: {  	v6 =	vld [tilespmem:s8+$0xFFFFFEE0];
	[tilespmem:s5+$0xFFFFFF50] =	vst v7;
	v7 =	vadd.f32 v10, v0  }
0x443: {  	v10 =	vld [tilespmem:s8+$0xFFFFFF60];
	[tilespmem:s5+$0xFFFFFFD0] =	vst v3;
	v3 =	vadd.f32 v4, v0  }
0x444: {  	v4 =	vld [tilespmem:s8+$0xFFFFFFE0];
	[tilespmem:s5+$0x50] =	vst v7;
	v7 =	vadd.f32 v8, v0  }
0x445: {  	v8 =	vadd.f32 v9, v0;
	v9 =	vld [tilespmem:s8+$0x60];
	[tilespmem:s5+$0xD0] =	vst v3  }
0x446: {  	v2 =	vadd.f32 v2, v0;
	v3 =	vld [tilespmem:s8+$0xE0];
	[tilespmem:s5+$0x150] =	vst v7  }
0x447: {  	[tilespmem:s5+$0xFFFFFE50] =	vst v8;
	v7 =	vld [tilespmem:s8+$0x160]  }
0x448: {  	v8 =	vld [tilespmem:s8+$0xFFFFFE60];
	[tilespmem:s6+$0xF0] =	vst v2  }
0x449: {  	v2 =	vld.idx.msk [tilespmem:v5+s2+$0x0], $0xffff  }
0x44a: {  	v5 =	vld.idx.msk [tilespmem:v6+s2+$0x0], $0xffff  }
0x44b: {  	v6 =	vld.idx.msk [tilespmem:v10+s2+$0x0], $0xffff  }
0x44c: {  	v4 =	vld.idx.msk [tilespmem:v4+s2+$0x0], $0xffff  }
0x44d: {  	v9 =	vld.idx.msk [tilespmem:v9+s2+$0x0], $0xffff  }
0x44e: {  	v3 =	vld.idx.msk [tilespmem:v3+s2+$0x0], $0xffff  }
0x44f: {  	v2 =	vadd.f32 v2, v0;
	v7 =	vld.idx.msk [tilespmem:v7+s2+$0x0], $0xffff  }
0x450: {  	v5 =	vadd.f32 v5, v0;
	v8 =	vld.idx.msk [tilespmem:v8+s2+$0x0], $0xffff  }
0x451: {  	v10 =	vadd.f32 v6, v0;
	[tilespmem:s5+$0x1E0] =	vst v2;
	v1 =	vld.idx.msk [tilespmem:v1+s2+$0x0], $0xffff  }
0x452: {  	v2 =	vadd.f32 v4, v0;
	[tilespmem:s5+$0xFFFFFEE0] =	vst v5;
	v11 =	vld [tilespmem:s8+$0x1F0]  }
0x453: {  	v9 =	vadd.f32 v9, v0;
	v6 =	vld [tilespmem:s8+$0xFFFFFEF0];
	[tilespmem:s5+$0xFFFFFF60] =	vst v10  }
0x454: {  	v5 =	vld [tilespmem:s8+$0xFFFFFF70];
	[tilespmem:s5+$0xFFFFFFE0] =	vst v2;
	v2 =	vadd.f32 v3, v0  }
0x455: {  	v7 =	vadd.f32 v7, v0;
	v4 =	vld [tilespmem:s8+$0xFFFFFFF0];
	[tilespmem:s5+$0x60] =	vst v9  }
.Ltmp3:
0x456: {  	v8 =	vadd.f32 v8, v0;
	v3 =	vld [tilespmem:s8+$0x70];
	[tilespmem:s5+$0xE0] =	vst v2;
	(pc) =	sbr.rel @p1 .LBB2_10-.Ltmp3, $4  }
0x457: {  	v9 =	vadd.f32 v1, v0;
	v2 =	vld [tilespmem:s8+$0xF0];
	[tilespmem:s5+$0x160] =	vst v7  }
0x458: {  	[tilespmem:s5+$0xFFFFFE60] =	vst v8;
	v1 =	vld [tilespmem:s8+$0x170]  }
0x459: {  	v7 =	vld [tilespmem:s8+$0xFFFFFE70];
	[tilespmem:s6+$0x170] =	vst v9;
	s6 =	smov.u32 s5  }
0x45a: {  	s8 =	sadd.s32 $0x400, s8;
	v8 =	vld.idx.msk [tilespmem:v11+s2+$0x0], $0xffff  }
0x45b: {  	_ =	sdelay $0x3  }
0x45c: {  	v6 =	vld.idx.msk [tilespmem:v6+s2+$0x0], $0xffff  }
0x45d: {  	v5 =	vld.idx.msk [tilespmem:v5+s2+$0x0], $0xffff  }
0x45e: {  	v4 =	vld.idx.msk [tilespmem:v4+s2+$0x0], $0xffff  }
0x45f: {  	v3 =	vld.idx.msk [tilespmem:v3+s2+$0x0], $0xffff  }
0x460: {  	v2 =	vld.idx.msk [tilespmem:v2+s2+$0x0], $0xffff;
	v8 =	vadd.f32 v8, v0  }
0x461: {  	v1 =	vld.idx.msk [tilespmem:v1+s2+$0x0], $0xffff;
	v6 =	vadd.f32 v6, v0  }
0x462: {  	v7 =	vld.idx.msk [tilespmem:v7+s2+$0x0], $0xffff;
	v5 =	vadd.f32 v5, v0;
	[tilespmem:s5+$0x1F0] =	vst v8  }
0x463: {  	s31 =	sadd.s32 $0x1, s31;
	v4 =	vadd.f32 v4, v0;
	[tilespmem:s6+$0xFFFFFEF0] =	vst v6  }
0x464: {  	p1 =	sne.s32 s31, $0x32;
	v3 =	vadd.f32 v3, v0;
	[tilespmem:s6+$0xFFFFFF70] =	vst v5  }
.Ltmp4:
0x465: {  	v2 =	vadd.f32 v2, v0;
	[tilespmem:s6+$0xFFFFFFF0] =	vst v4;
	(pc) =	sbr.rel @p1 .LBB2_3-.Ltmp4, $4  }
0x466: {  	[tilespmem:s6+$0x70] =	vst v3;
	v63 =	vadd.f32 v1, v0  }
0x467: {  	v7 =	vadd.f32 v7, v0;
	[tilespmem:s6+$0xF0] =	vst v2  }
0x468: {  	[tilespmem:s6+$0x170] =	vst v63  }
0x469: {  	[tilespmem:s6+$0xFFFFFE70] =	vst v7  }
0x46a: {  	_ =	swait.ge [sflag:s24], $0x1000  }
0x46b: {  	[sflag:s24] =	ssyncset.done $0x0  }
0x46c: {  	[sflag:s24] =	ssyncadd.s32 $0xFFFFF000  }
0x46d: {  	_ =	swait.ge [sflag:s25], $0x1000  }
0x46e: {  	[sflag:s25] =	ssyncset.done $0x0  }
0x46f: {  	[sflag:s25] =	ssyncadd.s32 $0xFFFFF000  }
0x470: {  	s0 =	sshll.u32 s0, $0x4;
	_ =	swait.ge [sflag:s26], $0x1000  }
0x471: {  	s31 =	simm.s32 $0x1D768;
	[sflag:s26] =	ssyncset.done $0x0;
	s3 =	rddreg [dreg:$0x6]  }
.Ltmp5:
0x472: {  	[sflag:s26] =	ssyncadd.s32 $0xFFFFF000;
	s0 =	sadd.s32 s0, s3;
	(pc) =	sbr.rel @p0 .LBB2_2-.Ltmp5, $4  }
0x473: {  	[hbm4b:s0+s19] =	stream.strided.scatter [tilespmem:s31], [sflag:$0x6], $0x1000, s20, s19, $0x38;
	[tilespmem:$0x1E768] =	vst v63  }
0x474: {  	_ =	swait.ge [sflag:s29], $0x1000  }
0x475: {  	[sflag:s29] =	ssyncset.done $0x0  }
0x476: {  	p1 =	por $0x0, $0x0;
	s0 =	simm.s32 $0x1;
	[sflag:s29] =	ssyncadd.s32 $0xFFFFF000  }
0x477: {  	s3 =	rddreg [dreg:$0x9]  }
0x478: {  	s0 =	rddreg [dreg:$0x7];
	s3 =	sadd.s32 $0x1, s3  }
0x479: {  	p0 =	sne.s32 s3, s0  }
.Ltmp6:
0x47a: {  	_ = 	snop;
	(pc) =	sbr.rel @p0 .LBB2_1-.Ltmp6, $1  }
0x47b: {  	_ =	sdelay $0x3  }
0x47c: {  	_ =	sfence.sel $0x180000  }
0x47d: {  	[bflag:$0x0] =	sbarrier.arrive $0xFFFF  }
0x47e: {  	_ =	strace $0x90000047  }
0x47f: {  	s0 =	stileid.u32;
	[bflag:$0x2] =	sbarrier.arrive $0xFFFF  }
0x480: {  	p0 =	sne.s32 s0, $0x0;
	s0 =	rddreg [dreg:$0x2]  }
0x481: {  	s0 =	sadd.s32 @!p0 $0x100000, s0  }
0x482: {  	[sflag:s0] =	ssyncadd.tile.s32 @!p0 $0x1;
	_ =	shalt  }
.Lfunc_end2:
_tile_overlayer_lowered:
.L_overlay_start_2:
0x483: {  	(tag) =	ssettag $0x2  }
0x484: {  	s0 =	rddreg [dreg:$0x0];
	s2 =	stileid.u32  }
0x485: {  	s1 =	rddreg [dreg:$0x1];
	p0 =	sne.s32 s2, $0x0  }
0x486: {  	s3 =	rddreg [dreg:$0x2];
	[bflag:$0x3] =	sbarrier.arrive $0xFFFF;
	s2 =	simm.s32 @!p0 $0x1C07  }
0x487: {  	[timem:s3], [sflag:s2] =	dma.local @!p0 [hbm:s0], s1  }
0x488: {  	s0 =	simm.s32 @!p0 $0x7  }
0x489: {  	_ =	swait.ge @!p0 [sflag:s0], s1  }
0x48a: {  	s1 =	ssub.s32 @!p0 $0x0, s1;
	[sflag:s0] =	ssyncset.done @!p0 $0x0  }
0x48b: {  	[sflag:s0] =	ssyncadd.s32 @!p0 s1  }
0x48c: {  	[bflag:$0x3] =	sbarrier.arrive $0xFFFF  }
0x48d: {  	_ =	shalt  }

</sc_bundles>
